<compile_context>
chip_gen: v7x
topology: tpu7x:2x2x1
jax: 0.10.2.dev20260603
libtpu: 0.0.44.dev20260713+nightly
codegen_flags: <defaults>
</compile_context>

<pallas_src>
import functools

import jax
import jax.numpy as jnp
from jax import lax
from jax.experimental import pallas as pl
from jax.experimental.pallas import tpu as pltpu
from jax.experimental.pallas import tpu_sc as plsc

HIDDEN = 64
VOCAB = 1000000
B, L = 1024, 200
ROWS = B * L
NW = 32
RPW = ROWS // NW
CH = 64
NCH = RPW // CH
NB = 5
NBLK = NCH // NB
BB = 32
TBLK = 2048


def _tr_body(x_ref, o_ref):
    x = x_ref[...]
    xt = jnp.transpose(x, (1, 0))
    o_ref[...] = jnp.concatenate(
        [xt, jnp.zeros((TBLK, 128 - HIDDEN), jnp.float32)], axis=-1)


def _tc_transpose(wt_t):
    grid = (VOCAB + TBLK - 1) // TBLK
    return pl.pallas_call(
        _tr_body,
        grid=(grid,),
        in_specs=[pl.BlockSpec((HIDDEN, TBLK), lambda i: (0, i))],
        out_specs=pl.BlockSpec((TBLK, 128), lambda i: (i, 0)),
        out_shape=jax.ShapeDtypeStruct((VOCAB, 128), jnp.float32),
    )(wt_t)


@functools.cache
def _make_sc_gather():
    mesh = plsc.VectorSubcoreMesh(core_axis_name="c", subcore_axis_name="s")

    @functools.partial(
        pl.kernel,
        mesh=mesh,
        out_type=jax.ShapeDtypeStruct((ROWS, 128), jnp.float32),
        scratch_types=[
            pltpu.VMEM((NCH, CH), jnp.int32),
            pltpu.VMEM((2, NB, CH, 128), jnp.float32),
            pltpu.SemaphoreType.DMA((2, NB)),
            pltpu.SemaphoreType.DMA((2, NB)),
        ],
    )
    def gather_k(ids_hbm, table_hbm, out_hbm, idx_v, rows_v, gsems, wsems):
        wid = lax.axis_index("s") * 2 + lax.axis_index("c")
        pltpu.sync_copy(ids_hbm.at[wid], idx_v)
        base = wid * RPW

        def fire(j, s, b):
            return pltpu.async_copy(
                table_hbm.at[idx_v.at[j]], rows_v.at[s, b], gsems.at[s, b])

        def write(j, s, b):
            pltpu.async_copy(
                rows_v.at[s, b], out_hbm.at[pl.ds(base + j * CH, CH)],
                wsems.at[s, b])

        def wait_write(s, b):
            pltpu.make_async_copy(
                rows_v.at[s, b], out_hbm.at[pl.ds(base, CH)],
                wsems.at[s, b]).wait()

        def do_block(k, s, reuse):
            if reuse:
                for b in range(NB):
                    wait_write(s, b)
            copies = [fire(k * NB + b, s, b) for b in range(NB)]
            for b in range(NB):
                copies[b].wait()
                write(k * NB + b, s, b)

        do_block(0, 0, False)
        do_block(1, 1, False)

        def body(i, carry):
            k = 2 * i + 2
            do_block(k, 0, True)
            do_block(k + 1, 1, True)
            return carry

        lax.fori_loop(0, (NBLK - 2) // 2, body, 0)

        for s in range(2):
            for b in range(NB):
                wait_write(s, b)

    return gather_k


def _ln_body(x_ref, pos_ref, g_ref, b_ref, o_ref):
    x = x_ref[...][..., :HIDDEN] + pos_ref[...][None, :, :]
    mean = jnp.mean(x, axis=-1, keepdims=True)
    var = jnp.mean(jnp.square(x - mean), axis=-1, keepdims=True)
    y = (x - mean) * lax.rsqrt(var + 1e-5)
    o_ref[...] = y * g_ref[...][None, :, :] + b_ref[...][None, :, :]


def _tc_ln(x3, pos, gamma, beta):
    return pl.pallas_call(
        _ln_body,
        grid=(B // BB,),
        in_specs=[
            pl.BlockSpec((BB, L, 128), lambda i: (i, 0, 0)),
            pl.BlockSpec((L, HIDDEN), lambda i: (0, 0)),
            pl.BlockSpec((1, HIDDEN), lambda i: (0, 0)),
            pl.BlockSpec((1, HIDDEN), lambda i: (0, 0)),
        ],
        out_specs=pl.BlockSpec((BB, L, HIDDEN), lambda i: (i, 0, 0)),
        out_shape=jax.ShapeDtypeStruct((B, L, HIDDEN), jnp.float32),
    )(x3, pos, gamma, beta)


def kernel(input_ids, word_table, pos_table, ln_gamma, ln_beta):
    ids = input_ids.astype(jnp.int32).reshape(NW, NCH, CH)
    tab128 = _tc_transpose(word_table.T)
    gathered = _make_sc_gather()(ids, tab128)
    x3 = gathered.reshape(B, L, 128)
    pos = pos_table[:L]
    return _tc_ln(x3, pos, ln_gamma.reshape(1, HIDDEN), ln_beta.reshape(1, HIDDEN))

# --- scband reference (transcript-rebuilt; emitter-appended) ---
"""Pipeline reference for scband-embedding-34059090657899 (READ-ONLY COPY).

The authoritative reference and input builder live on the scoring server;
editing this copy changes nothing except your own understanding.
"""

import jax, jax.numpy as jnp
import numpy as np

VOCAB = 1000000
HIDDEN = 64
MAX_POS = 512
B, L = 1024, 200

def setup_inputs(seed: int = 0) -> dict:
    key = jax.random.key(seed)
    k1, k2, k3 = jax.random.split(key, 3)
    input_ids = jax.random.randint(k1, (B, L), 0, VOCAB, dtype=jnp.int64) if jax.config.read('jax_enable_x64') else jax.random.randint(k1, (B, L), 0, VOCAB).astype(jnp.int32)
    word_table = jax.random.normal(k2, (VOCAB, HIDDEN), dtype=jnp.float32)
    pos_table = jax.random.normal(k3, (MAX_POS, HIDDEN), dtype=jnp.float32)
    ln_gamma = jnp.ones((HIDDEN,), dtype=jnp.float32)
    ln_beta = jnp.zeros((HIDDEN,), dtype=jnp.float32)
    return {"input_ids": input_ids, "word_table": word_table, "pos_table": pos_table, "ln_gamma": ln_gamma, "ln_beta": ln_beta}

def _layer_norm(x, gamma, beta, eps=1e-5):
    mean = jnp.mean(x, axis=-1, keepdims=True)
    var = jnp.mean(jnp.square(x - mean), axis=-1, keepdims=True)
    return (x - mean) / jnp.sqrt(var + eps) * gamma + beta

def reference(input_ids, word_table, pos_table, ln_gamma, ln_beta):
    seq_len = input_ids.shape[1]
    position_ids = jnp.arange(seq_len, dtype=input_ids.dtype)
    position_ids = jnp.broadcast_to(position_ids[None, :], input_ids.shape)
    words_embedding = jnp.take(word_table, input_ids, axis=0)
    position_embedding = jnp.take(pos_table, position_ids, axis=0)
    embeddings = words_embedding + position_embedding
    embeddings = _layer_norm(embeddings, ln_gamma, ln_beta)
    # dropout is identity in eval mode
    return embeddings

if __name__ == "__main__":
    import jax
    _d = setup_inputs()
    print(jax.jit(kernel)(*tuple(_d.values())))

</pallas_src>

<mosaic_0001>
#map = affine_map<(d0, d1) -> (0, 0, 0)>
#map1 = affine_map<(d0, d1) -> (0, 0)>
module attributes {stable_mosaic.version = 14 : i64} {
  func.func @gather_k(%arg0: i32, %arg1: i32, %arg2: memref<32x100x64xi32, #tpu.memory_space<hbm>>, %arg3: memref<1000000x128xf32, #tpu.memory_space<hbm>>, %arg4: memref<204800x128xf32, #tpu.memory_space<hbm>>, %arg5: memref<100x64xi32, #tpu.memory_space<vmem>>, %arg6: memref<2x5x64x128xf32, #tpu.memory_space<vmem>>, %arg7: memref<2x5x!tpu.dma_semaphore, #tpu.memory_space<semaphore_mem>>, %arg8: memref<2x5x!tpu.dma_semaphore, #tpu.memory_space<semaphore_mem>>) attributes {dimension_semantics = [#tpu.dimension_semantics<core_parallel>, #tpu.dimension_semantics<subcore_parallel>], iteration_bounds = array<i64: 2, 16>, scalar_prefetch = 0 : i64, scratch_operands = 4 : i64, tpu.core_type = #tpu.core_type<sc_vector_subcore>, window_params = [{transform_indices = #map}, {transform_indices = #map1}, {transform_indices = #map1}]} {
    %mul3A = arith.constant 2 : i32
    %mul3A_0 = arith.muli %arg1, %mul3A : i32
    %add3A = arith.addi %mul3A_0, %arg0 : i32
    "tpu.region"() ({
      %run_scoped3A = tpu.sem_alloc : memref<!tpu.dma_semaphore, #tpu.memory_space<semaphore_mem>>
      %dma_start3A_726 = arith.constant 0 : i32
      %dma_start3A_727 = arith.constant 0 : i32
      %dma_start3A_728 = tpu.memref_slice %arg2[%add3A, %dma_start3A_726, %dma_start3A_727] : memref<32x100x64xi32, #tpu.memory_space<hbm>> -> memref<1x100x64xi32, #tpu.memory_space<hbm>>
      %dma_start3A_729 = tpu.memref_squeeze %dma_start3A_728 : memref<1x100x64xi32, #tpu.memory_space<hbm>> -> memref<100x64xi32, #tpu.memory_space<hbm>>
      %dma_start3A_730 = arith.constant 0 : i32
      %dma_start3A_731 = arith.constant 0 : i32
      %dma_start3A_732 = tpu.memref_slice %arg2[%add3A, %dma_start3A_730, %dma_start3A_731] : memref<32x100x64xi32, #tpu.memory_space<hbm>> -> memref<1x100x64xi32, #tpu.memory_space<hbm>>
      %dma_start3A_733 = tpu.memref_squeeze %dma_start3A_732 : memref<1x100x64xi32, #tpu.memory_space<hbm>> -> memref<100x64xi32, #tpu.memory_space<hbm>>
      tpu.enqueue_dma source(%dma_start3A_733 : memref<100x64xi32, #tpu.memory_space<hbm>>) target(%arg5 : memref<100x64xi32, #tpu.memory_space<vmem>>) target_semaphore(%run_scoped3A : memref<!tpu.dma_semaphore, #tpu.memory_space<semaphore_mem>>)
      %dma_wait3A_734 = arith.constant 0 : i32
      %dma_wait3A_735 = arith.constant 0 : i32
      %dma_wait3A_736 = tpu.memref_slice %arg2[%add3A, %dma_wait3A_734, %dma_wait3A_735] : memref<32x100x64xi32, #tpu.memory_space<hbm>> -> memref<1x100x64xi32, #tpu.memory_space<hbm>>
      %dma_wait3A_737 = tpu.memref_squeeze %dma_wait3A_736 : memref<1x100x64xi32, #tpu.memory_space<hbm>> -> memref<100x64xi32, #tpu.memory_space<hbm>>
      %dma_wait3A_738 = arith.constant 0 : i32
      %dma_wait3A_739 = arith.constant 0 : i32
      %dma_wait3A_740 = tpu.memref_slice %arg2[%add3A, %dma_wait3A_738, %dma_wait3A_739] : memref<32x100x64xi32, #tpu.memory_space<hbm>> -> memref<1x100x64xi32, #tpu.memory_space<hbm>>
      %dma_wait3A_741 = tpu.memref_squeeze %dma_wait3A_740 : memref<1x100x64xi32, #tpu.memory_space<hbm>> -> memref<100x64xi32, #tpu.memory_space<hbm>>
      tpu.wait_dma2 semaphore(%run_scoped3A : memref<!tpu.dma_semaphore, #tpu.memory_space<semaphore_mem>>) src(%dma_wait3A_741 : memref<100x64xi32, #tpu.memory_space<hbm>>) dst(%arg5 : memref<100x64xi32, #tpu.memory_space<vmem>>)
      tpu.yield
    }) : () -> ()
    %mul3A_1 = arith.constant 6400 : i32
    %mul3A_2 = arith.muli %add3A, %mul3A_1 : i32
    %dma_start3A = arith.constant 0 : i32
    %dma_start3A_3 = arith.constant 0 : i32
    %dma_start3A_4 = arith.constant 0 : i32
    %dma_start3A_5 = arith.constant 0 : i32
    %dma_start3A_6 = arith.constant 0 : i32
    %dma_start3A_7 = arith.constant 0 : i32
    %dma_start3A_8 = arith.constant 0 : i32
    %dma_start3A_9 = tpu.memref_slice %arg6[%dma_start3A_3, %dma_start3A_4, %dma_start3A_7, %dma_start3A_8] : memref<2x5x64x128xf32, #tpu.memory_space<vmem>> -> memref<1x1x64x128xf32, #tpu.memory_space<vmem>>
    %dma_start3A_10 = tpu.memref_squeeze %dma_start3A_9 : memref<1x1x64x128xf32, #tpu.memory_space<vmem>> -> memref<64x128xf32, #tpu.memory_space<vmem>>
    %dma_start3A_11 = arith.constant 0 : i32
    %dma_start3A_12 = tpu.memref_slice %arg5[%dma_start3A, %dma_start3A_11] : memref<100x64xi32, #tpu.memory_space<vmem>> -> memref<1x64xi32, #tpu.memory_space<vmem>>
    %dma_start3A_13 = tpu.memref_squeeze %dma_start3A_12 : memref<1x64xi32, #tpu.memory_space<vmem>> -> memref<64xi32, #tpu.memory_space<vmem>>
    %dma_start3A_14 = arith.constant 0 : i32
    %dma_start3A_15 = arith.constant 0 : i32
    %dma_start3A_16 = tpu.memref_slice %arg3[%dma_start3A_14, %dma_start3A_15] : memref<1000000x128xf32, #tpu.memory_space<hbm>> -> memref<1000000x128xf32, #tpu.memory_space<hbm>>
    %dma_start3A_17 = tpu.memref_slice %arg7[%dma_start3A_5, %dma_start3A_6] : memref<2x5x!tpu.dma_semaphore, #tpu.memory_space<semaphore_mem>> -> memref<1x1x!tpu.dma_semaphore, #tpu.memory_space<semaphore_mem>>
    %dma_start3A_18 = tpu.memref_squeeze %dma_start3A_17 : memref<1x1x!tpu.dma_semaphore, #tpu.memory_space<semaphore_mem>> -> memref<!tpu.dma_semaphore, #tpu.memory_space<semaphore_mem>>
    tpu.enqueue_indirect_dma source(%dma_start3A_16 : memref<1000000x128xf32, #tpu.memory_space<hbm>>) target(%dma_start3A_10 : memref<64x128xf32, #tpu.memory_space<vmem>>) offsets(%dma_start3A_13 : memref<64xi32, #tpu.memory_space<vmem>>) semaphore(%dma_start3A_18 : memref<!tpu.dma_semaphore, #tpu.memory_space<semaphore_mem>>)
    %dma_start3A_19 = arith.constant 1 : i32
    %dma_start3A_20 = arith.constant 0 : i32
    %dma_start3A_21 = arith.constant 1 : i32
    %dma_start3A_22 = arith.constant 0 : i32
    %dma_start3A_23 = arith.constant 1 : i32
    %dma_start3A_24 = arith.constant 0 : i32
    %dma_start3A_25 = arith.constant 0 : i32
    %dma_start3A_26 = tpu.memref_slice %arg6[%dma_start3A_20, %dma_start3A_21, %dma_start3A_24, %dma_start3A_25] : memref<2x5x64x128xf32, #tpu.memory_space<vmem>> -> memref<1x1x64x128xf32, #tpu.memory_space<vmem>>
    %dma_start3A_27 = tpu.memref_squeeze %dma_start3A_26 : memref<1x1x64x128xf32, #tpu.memory_space<vmem>> -> memref<64x128xf32, #tpu.memory_space<vmem>>
    %dma_start3A_28 = arith.constant 0 : i32
    %dma_start3A_29 = tpu.memref_slice %arg5[%dma_start3A_19, %dma_start3A_28] : memref<100x64xi32, #tpu.memory_space<vmem>> -> memref<1x64xi32, #tpu.memory_space<vmem>>
    %dma_start3A_30 = tpu.memref_squeeze %dma_start3A_29 : memref<1x64xi32, #tpu.memory_space<vmem>> -> memref<64xi32, #tpu.memory_space<vmem>>
    %dma_start3A_31 = arith.constant 0 : i32
    %dma_start3A_32 = arith.constant 0 : i32
    %dma_start3A_33 = tpu.memref_slice %arg3[%dma_start3A_31, %dma_start3A_32] : memref<1000000x128xf32, #tpu.memory_space<hbm>> -> memref<1000000x128xf32, #tpu.memory_space<hbm>>
    %dma_start3A_34 = tpu.memref_slice %arg7[%dma_start3A_22, %dma_start3A_23] : memref<2x5x!tpu.dma_semaphore, #tpu.memory_space<semaphore_mem>> -> memref<1x1x!tpu.dma_semaphore, #tpu.memory_space<semaphore_mem>>
    %dma_start3A_35 = tpu.memref_squeeze %dma_start3A_34 : memref<1x1x!tpu.dma_semaphore, #tpu.memory_space<semaphore_mem>> -> memref<!tpu.dma_semaphore, #tpu.memory_space<semaphore_mem>>
    tpu.enqueue_indirect_dma source(%dma_start3A_33 : memref<1000000x128xf32, #tpu.memory_space<hbm>>) target(%dma_start3A_27 : memref<64x128xf32, #tpu.memory_space<vmem>>) offsets(%dma_start3A_30 : memref<64xi32, #tpu.memory_space<vmem>>) semaphore(%dma_start3A_35 : memref<!tpu.dma_semaphore, #tpu.memory_space<semaphore_mem>>)
    %dma_start3A_36 = arith.constant 2 : i32
    %dma_start3A_37 = arith.constant 0 : i32
    %dma_start3A_38 = arith.constant 2 : i32
    %dma_start3A_39 = arith.constant 0 : i32
    %dma_start3A_40 = arith.constant 2 : i32
    %dma_start3A_41 = arith.constant 0 : i32
    %dma_start3A_42 = arith.constant 0 : i32
    %dma_start3A_43 = tpu.memref_slice %arg6[%dma_start3A_37, %dma_start3A_38, %dma_start3A_41, %dma_start3A_42] : memref<2x5x64x128xf32, #tpu.memory_space<vmem>> -> memref<1x1x64x128xf32, #tpu.memory_space<vmem>>
    %dma_start3A_44 = tpu.memref_squeeze %dma_start3A_43 : memref<1x1x64x128xf32, #tpu.memory_space<vmem>> -> memref<64x128xf32, #tpu.memory_space<vmem>>
    %dma_start3A_45 = arith.constant 0 : i32
    %dma_start3A_46 = tpu.memref_slice %arg5[%dma_start3A_36, %dma_start3A_45] : memref<100x64xi32, #tpu.memory_space<vmem>> -> memref<1x64xi32, #tpu.memory_space<vmem>>
    %dma_start3A_47 = tpu.memref_squeeze %dma_start3A_46 : memref<1x64xi32, #tpu.memory_space<vmem>> -> memref<64xi32, #tpu.memory_space<vmem>>
    %dma_start3A_48 = arith.constant 0 : i32
    %dma_start3A_49 = arith.constant 0 : i32
    %dma_start3A_50 = tpu.memref_slice %arg3[%dma_start3A_48, %dma_start3A_49] : memref<1000000x128xf32, #tpu.memory_space<hbm>> -> memref<1000000x128xf32, #tpu.memory_space<hbm>>
    %dma_start3A_51 = tpu.memref_slice %arg7[%dma_start3A_39, %dma_start3A_40] : memref<2x5x!tpu.dma_semaphore, #tpu.memory_space<semaphore_mem>> -> memref<1x1x!tpu.dma_semaphore, #tpu.memory_space<semaphore_mem>>
    %dma_start3A_52 = tpu.memref_squeeze %dma_start3A_51 : memref<1x1x!tpu.dma_semaphore, #tpu.memory_space<semaphore_mem>> -> memref<!tpu.dma_semaphore, #tpu.memory_space<semaphore_mem>>
    tpu.enqueue_indirect_dma source(%dma_start3A_50 : memref<1000000x128xf32, #tpu.memory_space<hbm>>) target(%dma_start3A_44 : memref<64x128xf32, #tpu.memory_space<vmem>>) offsets(%dma_start3A_47 : memref<64xi32, #tpu.memory_space<vmem>>) semaphore(%dma_start3A_52 : memref<!tpu.dma_semaphore, #tpu.memory_space<semaphore_mem>>)
    %dma_start3A_53 = arith.constant 3 : i32
    %dma_start3A_54 = arith.constant 0 : i32
    %dma_start3A_55 = arith.constant 3 : i32
    %dma_start3A_56 = arith.constant 0 : i32
    %dma_start3A_57 = arith.constant 3 : i32
    %dma_start3A_58 = arith.constant 0 : i32
    %dma_start3A_59 = arith.constant 0 : i32
    %dma_start3A_60 = tpu.memref_slice %arg6[%dma_start3A_54, %dma_start3A_55, %dma_start3A_58, %dma_start3A_59] : memref<2x5x64x128xf32, #tpu.memory_space<vmem>> -> memref<1x1x64x128xf32, #tpu.memory_space<vmem>>
    %dma_start3A_61 = tpu.memref_squeeze %dma_start3A_60 : memref<1x1x64x128xf32, #tpu.memory_space<vmem>> -> memref<64x128xf32, #tpu.memory_space<vmem>>
    %dma_start3A_62 = arith.constant 0 : i32
    %dma_start3A_63 = tpu.memref_slice %arg5[%dma_start3A_53, %dma_start3A_62] : memref<100x64xi32, #tpu.memory_space<vmem>> -> memref<1x64xi32, #tpu.memory_space<vmem>>
    %dma_start3A_64 = tpu.memref_squeeze %dma_start3A_63 : memref<1x64xi32, #tpu.memory_space<vmem>> -> memref<64xi32, #tpu.memory_space<vmem>>
    %dma_start3A_65 = arith.constant 0 : i32
    %dma_start3A_66 = arith.constant 0 : i32
    %dma_start3A_67 = tpu.memref_slice %arg3[%dma_start3A_65, %dma_start3A_66] : memref<1000000x128xf32, #tpu.memory_space<hbm>> -> memref<1000000x128xf32, #tpu.memory_space<hbm>>
    %dma_start3A_68 = tpu.memref_slice %arg7[%dma_start3A_56, %dma_start3A_57] : memref<2x5x!tpu.dma_semaphore, #tpu.memory_space<semaphore_mem>> -> memref<1x1x!tpu.dma_semaphore, #tpu.memory_space<semaphore_mem>>
    %dma_start3A_69 = tpu.memref_squeeze %dma_start3A_68 : memref<1x1x!tpu.dma_semaphore, #tpu.memory_space<semaphore_mem>> -> memref<!tpu.dma_semaphore, #tpu.memory_space<semaphore_mem>>
    tpu.enqueue_indirect_dma source(%dma_start3A_67 : memref<1000000x128xf32, #tpu.memory_space<hbm>>) target(%dma_start3A_61 : memref<64x128xf32, #tpu.memory_space<vmem>>) offsets(%dma_start3A_64 : memref<64xi32, #tpu.memory_space<vmem>>) semaphore(%dma_start3A_69 : memref<!tpu.dma_semaphore, #tpu.memory_space<semaphore_mem>>)
    %dma_start3A_70 = arith.constant 4 : i32
    %dma_start3A_71 = arith.constant 0 : i32
    %dma_start3A_72 = arith.constant 4 : i32
    %dma_start3A_73 = arith.constant 0 : i32
    %dma_start3A_74 = arith.constant 4 : i32
    %dma_start3A_75 = arith.constant 0 : i32
    %dma_start3A_76 = arith.constant 0 : i32
    %dma_start3A_77 = tpu.memref_slice %arg6[%dma_start3A_71, %dma_start3A_72, %dma_start3A_75, %dma_start3A_76] : memref<2x5x64x128xf32, #tpu.memory_space<vmem>> -> memref<1x1x64x128xf32, #tpu.memory_space<vmem>>
    %dma_start3A_78 = tpu.memref_squeeze %dma_start3A_77 : memref<1x1x64x128xf32, #tpu.memory_space<vmem>> -> memref<64x128xf32, #tpu.memory_space<vmem>>
    %dma_start3A_79 = arith.constant 0 : i32
    %dma_start3A_80 = tpu.memref_slice %arg5[%dma_start3A_70, %dma_start3A_79] : memref<100x64xi32, #tpu.memory_space<vmem>> -> memref<1x64xi32, #tpu.memory_space<vmem>>
    %dma_start3A_81 = tpu.memref_squeeze %dma_start3A_80 : memref<1x64xi32, #tpu.memory_space<vmem>> -> memref<64xi32, #tpu.memory_space<vmem>>
    %dma_start3A_82 = arith.constant 0 : i32
    %dma_start3A_83 = arith.constant 0 : i32
    %dma_start3A_84 = tpu.memref_slice %arg3[%dma_start3A_82, %dma_start3A_83] : memref<1000000x128xf32, #tpu.memory_space<hbm>> -> memref<1000000x128xf32, #tpu.memory_space<hbm>>
    %dma_start3A_85 = tpu.memref_slice %arg7[%dma_start3A_73, %dma_start3A_74] : memref<2x5x!tpu.dma_semaphore, #tpu.memory_space<semaphore_mem>> -> memref<1x1x!tpu.dma_semaphore, #tpu.memory_space<semaphore_mem>>
    %dma_start3A_86 = tpu.memref_squeeze %dma_start3A_85 : memref<1x1x!tpu.dma_semaphore, #tpu.memory_space<semaphore_mem>> -> memref<!tpu.dma_semaphore, #tpu.memory_space<semaphore_mem>>
    tpu.enqueue_indirect_dma source(%dma_start3A_84 : memref<1000000x128xf32, #tpu.memory_space<hbm>>) target(%dma_start3A_78 : memref<64x128xf32, #tpu.memory_space<vmem>>) offsets(%dma_start3A_81 : memref<64xi32, #tpu.memory_space<vmem>>) semaphore(%dma_start3A_86 : memref<!tpu.dma_semaphore, #tpu.memory_space<semaphore_mem>>)
    %dma_wait3A = arith.constant 0 : i32
    %dma_wait3A_87 = arith.constant 0 : i32
    %dma_wait3A_88 = arith.constant 0 : i32
    %dma_wait3A_89 = arith.constant 0 : i32
    %dma_wait3A_90 = arith.constant 0 : i32
    %dma_wait3A_91 = arith.constant 0 : i32
    %dma_wait3A_92 = arith.constant 0 : i32
    %dma_wait3A_93 = tpu.memref_slice %arg6[%dma_wait3A_87, %dma_wait3A_88, %dma_wait3A_91, %dma_wait3A_92] : memref<2x5x64x128xf32, #tpu.memory_space<vmem>> -> memref<1x1x64x128xf32, #tpu.memory_space<vmem>>
    %dma_wait3A_94 = tpu.memref_squeeze %dma_wait3A_93 : memref<1x1x64x128xf32, #tpu.memory_space<vmem>> -> memref<64x128xf32, #tpu.memory_space<vmem>>
    %dma_wait3A_95 = arith.constant 0 : i32
    %dma_wait3A_96 = tpu.memref_slice %arg5[%dma_wait3A, %dma_wait3A_95] : memref<100x64xi32, #tpu.memory_space<vmem>> -> memref<1x64xi32, #tpu.memory_space<vmem>>
    %dma_wait3A_97 = tpu.memref_squeeze %dma_wait3A_96 : memref<1x64xi32, #tpu.memory_space<vmem>> -> memref<64xi32, #tpu.memory_space<vmem>>
    %dma_wait3A_98 = arith.constant 0 : i32
    %dma_wait3A_99 = arith.constant 0 : i32
    %dma_wait3A_100 = tpu.memref_slice %arg3[%dma_wait3A_98, %dma_wait3A_99] : memref<1000000x128xf32, #tpu.memory_space<hbm>> -> memref<1000000x128xf32, #tpu.memory_space<hbm>>
    %dma_wait3A_101 = tpu.memref_slice %arg7[%dma_wait3A_89, %dma_wait3A_90] : memref<2x5x!tpu.dma_semaphore, #tpu.memory_space<semaphore_mem>> -> memref<1x1x!tpu.dma_semaphore, #tpu.memory_space<semaphore_mem>>
    %dma_wait3A_102 = tpu.memref_squeeze %dma_wait3A_101 : memref<1x1x!tpu.dma_semaphore, #tpu.memory_space<semaphore_mem>> -> memref<!tpu.dma_semaphore, #tpu.memory_space<semaphore_mem>>
    tpu.wait_indirect_dma semaphore(%dma_wait3A_102 : memref<!tpu.dma_semaphore, #tpu.memory_space<semaphore_mem>>) src(%dma_wait3A_100 : memref<1000000x128xf32, #tpu.memory_space<hbm>>) dst(%dma_wait3A_94 : memref<64x128xf32, #tpu.memory_space<vmem>>)
    %add3A_103 = arith.constant 0 : i32
    %add3A_104 = arith.addi %mul3A_2, %add3A_103 : i32
    %dma_start3A_105 = arith.constant 0 : i32
    %dma_start3A_106 = arith.constant 0 : i32
    %dma_start3A_107 = arith.constant 0 : i32
    %dma_start3A_108 = arith.constant 0 : i32
    %dma_start3A_109 = arith.constant 0 : i32
    %dma_start3A_110 = arith.constant 0 : i32
    %dma_start3A_111 = tpu.memref_slice %arg6[%dma_start3A_105, %dma_start3A_106, %dma_start3A_109, %dma_start3A_110] : memref<2x5x64x128xf32, #tpu.memory_space<vmem>> -> memref<1x1x64x128xf32, #tpu.memory_space<vmem>>
    %dma_start3A_112 = tpu.memref_squeeze %dma_start3A_111 : memref<1x1x64x128xf32, #tpu.memory_space<vmem>> -> memref<64x128xf32, #tpu.memory_space<vmem>>
    %dma_start3A_113 = arith.constant 0 : i32
    %dma_start3A_114 = tpu.memref_slice %arg4[%add3A_104, %dma_start3A_113] : memref<204800x128xf32, #tpu.memory_space<hbm>> -> memref<64x128xf32, #tpu.memory_space<hbm>>
    %dma_start3A_115 = tpu.memref_slice %arg8[%dma_start3A_107, %dma_start3A_108] : memref<2x5x!tpu.dma_semaphore, #tpu.memory_space<semaphore_mem>> -> memref<1x1x!tpu.dma_semaphore, #tpu.memory_space<semaphore_mem>>
    %dma_start3A_116 = tpu.memref_squeeze %dma_start3A_115 : memref<1x1x!tpu.dma_semaphore, #tpu.memory_space<semaphore_mem>> -> memref<!tpu.dma_semaphore, #tpu.memory_space<semaphore_mem>>
    %dma_start3A_117 = arith.constant 0 : i32
    %dma_start3A_118 = tpu.memref_slice %arg4[%add3A_104, %dma_start3A_117] : memref<204800x128xf32, #tpu.memory_space<hbm>> -> memref<64x128xf32, #tpu.memory_space<hbm>>
    %dma_start3A_119 = arith.constant 0 : i32
    %dma_start3A_120 = arith.constant 0 : i32
    %dma_start3A_121 = tpu.memref_slice %arg6[%dma_start3A_105, %dma_start3A_106, %dma_start3A_119, %dma_start3A_120] : memref<2x5x64x128xf32, #tpu.memory_space<vmem>> -> memref<1x1x64x128xf32, #tpu.memory_space<vmem>>
    %dma_start3A_122 = tpu.memref_squeeze %dma_start3A_121 : memref<1x1x64x128xf32, #tpu.memory_space<vmem>> -> memref<64x128xf32, #tpu.memory_space<vmem>>
    tpu.enqueue_dma source(%dma_start3A_122 : memref<64x128xf32, #tpu.memory_space<vmem>>) target(%dma_start3A_118 : memref<64x128xf32, #tpu.memory_space<hbm>>) target_semaphore(%dma_start3A_116 : memref<!tpu.dma_semaphore, #tpu.memory_space<semaphore_mem>>)
    %dma_wait3A_123 = arith.constant 1 : i32
    %dma_wait3A_124 = arith.constant 0 : i32
    %dma_wait3A_125 = arith.constant 1 : i32
    %dma_wait3A_126 = arith.constant 0 : i32
    %dma_wait3A_127 = arith.constant 1 : i32
    %dma_wait3A_128 = arith.constant 0 : i32
    %dma_wait3A_129 = arith.constant 0 : i32
    %dma_wait3A_130 = tpu.memref_slice %arg6[%dma_wait3A_124, %dma_wait3A_125, %dma_wait3A_128, %dma_wait3A_129] : memref<2x5x64x128xf32, #tpu.memory_space<vmem>> -> memref<1x1x64x128xf32, #tpu.memory_space<vmem>>
    %dma_wait3A_131 = tpu.memref_squeeze %dma_wait3A_130 : memref<1x1x64x128xf32, #tpu.memory_space<vmem>> -> memref<64x128xf32, #tpu.memory_space<vmem>>
    %dma_wait3A_132 = arith.constant 0 : i32
    %dma_wait3A_133 = tpu.memref_slice %arg5[%dma_wait3A_123, %dma_wait3A_132] : memref<100x64xi32, #tpu.memory_space<vmem>> -> memref<1x64xi32, #tpu.memory_space<vmem>>
    %dma_wait3A_134 = tpu.memref_squeeze %dma_wait3A_133 : memref<1x64xi32, #tpu.memory_space<vmem>> -> memref<64xi32, #tpu.memory_space<vmem>>
    %dma_wait3A_135 = arith.constant 0 : i32
    %dma_wait3A_136 = arith.constant 0 : i32
    %dma_wait3A_137 = tpu.memref_slice %arg3[%dma_wait3A_135, %dma_wait3A_136] : memref<1000000x128xf32, #tpu.memory_space<hbm>> -> memref<1000000x128xf32, #tpu.memory_space<hbm>>
    %dma_wait3A_138 = tpu.memref_slice %arg7[%dma_wait3A_126, %dma_wait3A_127] : memref<2x5x!tpu.dma_semaphore, #tpu.memory_space<semaphore_mem>> -> memref<1x1x!tpu.dma_semaphore, #tpu.memory_space<semaphore_mem>>
    %dma_wait3A_139 = tpu.memref_squeeze %dma_wait3A_138 : memref<1x1x!tpu.dma_semaphore, #tpu.memory_space<semaphore_mem>> -> memref<!tpu.dma_semaphore, #tpu.memory_space<semaphore_mem>>
    tpu.wait_indirect_dma semaphore(%dma_wait3A_139 : memref<!tpu.dma_semaphore, #tpu.memory_space<semaphore_mem>>) src(%dma_wait3A_137 : memref<1000000x128xf32, #tpu.memory_space<hbm>>) dst(%dma_wait3A_131 : memref<64x128xf32, #tpu.memory_space<vmem>>)
    %add3A_140 = arith.constant 64 : i32
    %add3A_141 = arith.addi %mul3A_2, %add3A_140 : i32
    %dma_start3A_142 = arith.constant 0 : i32
    %dma_start3A_143 = arith.constant 1 : i32
    %dma_start3A_144 = arith.constant 0 : i32
    %dma_start3A_145 = arith.constant 1 : i32
    %dma_start3A_146 = arith.constant 0 : i32
    %dma_start3A_147 = arith.constant 0 : i32
    %dma_start3A_148 = tpu.memref_slice %arg6[%dma_start3A_142, %dma_start3A_143, %dma_start3A_146, %dma_start3A_147] : memref<2x5x64x128xf32, #tpu.memory_space<vmem>> -> memref<1x1x64x128xf32, #tpu.memory_space<vmem>>
    %dma_start3A_149 = tpu.memref_squeeze %dma_start3A_148 : memref<1x1x64x128xf32, #tpu.memory_space<vmem>> -> memref<64x128xf32, #tpu.memory_space<vmem>>
    %dma_start3A_150 = arith.constant 0 : i32
    %dma_start3A_151 = tpu.memref_slice %arg4[%add3A_141, %dma_start3A_150] : memref<204800x128xf32, #tpu.memory_space<hbm>> -> memref<64x128xf32, #tpu.memory_space<hbm>>
    %dma_start3A_152 = tpu.memref_slice %arg8[%dma_start3A_144, %dma_start3A_145] : memref<2x5x!tpu.dma_semaphore, #tpu.memory_space<semaphore_mem>> -> memref<1x1x!tpu.dma_semaphore, #tpu.memory_space<semaphore_mem>>
    %dma_start3A_153 = tpu.memref_squeeze %dma_start3A_152 : memref<1x1x!tpu.dma_semaphore, #tpu.memory_space<semaphore_mem>> -> memref<!tpu.dma_semaphore, #tpu.memory_space<semaphore_mem>>
    %dma_start3A_154 = arith.constant 0 : i32
    %dma_start3A_155 = tpu.memref_slice %arg4[%add3A_141, %dma_start3A_154] : memref<204800x128xf32, #tpu.memory_space<hbm>> -> memref<64x128xf32, #tpu.memory_space<hbm>>
    %dma_start3A_156 = arith.constant 0 : i32
    %dma_start3A_157 = arith.constant 0 : i32
    %dma_start3A_158 = tpu.memref_slice %arg6[%dma_start3A_142, %dma_start3A_143, %dma_start3A_156, %dma_start3A_157] : memref<2x5x64x128xf32, #tpu.memory_space<vmem>> -> memref<1x1x64x128xf32, #tpu.memory_space<vmem>>
    %dma_start3A_159 = tpu.memref_squeeze %dma_start3A_158 : memref<1x1x64x128xf32, #tpu.memory_space<vmem>> -> memref<64x128xf32, #tpu.memory_space<vmem>>
    tpu.enqueue_dma source(%dma_start3A_159 : memref<64x128xf32, #tpu.memory_space<vmem>>) target(%dma_start3A_155 : memref<64x128xf32, #tpu.memory_space<hbm>>) target_semaphore(%dma_start3A_153 : memref<!tpu.dma_semaphore, #tpu.memory_space<semaphore_mem>>)
    %dma_wait3A_160 = arith.constant 2 : i32
    %dma_wait3A_161 = arith.constant 0 : i32
    %dma_wait3A_162 = arith.constant 2 : i32
    %dma_wait3A_163 = arith.constant 0 : i32
    %dma_wait3A_164 = arith.constant 2 : i32
    %dma_wait3A_165 = arith.constant 0 : i32
    %dma_wait3A_166 = arith.constant 0 : i32
    %dma_wait3A_167 = tpu.memref_slice %arg6[%dma_wait3A_161, %dma_wait3A_162, %dma_wait3A_165, %dma_wait3A_166] : memref<2x5x64x128xf32, #tpu.memory_space<vmem>> -> memref<1x1x64x128xf32, #tpu.memory_space<vmem>>
    %dma_wait3A_168 = tpu.memref_squeeze %dma_wait3A_167 : memref<1x1x64x128xf32, #tpu.memory_space<vmem>> -> memref<64x128xf32, #tpu.memory_space<vmem>>
    %dma_wait3A_169 = arith.constant 0 : i32
    %dma_wait3A_170 = tpu.memref_slice %arg5[%dma_wait3A_160, %dma_wait3A_169] : memref<100x64xi32, #tpu.memory_space<vmem>> -> memref<1x64xi32, #tpu.memory_space<vmem>>
    %dma_wait3A_171 = tpu.memref_squeeze %dma_wait3A_170 : memref<1x64xi32, #tpu.memory_space<vmem>> -> memref<64xi32, #tpu.memory_space<vmem>>
    %dma_wait3A_172 = arith.constant 0 : i32
    %dma_wait3A_173 = arith.constant 0 : i32
    %dma_wait3A_174 = tpu.memref_slice %arg3[%dma_wait3A_172, %dma_wait3A_173] : memref<1000000x128xf32, #tpu.memory_space<hbm>> -> memref<1000000x128xf32, #tpu.memory_space<hbm>>
    %dma_wait3A_175 = tpu.memref_slice %arg7[%dma_wait3A_163, %dma_wait3A_164] : memref<2x5x!tpu.dma_semaphore, #tpu.memory_space<semaphore_mem>> -> memref<1x1x!tpu.dma_semaphore, #tpu.memory_space<semaphore_mem>>
    %dma_wait3A_176 = tpu.memref_squeeze %dma_wait3A_175 : memref<1x1x!tpu.dma_semaphore, #tpu.memory_space<semaphore_mem>> -> memref<!tpu.dma_semaphore, #tpu.memory_space<semaphore_mem>>
    tpu.wait_indirect_dma semaphore(%dma_wait3A_176 : memref<!tpu.dma_semaphore, #tpu.memory_space<semaphore_mem>>) src(%dma_wait3A_174 : memref<1000000x128xf32, #tpu.memory_space<hbm>>) dst(%dma_wait3A_168 : memref<64x128xf32, #tpu.memory_space<vmem>>)
    %add3A_177 = arith.constant 128 : i32
    %add3A_178 = arith.addi %mul3A_2, %add3A_177 : i32
    %dma_start3A_179 = arith.constant 0 : i32
    %dma_start3A_180 = arith.constant 2 : i32
    %dma_start3A_181 = arith.constant 0 : i32
    %dma_start3A_182 = arith.constant 2 : i32
    %dma_start3A_183 = arith.constant 0 : i32
    %dma_start3A_184 = arith.constant 0 : i32
    %dma_start3A_185 = tpu.memref_slice %arg6[%dma_start3A_179, %dma_start3A_180, %dma_start3A_183, %dma_start3A_184] : memref<2x5x64x128xf32, #tpu.memory_space<vmem>> -> memref<1x1x64x128xf32, #tpu.memory_space<vmem>>
    %dma_start3A_186 = tpu.memref_squeeze %dma_start3A_185 : memref<1x1x64x128xf32, #tpu.memory_space<vmem>> -> memref<64x128xf32, #tpu.memory_space<vmem>>
    %dma_start3A_187 = arith.constant 0 : i32
    %dma_start3A_188 = tpu.memref_slice %arg4[%add3A_178, %dma_start3A_187] : memref<204800x128xf32, #tpu.memory_space<hbm>> -> memref<64x128xf32, #tpu.memory_space<hbm>>
    %dma_start3A_189 = tpu.memref_slice %arg8[%dma_start3A_181, %dma_start3A_182] : memref<2x5x!tpu.dma_semaphore, #tpu.memory_space<semaphore_mem>> -> memref<1x1x!tpu.dma_semaphore, #tpu.memory_space<semaphore_mem>>
    %dma_start3A_190 = tpu.memref_squeeze %dma_start3A_189 : memref<1x1x!tpu.dma_semaphore, #tpu.memory_space<semaphore_mem>> -> memref<!tpu.dma_semaphore, #tpu.memory_space<semaphore_mem>>
    %dma_start3A_191 = arith.constant 0 : i32
    %dma_start3A_192 = tpu.memref_slice %arg4[%add3A_178, %dma_start3A_191] : memref<204800x128xf32, #tpu.memory_space<hbm>> -> memref<64x128xf32, #tpu.memory_space<hbm>>
    %dma_start3A_193 = arith.constant 0 : i32
    %dma_start3A_194 = arith.constant 0 : i32
    %dma_start3A_195 = tpu.memref_slice %arg6[%dma_start3A_179, %dma_start3A_180, %dma_start3A_193, %dma_start3A_194] : memref<2x5x64x128xf32, #tpu.memory_space<vmem>> -> memref<1x1x64x128xf32, #tpu.memory_space<vmem>>
    %dma_start3A_196 = tpu.memref_squeeze %dma_start3A_195 : memref<1x1x64x128xf32, #tpu.memory_space<vmem>> -> memref<64x128xf32, #tpu.memory_space<vmem>>
    tpu.enqueue_dma source(%dma_start3A_196 : memref<64x128xf32, #tpu.memory_space<vmem>>) target(%dma_start3A_192 : memref<64x128xf32, #tpu.memory_space<hbm>>) target_semaphore(%dma_start3A_190 : memref<!tpu.dma_semaphore, #tpu.memory_space<semaphore_mem>>)
    %dma_wait3A_197 = arith.constant 3 : i32
    %dma_wait3A_198 = arith.constant 0 : i32
    %dma_wait3A_199 = arith.constant 3 : i32
    %dma_wait3A_200 = arith.constant 0 : i32
    %dma_wait3A_201 = arith.constant 3 : i32
    %dma_wait3A_202 = arith.constant 0 : i32
    %dma_wait3A_203 = arith.constant 0 : i32
    %dma_wait3A_204 = tpu.memref_slice %arg6[%dma_wait3A_198, %dma_wait3A_199, %dma_wait3A_202, %dma_wait3A_203] : memref<2x5x64x128xf32, #tpu.memory_space<vmem>> -> memref<1x1x64x128xf32, #tpu.memory_space<vmem>>
    %dma_wait3A_205 = tpu.memref_squeeze %dma_wait3A_204 : memref<1x1x64x128xf32, #tpu.memory_space<vmem>> -> memref<64x128xf32, #tpu.memory_space<vmem>>
    %dma_wait3A_206 = arith.constant 0 : i32
    %dma_wait3A_207 = tpu.memref_slice %arg5[%dma_wait3A_197, %dma_wait3A_206] : memref<100x64xi32, #tpu.memory_space<vmem>> -> memref<1x64xi32, #tpu.memory_space<vmem>>
    %dma_wait3A_208 = tpu.memref_squeeze %dma_wait3A_207 : memref<1x64xi32, #tpu.memory_space<vmem>> -> memref<64xi32, #tpu.memory_space<vmem>>
    %dma_wait3A_209 = arith.constant 0 : i32
    %dma_wait3A_210 = arith.constant 0 : i32
    %dma_wait3A_211 = tpu.memref_slice %arg3[%dma_wait3A_209, %dma_wait3A_210] : memref<1000000x128xf32, #tpu.memory_space<hbm>> -> memref<1000000x128xf32, #tpu.memory_space<hbm>>
    %dma_wait3A_212 = tpu.memref_slice %arg7[%dma_wait3A_200, %dma_wait3A_201] : memref<2x5x!tpu.dma_semaphore, #tpu.memory_space<semaphore_mem>> -> memref<1x1x!tpu.dma_semaphore, #tpu.memory_space<semaphore_mem>>
    %dma_wait3A_213 = tpu.memref_squeeze %dma_wait3A_212 : memref<1x1x!tpu.dma_semaphore, #tpu.memory_space<semaphore_mem>> -> memref<!tpu.dma_semaphore, #tpu.memory_space<semaphore_mem>>
    tpu.wait_indirect_dma semaphore(%dma_wait3A_213 : memref<!tpu.dma_semaphore, #tpu.memory_space<semaphore_mem>>) src(%dma_wait3A_211 : memref<1000000x128xf32, #tpu.memory_space<hbm>>) dst(%dma_wait3A_205 : memref<64x128xf32, #tpu.memory_space<vmem>>)
    %add3A_214 = arith.constant 192 : i32
    %add3A_215 = arith.addi %mul3A_2, %add3A_214 : i32
    %dma_start3A_216 = arith.constant 0 : i32
    %dma_start3A_217 = arith.constant 3 : i32
    %dma_start3A_218 = arith.constant 0 : i32
    %dma_start3A_219 = arith.constant 3 : i32
    %dma_start3A_220 = arith.constant 0 : i32
    %dma_start3A_221 = arith.constant 0 : i32
    %dma_start3A_222 = tpu.memref_slice %arg6[%dma_start3A_216, %dma_start3A_217, %dma_start3A_220, %dma_start3A_221] : memref<2x5x64x128xf32, #tpu.memory_space<vmem>> -> memref<1x1x64x128xf32, #tpu.memory_space<vmem>>
    %dma_start3A_223 = tpu.memref_squeeze %dma_start3A_222 : memref<1x1x64x128xf32, #tpu.memory_space<vmem>> -> memref<64x128xf32, #tpu.memory_space<vmem>>
    %dma_start3A_224 = arith.constant 0 : i32
    %dma_start3A_225 = tpu.memref_slice %arg4[%add3A_215, %dma_start3A_224] : memref<204800x128xf32, #tpu.memory_space<hbm>> -> memref<64x128xf32, #tpu.memory_space<hbm>>
    %dma_start3A_226 = tpu.memref_slice %arg8[%dma_start3A_218, %dma_start3A_219] : memref<2x5x!tpu.dma_semaphore, #tpu.memory_space<semaphore_mem>> -> memref<1x1x!tpu.dma_semaphore, #tpu.memory_space<semaphore_mem>>
    %dma_start3A_227 = tpu.memref_squeeze %dma_start3A_226 : memref<1x1x!tpu.dma_semaphore, #tpu.memory_space<semaphore_mem>> -> memref<!tpu.dma_semaphore, #tpu.memory_space<semaphore_mem>>
    %dma_start3A_228 = arith.constant 0 : i32
    %dma_start3A_229 = tpu.memref_slice %arg4[%add3A_215, %dma_start3A_228] : memref<204800x128xf32, #tpu.memory_space<hbm>> -> memref<64x128xf32, #tpu.memory_space<hbm>>
    %dma_start3A_230 = arith.constant 0 : i32
    %dma_start3A_231 = arith.constant 0 : i32
    %dma_start3A_232 = tpu.memref_slice %arg6[%dma_start3A_216, %dma_start3A_217, %dma_start3A_230, %dma_start3A_231] : memref<2x5x64x128xf32, #tpu.memory_space<vmem>> -> memref<1x1x64x128xf32, #tpu.memory_space<vmem>>
    %dma_start3A_233 = tpu.memref_squeeze %dma_start3A_232 : memref<1x1x64x128xf32, #tpu.memory_space<vmem>> -> memref<64x128xf32, #tpu.memory_space<vmem>>
    tpu.enqueue_dma source(%dma_start3A_233 : memref<64x128xf32, #tpu.memory_space<vmem>>) target(%dma_start3A_229 : memref<64x128xf32, #tpu.memory_space<hbm>>) target_semaphore(%dma_start3A_227 : memref<!tpu.dma_semaphore, #tpu.memory_space<semaphore_mem>>)
    %dma_wait3A_234 = arith.constant 4 : i32
    %dma_wait3A_235 = arith.constant 0 : i32
    %dma_wait3A_236 = arith.constant 4 : i32
    %dma_wait3A_237 = arith.constant 0 : i32
    %dma_wait3A_238 = arith.constant 4 : i32
    %dma_wait3A_239 = arith.constant 0 : i32
    %dma_wait3A_240 = arith.constant 0 : i32
    %dma_wait3A_241 = tpu.memref_slice %arg6[%dma_wait3A_235, %dma_wait3A_236, %dma_wait3A_239, %dma_wait3A_240] : memref<2x5x64x128xf32, #tpu.memory_space<vmem>> -> memref<1x1x64x128xf32, #tpu.memory_space<vmem>>
    %dma_wait3A_242 = tpu.memref_squeeze %dma_wait3A_241 : memref<1x1x64x128xf32, #tpu.memory_space<vmem>> -> memref<64x128xf32, #tpu.memory_space<vmem>>
    %dma_wait3A_243 = arith.constant 0 : i32
    %dma_wait3A_244 = tpu.memref_slice %arg5[%dma_wait3A_234, %dma_wait3A_243] : memref<100x64xi32, #tpu.memory_space<vmem>> -> memref<1x64xi32, #tpu.memory_space<vmem>>
    %dma_wait3A_245 = tpu.memref_squeeze %dma_wait3A_244 : memref<1x64xi32, #tpu.memory_space<vmem>> -> memref<64xi32, #tpu.memory_space<vmem>>
    %dma_wait3A_246 = arith.constant 0 : i32
    %dma_wait3A_247 = arith.constant 0 : i32
    %dma_wait3A_248 = tpu.memref_slice %arg3[%dma_wait3A_246, %dma_wait3A_247] : memref<1000000x128xf32, #tpu.memory_space<hbm>> -> memref<1000000x128xf32, #tpu.memory_space<hbm>>
    %dma_wait3A_249 = tpu.memref_slice %arg7[%dma_wait3A_237, %dma_wait3A_238] : memref<2x5x!tpu.dma_semaphore, #tpu.memory_space<semaphore_mem>> -> memref<1x1x!tpu.dma_semaphore, #tpu.memory_space<semaphore_mem>>
    %dma_wait3A_250 = tpu.memref_squeeze %dma_wait3A_249 : memref<1x1x!tpu.dma_semaphore, #tpu.memory_space<semaphore_mem>> -> memref<!tpu.dma_semaphore, #tpu.memory_space<semaphore_mem>>
    tpu.wait_indirect_dma semaphore(%dma_wait3A_250 : memref<!tpu.dma_semaphore, #tpu.memory_space<semaphore_mem>>) src(%dma_wait3A_248 : memref<1000000x128xf32, #tpu.memory_space<hbm>>) dst(%dma_wait3A_242 : memref<64x128xf32, #tpu.memory_space<vmem>>)
    %add3A_251 = arith.constant 256 : i32
    %add3A_252 = arith.addi %mul3A_2, %add3A_251 : i32
    %dma_start3A_253 = arith.constant 0 : i32
    %dma_start3A_254 = arith.constant 4 : i32
    %dma_start3A_255 = arith.constant 0 : i32
    %dma_start3A_256 = arith.constant 4 : i32
    %dma_start3A_257 = arith.constant 0 : i32
    %dma_start3A_258 = arith.constant 0 : i32
    %dma_start3A_259 = tpu.memref_slice %arg6[%dma_start3A_253, %dma_start3A_254, %dma_start3A_257, %dma_start3A_258] : memref<2x5x64x128xf32, #tpu.memory_space<vmem>> -> memref<1x1x64x128xf32, #tpu.memory_space<vmem>>
    %dma_start3A_260 = tpu.memref_squeeze %dma_start3A_259 : memref<1x1x64x128xf32, #tpu.memory_space<vmem>> -> memref<64x128xf32, #tpu.memory_space<vmem>>
    %dma_start3A_261 = arith.constant 0 : i32
    %dma_start3A_262 = tpu.memref_slice %arg4[%add3A_252, %dma_start3A_261] : memref<204800x128xf32, #tpu.memory_space<hbm>> -> memref<64x128xf32, #tpu.memory_space<hbm>>
    %dma_start3A_263 = tpu.memref_slice %arg8[%dma_start3A_255, %dma_start3A_256] : memref<2x5x!tpu.dma_semaphore, #tpu.memory_space<semaphore_mem>> -> memref<1x1x!tpu.dma_semaphore, #tpu.memory_space<semaphore_mem>>
    %dma_start3A_264 = tpu.memref_squeeze %dma_start3A_263 : memref<1x1x!tpu.dma_semaphore, #tpu.memory_space<semaphore_mem>> -> memref<!tpu.dma_semaphore, #tpu.memory_space<semaphore_mem>>
    %dma_start3A_265 = arith.constant 0 : i32
    %dma_start3A_266 = tpu.memref_slice %arg4[%add3A_252, %dma_start3A_265] : memref<204800x128xf32, #tpu.memory_space<hbm>> -> memref<64x128xf32, #tpu.memory_space<hbm>>
    %dma_start3A_267 = arith.constant 0 : i32
    %dma_start3A_268 = arith.constant 0 : i32
    %dma_start3A_269 = tpu.memref_slice %arg6[%dma_start3A_253, %dma_start3A_254, %dma_start3A_267, %dma_start3A_268] : memref<2x5x64x128xf32, #tpu.memory_space<vmem>> -> memref<1x1x64x128xf32, #tpu.memory_space<vmem>>
    %dma_start3A_270 = tpu.memref_squeeze %dma_start3A_269 : memref<1x1x64x128xf32, #tpu.memory_space<vmem>> -> memref<64x128xf32, #tpu.memory_space<vmem>>
    tpu.enqueue_dma source(%dma_start3A_270 : memref<64x128xf32, #tpu.memory_space<vmem>>) target(%dma_start3A_266 : memref<64x128xf32, #tpu.memory_space<hbm>>) target_semaphore(%dma_start3A_264 : memref<!tpu.dma_semaphore, #tpu.memory_space<semaphore_mem>>)
    %dma_start3A_271 = arith.constant 5 : i32
    %dma_start3A_272 = arith.constant 1 : i32
    %dma_start3A_273 = arith.constant 0 : i32
    %dma_start3A_274 = arith.constant 1 : i32
    %dma_start3A_275 = arith.constant 0 : i32
    %dma_start3A_276 = arith.constant 0 : i32
    %dma_start3A_277 = arith.constant 0 : i32
    %dma_start3A_278 = tpu.memref_slice %arg6[%dma_start3A_272, %dma_start3A_273, %dma_start3A_276, %dma_start3A_277] : memref<2x5x64x128xf32, #tpu.memory_space<vmem>> -> memref<1x1x64x128xf32, #tpu.memory_space<vmem>>
    %dma_start3A_279 = tpu.memref_squeeze %dma_start3A_278 : memref<1x1x64x128xf32, #tpu.memory_space<vmem>> -> memref<64x128xf32, #tpu.memory_space<vmem>>
    %dma_start3A_280 = arith.constant 0 : i32
    %dma_start3A_281 = tpu.memref_slice %arg5[%dma_start3A_271, %dma_start3A_280] : memref<100x64xi32, #tpu.memory_space<vmem>> -> memref<1x64xi32, #tpu.memory_space<vmem>>
    %dma_start3A_282 = tpu.memref_squeeze %dma_start3A_281 : memref<1x64xi32, #tpu.memory_space<vmem>> -> memref<64xi32, #tpu.memory_space<vmem>>
    %dma_start3A_283 = arith.constant 0 : i32
    %dma_start3A_284 = arith.constant 0 : i32
    %dma_start3A_285 = tpu.memref_slice %arg3[%dma_start3A_283, %dma_start3A_284] : memref<1000000x128xf32, #tpu.memory_space<hbm>> -> memref<1000000x128xf32, #tpu.memory_space<hbm>>
    %dma_start3A_286 = tpu.memref_slice %arg7[%dma_start3A_274, %dma_start3A_275] : memref<2x5x!tpu.dma_semaphore, #tpu.memory_space<semaphore_mem>> -> memref<1x1x!tpu.dma_semaphore, #tpu.memory_space<semaphore_mem>>
    %dma_start3A_287 = tpu.memref_squeeze %dma_start3A_286 : memref<1x1x!tpu.dma_semaphore, #tpu.memory_space<semaphore_mem>> -> memref<!tpu.dma_semaphore, #tpu.memory_space<semaphore_mem>>
    tpu.enqueue_indirect_dma source(%dma_start3A_285 : memref<1000000x128xf32, #tpu.memory_space<hbm>>) target(%dma_start3A_279 : memref<64x128xf32, #tpu.memory_space<vmem>>) offsets(%dma_start3A_282 : memref<64xi32, #tpu.memory_space<vmem>>) semaphore(%dma_start3A_287 : memref<!tpu.dma_semaphore, #tpu.memory_space<semaphore_mem>>)
    %dma_start3A_288 = arith.constant 6 : i32
    %dma_start3A_289 = arith.constant 1 : i32
    %dma_start3A_290 = arith.constant 1 : i32
    %dma_start3A_291 = arith.constant 1 : i32
    %dma_start3A_292 = arith.constant 1 : i32
    %dma_start3A_293 = arith.constant 0 : i32
    %dma_start3A_294 = arith.constant 0 : i32
    %dma_start3A_295 = tpu.memref_slice %arg6[%dma_start3A_289, %dma_start3A_290, %dma_start3A_293, %dma_start3A_294] : memref<2x5x64x128xf32, #tpu.memory_space<vmem>> -> memref<1x1x64x128xf32, #tpu.memory_space<vmem>>
    %dma_start3A_296 = tpu.memref_squeeze %dma_start3A_295 : memref<1x1x64x128xf32, #tpu.memory_space<vmem>> -> memref<64x128xf32, #tpu.memory_space<vmem>>
    %dma_start3A_297 = arith.constant 0 : i32
    %dma_start3A_298 = tpu.memref_slice %arg5[%dma_start3A_288, %dma_start3A_297] : memref<100x64xi32, #tpu.memory_space<vmem>> -> memref<1x64xi32, #tpu.memory_space<vmem>>
    %dma_start3A_299 = tpu.memref_squeeze %dma_start3A_298 : memref<1x64xi32, #tpu.memory_space<vmem>> -> memref<64xi32, #tpu.memory_space<vmem>>
    %dma_start3A_300 = arith.constant 0 : i32
    %dma_start3A_301 = arith.constant 0 : i32
    %dma_start3A_302 = tpu.memref_slice %arg3[%dma_start3A_300, %dma_start3A_301] : memref<1000000x128xf32, #tpu.memory_space<hbm>> -> memref<1000000x128xf32, #tpu.memory_space<hbm>>
    %dma_start3A_303 = tpu.memref_slice %arg7[%dma_start3A_291, %dma_start3A_292] : memref<2x5x!tpu.dma_semaphore, #tpu.memory_space<semaphore_mem>> -> memref<1x1x!tpu.dma_semaphore, #tpu.memory_space<semaphore_mem>>
    %dma_start3A_304 = tpu.memref_squeeze %dma_start3A_303 : memref<1x1x!tpu.dma_semaphore, #tpu.memory_space<semaphore_mem>> -> memref<!tpu.dma_semaphore, #tpu.memory_space<semaphore_mem>>
    tpu.enqueue_indirect_dma source(%dma_start3A_302 : memref<1000000x128xf32, #tpu.memory_space<hbm>>) target(%dma_start3A_296 : memref<64x128xf32, #tpu.memory_space<vmem>>) offsets(%dma_start3A_299 : memref<64xi32, #tpu.memory_space<vmem>>) semaphore(%dma_start3A_304 : memref<!tpu.dma_semaphore, #tpu.memory_space<semaphore_mem>>)
    %dma_start3A_305 = arith.constant 7 : i32
    %dma_start3A_306 = arith.constant 1 : i32
    %dma_start3A_307 = arith.constant 2 : i32
    %dma_start3A_308 = arith.constant 1 : i32
    %dma_start3A_309 = arith.constant 2 : i32
    %dma_start3A_310 = arith.constant 0 : i32
    %dma_start3A_311 = arith.constant 0 : i32
    %dma_start3A_312 = tpu.memref_slice %arg6[%dma_start3A_306, %dma_start3A_307, %dma_start3A_310, %dma_start3A_311] : memref<2x5x64x128xf32, #tpu.memory_space<vmem>> -> memref<1x1x64x128xf32, #tpu.memory_space<vmem>>
    %dma_start3A_313 = tpu.memref_squeeze %dma_start3A_312 : memref<1x1x64x128xf32, #tpu.memory_space<vmem>> -> memref<64x128xf32, #tpu.memory_space<vmem>>
    %dma_start3A_314 = arith.constant 0 : i32
    %dma_start3A_315 = tpu.memref_slice %arg5[%dma_start3A_305, %dma_start3A_314] : memref<100x64xi32, #tpu.memory_space<vmem>> -> memref<1x64xi32, #tpu.memory_space<vmem>>
    %dma_start3A_316 = tpu.memref_squeeze %dma_start3A_315 : memref<1x64xi32, #tpu.memory_space<vmem>> -> memref<64xi32, #tpu.memory_space<vmem>>
    %dma_start3A_317 = arith.constant 0 : i32
    %dma_start3A_318 = arith.constant 0 : i32
    %dma_start3A_319 = tpu.memref_slice %arg3[%dma_start3A_317, %dma_start3A_318] : memref<1000000x128xf32, #tpu.memory_space<hbm>> -> memref<1000000x128xf32, #tpu.memory_space<hbm>>
    %dma_start3A_320 = tpu.memref_slice %arg7[%dma_start3A_308, %dma_start3A_309] : memref<2x5x!tpu.dma_semaphore, #tpu.memory_space<semaphore_mem>> -> memref<1x1x!tpu.dma_semaphore, #tpu.memory_space<semaphore_mem>>
    %dma_start3A_321 = tpu.memref_squeeze %dma_start3A_320 : memref<1x1x!tpu.dma_semaphore, #tpu.memory_space<semaphore_mem>> -> memref<!tpu.dma_semaphore, #tpu.memory_space<semaphore_mem>>
    tpu.enqueue_indirect_dma source(%dma_start3A_319 : memref<1000000x128xf32, #tpu.memory_space<hbm>>) target(%dma_start3A_313 : memref<64x128xf32, #tpu.memory_space<vmem>>) offsets(%dma_start3A_316 : memref<64xi32, #tpu.memory_space<vmem>>) semaphore(%dma_start3A_321 : memref<!tpu.dma_semaphore, #tpu.memory_space<semaphore_mem>>)
    %dma_start3A_322 = arith.constant 8 : i32
    %dma_start3A_323 = arith.constant 1 : i32
    %dma_start3A_324 = arith.constant 3 : i32
    %dma_start3A_325 = arith.constant 1 : i32
    %dma_start3A_326 = arith.constant 3 : i32
    %dma_start3A_327 = arith.constant 0 : i32
    %dma_start3A_328 = arith.constant 0 : i32
    %dma_start3A_329 = tpu.memref_slice %arg6[%dma_start3A_323, %dma_start3A_324, %dma_start3A_327, %dma_start3A_328] : memref<2x5x64x128xf32, #tpu.memory_space<vmem>> -> memref<1x1x64x128xf32, #tpu.memory_space<vmem>>
    %dma_start3A_330 = tpu.memref_squeeze %dma_start3A_329 : memref<1x1x64x128xf32, #tpu.memory_space<vmem>> -> memref<64x128xf32, #tpu.memory_space<vmem>>
    %dma_start3A_331 = arith.constant 0 : i32
    %dma_start3A_332 = tpu.memref_slice %arg5[%dma_start3A_322, %dma_start3A_331] : memref<100x64xi32, #tpu.memory_space<vmem>> -> memref<1x64xi32, #tpu.memory_space<vmem>>
    %dma_start3A_333 = tpu.memref_squeeze %dma_start3A_332 : memref<1x64xi32, #tpu.memory_space<vmem>> -> memref<64xi32, #tpu.memory_space<vmem>>
    %dma_start3A_334 = arith.constant 0 : i32
    %dma_start3A_335 = arith.constant 0 : i32
    %dma_start3A_336 = tpu.memref_slice %arg3[%dma_start3A_334, %dma_start3A_335] : memref<1000000x128xf32, #tpu.memory_space<hbm>> -> memref<1000000x128xf32, #tpu.memory_space<hbm>>
    %dma_start3A_337 = tpu.memref_slice %arg7[%dma_start3A_325, %dma_start3A_326] : memref<2x5x!tpu.dma_semaphore, #tpu.memory_space<semaphore_mem>> -> memref<1x1x!tpu.dma_semaphore, #tpu.memory_space<semaphore_mem>>
    %dma_start3A_338 = tpu.memref_squeeze %dma_start3A_337 : memref<1x1x!tpu.dma_semaphore, #tpu.memory_space<semaphore_mem>> -> memref<!tpu.dma_semaphore, #tpu.memory_space<semaphore_mem>>
    tpu.enqueue_indirect_dma source(%dma_start3A_336 : memref<1000000x128xf32, #tpu.memory_space<hbm>>) target(%dma_start3A_330 : memref<64x128xf32, #tpu.memory_space<vmem>>) offsets(%dma_start3A_333 : memref<64xi32, #tpu.memory_space<vmem>>) semaphore(%dma_start3A_338 : memref<!tpu.dma_semaphore, #tpu.memory_space<semaphore_mem>>)
    %dma_start3A_339 = arith.constant 9 : i32
    %dma_start3A_340 = arith.constant 1 : i32
    %dma_start3A_341 = arith.constant 4 : i32
    %dma_start3A_342 = arith.constant 1 : i32
    %dma_start3A_343 = arith.constant 4 : i32
    %dma_start3A_344 = arith.constant 0 : i32
    %dma_start3A_345 = arith.constant 0 : i32
    %dma_start3A_346 = tpu.memref_slice %arg6[%dma_start3A_340, %dma_start3A_341, %dma_start3A_344, %dma_start3A_345] : memref<2x5x64x128xf32, #tpu.memory_space<vmem>> -> memref<1x1x64x128xf32, #tpu.memory_space<vmem>>
    %dma_start3A_347 = tpu.memref_squeeze %dma_start3A_346 : memref<1x1x64x128xf32, #tpu.memory_space<vmem>> -> memref<64x128xf32, #tpu.memory_space<vmem>>
    %dma_start3A_348 = arith.constant 0 : i32
    %dma_start3A_349 = tpu.memref_slice %arg5[%dma_start3A_339, %dma_start3A_348] : memref<100x64xi32, #tpu.memory_space<vmem>> -> memref<1x64xi32, #tpu.memory_space<vmem>>
    %dma_start3A_350 = tpu.memref_squeeze %dma_start3A_349 : memref<1x64xi32, #tpu.memory_space<vmem>> -> memref<64xi32, #tpu.memory_space<vmem>>
    %dma_start3A_351 = arith.constant 0 : i32
    %dma_start3A_352 = arith.constant 0 : i32
    %dma_start3A_353 = tpu.memref_slice %arg3[%dma_start3A_351, %dma_start3A_352] : memref<1000000x128xf32, #tpu.memory_space<hbm>> -> memref<1000000x128xf32, #tpu.memory_space<hbm>>
    %dma_start3A_354 = tpu.memref_slice %arg7[%dma_start3A_342, %dma_start3A_343] : memref<2x5x!tpu.dma_semaphore, #tpu.memory_space<semaphore_mem>> -> memref<1x1x!tpu.dma_semaphore, #tpu.memory_space<semaphore_mem>>
    %dma_start3A_355 = tpu.memref_squeeze %dma_start3A_354 : memref<1x1x!tpu.dma_semaphore, #tpu.memory_space<semaphore_mem>> -> memref<!tpu.dma_semaphore, #tpu.memory_space<semaphore_mem>>
    tpu.enqueue_indirect_dma source(%dma_start3A_353 : memref<1000000x128xf32, #tpu.memory_space<hbm>>) target(%dma_start3A_347 : memref<64x128xf32, #tpu.memory_space<vmem>>) offsets(%dma_start3A_350 : memref<64xi32, #tpu.memory_space<vmem>>) semaphore(%dma_start3A_355 : memref<!tpu.dma_semaphore, #tpu.memory_space<semaphore_mem>>)
    %dma_wait3A_356 = arith.constant 5 : i32
    %dma_wait3A_357 = arith.constant 1 : i32
    %dma_wait3A_358 = arith.constant 0 : i32
    %dma_wait3A_359 = arith.constant 1 : i32
    %dma_wait3A_360 = arith.constant 0 : i32
    %dma_wait3A_361 = arith.constant 0 : i32
    %dma_wait3A_362 = arith.constant 0 : i32
    %dma_wait3A_363 = tpu.memref_slice %arg6[%dma_wait3A_357, %dma_wait3A_358, %dma_wait3A_361, %dma_wait3A_362] : memref<2x5x64x128xf32, #tpu.memory_space<vmem>> -> memref<1x1x64x128xf32, #tpu.memory_space<vmem>>
    %dma_wait3A_364 = tpu.memref_squeeze %dma_wait3A_363 : memref<1x1x64x128xf32, #tpu.memory_space<vmem>> -> memref<64x128xf32, #tpu.memory_space<vmem>>
    %dma_wait3A_365 = arith.constant 0 : i32
    %dma_wait3A_366 = tpu.memref_slice %arg5[%dma_wait3A_356, %dma_wait3A_365] : memref<100x64xi32, #tpu.memory_space<vmem>> -> memref<1x64xi32, #tpu.memory_space<vmem>>
    %dma_wait3A_367 = tpu.memref_squeeze %dma_wait3A_366 : memref<1x64xi32, #tpu.memory_space<vmem>> -> memref<64xi32, #tpu.memory_space<vmem>>
    %dma_wait3A_368 = arith.constant 0 : i32
    %dma_wait3A_369 = arith.constant 0 : i32
    %dma_wait3A_370 = tpu.memref_slice %arg3[%dma_wait3A_368, %dma_wait3A_369] : memref<1000000x128xf32, #tpu.memory_space<hbm>> -> memref<1000000x128xf32, #tpu.memory_space<hbm>>
    %dma_wait3A_371 = tpu.memref_slice %arg7[%dma_wait3A_359, %dma_wait3A_360] : memref<2x5x!tpu.dma_semaphore, #tpu.memory_space<semaphore_mem>> -> memref<1x1x!tpu.dma_semaphore, #tpu.memory_space<semaphore_mem>>
    %dma_wait3A_372 = tpu.memref_squeeze %dma_wait3A_371 : memref<1x1x!tpu.dma_semaphore, #tpu.memory_space<semaphore_mem>> -> memref<!tpu.dma_semaphore, #tpu.memory_space<semaphore_mem>>
    tpu.wait_indirect_dma semaphore(%dma_wait3A_372 : memref<!tpu.dma_semaphore, #tpu.memory_space<semaphore_mem>>) src(%dma_wait3A_370 : memref<1000000x128xf32, #tpu.memory_space<hbm>>) dst(%dma_wait3A_364 : memref<64x128xf32, #tpu.memory_space<vmem>>)
    %add3A_373 = arith.constant 320 : i32
    %add3A_374 = arith.addi %mul3A_2, %add3A_373 : i32
    %dma_start3A_375 = arith.constant 1 : i32
    %dma_start3A_376 = arith.constant 0 : i32
    %dma_start3A_377 = arith.constant 1 : i32
    %dma_start3A_378 = arith.constant 0 : i32
    %dma_start3A_379 = arith.constant 0 : i32
    %dma_start3A_380 = arith.constant 0 : i32
    %dma_start3A_381 = tpu.memref_slice %arg6[%dma_start3A_375, %dma_start3A_376, %dma_start3A_379, %dma_start3A_380] : memref<2x5x64x128xf32, #tpu.memory_space<vmem>> -> memref<1x1x64x128xf32, #tpu.memory_space<vmem>>
    %dma_start3A_382 = tpu.memref_squeeze %dma_start3A_381 : memref<1x1x64x128xf32, #tpu.memory_space<vmem>> -> memref<64x128xf32, #tpu.memory_space<vmem>>
    %dma_start3A_383 = arith.constant 0 : i32
    %dma_start3A_384 = tpu.memref_slice %arg4[%add3A_374, %dma_start3A_383] : memref<204800x128xf32, #tpu.memory_space<hbm>> -> memref<64x128xf32, #tpu.memory_space<hbm>>
    %dma_start3A_385 = tpu.memref_slice %arg8[%dma_start3A_377, %dma_start3A_378] : memref<2x5x!tpu.dma_semaphore, #tpu.memory_space<semaphore_mem>> -> memref<1x1x!tpu.dma_semaphore, #tpu.memory_space<semaphore_mem>>
    %dma_start3A_386 = tpu.memref_squeeze %dma_start3A_385 : memref<1x1x!tpu.dma_semaphore, #tpu.memory_space<semaphore_mem>> -> memref<!tpu.dma_semaphore, #tpu.memory_space<semaphore_mem>>
    %dma_start3A_387 = arith.constant 0 : i32
    %dma_start3A_388 = tpu.memref_slice %arg4[%add3A_374, %dma_start3A_387] : memref<204800x128xf32, #tpu.memory_space<hbm>> -> memref<64x128xf32, #tpu.memory_space<hbm>>
    %dma_start3A_389 = arith.constant 0 : i32
    %dma_start3A_390 = arith.constant 0 : i32
    %dma_start3A_391 = tpu.memref_slice %arg6[%dma_start3A_375, %dma_start3A_376, %dma_start3A_389, %dma_start3A_390] : memref<2x5x64x128xf32, #tpu.memory_space<vmem>> -> memref<1x1x64x128xf32, #tpu.memory_space<vmem>>
    %dma_start3A_392 = tpu.memref_squeeze %dma_start3A_391 : memref<1x1x64x128xf32, #tpu.memory_space<vmem>> -> memref<64x128xf32, #tpu.memory_space<vmem>>
    tpu.enqueue_dma source(%dma_start3A_392 : memref<64x128xf32, #tpu.memory_space<vmem>>) target(%dma_start3A_388 : memref<64x128xf32, #tpu.memory_space<hbm>>) target_semaphore(%dma_start3A_386 : memref<!tpu.dma_semaphore, #tpu.memory_space<semaphore_mem>>)
    %dma_wait3A_393 = arith.constant 6 : i32
    %dma_wait3A_394 = arith.constant 1 : i32
    %dma_wait3A_395 = arith.constant 1 : i32
    %dma_wait3A_396 = arith.constant 1 : i32
    %dma_wait3A_397 = arith.constant 1 : i32
    %dma_wait3A_398 = arith.constant 0 : i32
    %dma_wait3A_399 = arith.constant 0 : i32
    %dma_wait3A_400 = tpu.memref_slice %arg6[%dma_wait3A_394, %dma_wait3A_395, %dma_wait3A_398, %dma_wait3A_399] : memref<2x5x64x128xf32, #tpu.memory_space<vmem>> -> memref<1x1x64x128xf32, #tpu.memory_space<vmem>>
    %dma_wait3A_401 = tpu.memref_squeeze %dma_wait3A_400 : memref<1x1x64x128xf32, #tpu.memory_space<vmem>> -> memref<64x128xf32, #tpu.memory_space<vmem>>
    %dma_wait3A_402 = arith.constant 0 : i32
    %dma_wait3A_403 = tpu.memref_slice %arg5[%dma_wait3A_393, %dma_wait3A_402] : memref<100x64xi32, #tpu.memory_space<vmem>> -> memref<1x64xi32, #tpu.memory_space<vmem>>
    %dma_wait3A_404 = tpu.memref_squeeze %dma_wait3A_403 : memref<1x64xi32, #tpu.memory_space<vmem>> -> memref<64xi32, #tpu.memory_space<vmem>>
    %dma_wait3A_405 = arith.constant 0 : i32
    %dma_wait3A_406 = arith.constant 0 : i32
    %dma_wait3A_407 = tpu.memref_slice %arg3[%dma_wait3A_405, %dma_wait3A_406] : memref<1000000x128xf32, #tpu.memory_space<hbm>> -> memref<1000000x128xf32, #tpu.memory_space<hbm>>
    %dma_wait3A_408 = tpu.memref_slice %arg7[%dma_wait3A_396, %dma_wait3A_397] : memref<2x5x!tpu.dma_semaphore, #tpu.memory_space<semaphore_mem>> -> memref<1x1x!tpu.dma_semaphore, #tpu.memory_space<semaphore_mem>>
    %dma_wait3A_409 = tpu.memref_squeeze %dma_wait3A_408 : memref<1x1x!tpu.dma_semaphore, #tpu.memory_space<semaphore_mem>> -> memref<!tpu.dma_semaphore, #tpu.memory_space<semaphore_mem>>
    tpu.wait_indirect_dma semaphore(%dma_wait3A_409 : memref<!tpu.dma_semaphore, #tpu.memory_space<semaphore_mem>>) src(%dma_wait3A_407 : memref<1000000x128xf32, #tpu.memory_space<hbm>>) dst(%dma_wait3A_401 : memref<64x128xf32, #tpu.memory_space<vmem>>)
    %add3A_410 = arith.constant 384 : i32
    %add3A_411 = arith.addi %mul3A_2, %add3A_410 : i32
    %dma_start3A_412 = arith.constant 1 : i32
    %dma_start3A_413 = arith.constant 1 : i32
    %dma_start3A_414 = arith.constant 1 : i32
    %dma_start3A_415 = arith.constant 1 : i32
    %dma_start3A_416 = arith.constant 0 : i32
    %dma_start3A_417 = arith.constant 0 : i32
    %dma_start3A_418 = tpu.memref_slice %arg6[%dma_start3A_412, %dma_start3A_413, %dma_start3A_416, %dma_start3A_417] : memref<2x5x64x128xf32, #tpu.memory_space<vmem>> -> memref<1x1x64x128xf32, #tpu.memory_space<vmem>>
    %dma_start3A_419 = tpu.memref_squeeze %dma_start3A_418 : memref<1x1x64x128xf32, #tpu.memory_space<vmem>> -> memref<64x128xf32, #tpu.memory_space<vmem>>
    %dma_start3A_420 = arith.constant 0 : i32
    %dma_start3A_421 = tpu.memref_slice %arg4[%add3A_411, %dma_start3A_420] : memref<204800x128xf32, #tpu.memory_space<hbm>> -> memref<64x128xf32, #tpu.memory_space<hbm>>
    %dma_start3A_422 = tpu.memref_slice %arg8[%dma_start3A_414, %dma_start3A_415] : memref<2x5x!tpu.dma_semaphore, #tpu.memory_space<semaphore_mem>> -> memref<1x1x!tpu.dma_semaphore, #tpu.memory_space<semaphore_mem>>
    %dma_start3A_423 = tpu.memref_squeeze %dma_start3A_422 : memref<1x1x!tpu.dma_semaphore, #tpu.memory_space<semaphore_mem>> -> memref<!tpu.dma_semaphore, #tpu.memory_space<semaphore_mem>>
    %dma_start3A_424 = arith.constant 0 : i32
    %dma_start3A_425 = tpu.memref_slice %arg4[%add3A_411, %dma_start3A_424] : memref<204800x128xf32, #tpu.memory_space<hbm>> -> memref<64x128xf32, #tpu.memory_space<hbm>>
    %dma_start3A_426 = arith.constant 0 : i32
    %dma_start3A_427 = arith.constant 0 : i32
    %dma_start3A_428 = tpu.memref_slice %arg6[%dma_start3A_412, %dma_start3A_413, %dma_start3A_426, %dma_start3A_427] : memref<2x5x64x128xf32, #tpu.memory_space<vmem>> -> memref<1x1x64x128xf32, #tpu.memory_space<vmem>>
    %dma_start3A_429 = tpu.memref_squeeze %dma_start3A_428 : memref<1x1x64x128xf32, #tpu.memory_space<vmem>> -> memref<64x128xf32, #tpu.memory_space<vmem>>
    tpu.enqueue_dma source(%dma_start3A_429 : memref<64x128xf32, #tpu.memory_space<vmem>>) target(%dma_start3A_425 : memref<64x128xf32, #tpu.memory_space<hbm>>) target_semaphore(%dma_start3A_423 : memref<!tpu.dma_semaphore, #tpu.memory_space<semaphore_mem>>)
    %dma_wait3A_430 = arith.constant 7 : i32
    %dma_wait3A_431 = arith.constant 1 : i32
    %dma_wait3A_432 = arith.constant 2 : i32
    %dma_wait3A_433 = arith.constant 1 : i32
    %dma_wait3A_434 = arith.constant 2 : i32
    %dma_wait3A_435 = arith.constant 0 : i32
    %dma_wait3A_436 = arith.constant 0 : i32
    %dma_wait3A_437 = tpu.memref_slice %arg6[%dma_wait3A_431, %dma_wait3A_432, %dma_wait3A_435, %dma_wait3A_436] : memref<2x5x64x128xf32, #tpu.memory_space<vmem>> -> memref<1x1x64x128xf32, #tpu.memory_space<vmem>>
    %dma_wait3A_438 = tpu.memref_squeeze %dma_wait3A_437 : memref<1x1x64x128xf32, #tpu.memory_space<vmem>> -> memref<64x128xf32, #tpu.memory_space<vmem>>
    %dma_wait3A_439 = arith.constant 0 : i32
    %dma_wait3A_440 = tpu.memref_slice %arg5[%dma_wait3A_430, %dma_wait3A_439] : memref<100x64xi32, #tpu.memory_space<vmem>> -> memref<1x64xi32, #tpu.memory_space<vmem>>
    %dma_wait3A_441 = tpu.memref_squeeze %dma_wait3A_440 : memref<1x64xi32, #tpu.memory_space<vmem>> -> memref<64xi32, #tpu.memory_space<vmem>>
    %dma_wait3A_442 = arith.constant 0 : i32
    %dma_wait3A_443 = arith.constant 0 : i32
    %dma_wait3A_444 = tpu.memref_slice %arg3[%dma_wait3A_442, %dma_wait3A_443] : memref<1000000x128xf32, #tpu.memory_space<hbm>> -> memref<1000000x128xf32, #tpu.memory_space<hbm>>
    %dma_wait3A_445 = tpu.memref_slice %arg7[%dma_wait3A_433, %dma_wait3A_434] : memref<2x5x!tpu.dma_semaphore, #tpu.memory_space<semaphore_mem>> -> memref<1x1x!tpu.dma_semaphore, #tpu.memory_space<semaphore_mem>>
    %dma_wait3A_446 = tpu.memref_squeeze %dma_wait3A_445 : memref<1x1x!tpu.dma_semaphore, #tpu.memory_space<semaphore_mem>> -> memref<!tpu.dma_semaphore, #tpu.memory_space<semaphore_mem>>
    tpu.wait_indirect_dma semaphore(%dma_wait3A_446 : memref<!tpu.dma_semaphore, #tpu.memory_space<semaphore_mem>>) src(%dma_wait3A_444 : memref<1000000x128xf32, #tpu.memory_space<hbm>>) dst(%dma_wait3A_438 : memref<64x128xf32, #tpu.memory_space<vmem>>)
    %add3A_447 = arith.constant 448 : i32
    %add3A_448 = arith.addi %mul3A_2, %add3A_447 : i32
    %dma_start3A_449 = arith.constant 1 : i32
    %dma_start3A_450 = arith.constant 2 : i32
    %dma_start3A_451 = arith.constant 1 : i32
    %dma_start3A_452 = arith.constant 2 : i32
    %dma_start3A_453 = arith.constant 0 : i32
    %dma_start3A_454 = arith.constant 0 : i32
    %dma_start3A_455 = tpu.memref_slice %arg6[%dma_start3A_449, %dma_start3A_450, %dma_start3A_453, %dma_start3A_454] : memref<2x5x64x128xf32, #tpu.memory_space<vmem>> -> memref<1x1x64x128xf32, #tpu.memory_space<vmem>>
    %dma_start3A_456 = tpu.memref_squeeze %dma_start3A_455 : memref<1x1x64x128xf32, #tpu.memory_space<vmem>> -> memref<64x128xf32, #tpu.memory_space<vmem>>
    %dma_start3A_457 = arith.constant 0 : i32
    %dma_start3A_458 = tpu.memref_slice %arg4[%add3A_448, %dma_start3A_457] : memref<204800x128xf32, #tpu.memory_space<hbm>> -> memref<64x128xf32, #tpu.memory_space<hbm>>
    %dma_start3A_459 = tpu.memref_slice %arg8[%dma_start3A_451, %dma_start3A_452] : memref<2x5x!tpu.dma_semaphore, #tpu.memory_space<semaphore_mem>> -> memref<1x1x!tpu.dma_semaphore, #tpu.memory_space<semaphore_mem>>
    %dma_start3A_460 = tpu.memref_squeeze %dma_start3A_459 : memref<1x1x!tpu.dma_semaphore, #tpu.memory_space<semaphore_mem>> -> memref<!tpu.dma_semaphore, #tpu.memory_space<semaphore_mem>>
    %dma_start3A_461 = arith.constant 0 : i32
    %dma_start3A_462 = tpu.memref_slice %arg4[%add3A_448, %dma_start3A_461] : memref<204800x128xf32, #tpu.memory_space<hbm>> -> memref<64x128xf32, #tpu.memory_space<hbm>>
    %dma_start3A_463 = arith.constant 0 : i32
    %dma_start3A_464 = arith.constant 0 : i32
    %dma_start3A_465 = tpu.memref_slice %arg6[%dma_start3A_449, %dma_start3A_450, %dma_start3A_463, %dma_start3A_464] : memref<2x5x64x128xf32, #tpu.memory_space<vmem>> -> memref<1x1x64x128xf32, #tpu.memory_space<vmem>>
    %dma_start3A_466 = tpu.memref_squeeze %dma_start3A_465 : memref<1x1x64x128xf32, #tpu.memory_space<vmem>> -> memref<64x128xf32, #tpu.memory_space<vmem>>
    tpu.enqueue_dma source(%dma_start3A_466 : memref<64x128xf32, #tpu.memory_space<vmem>>) target(%dma_start3A_462 : memref<64x128xf32, #tpu.memory_space<hbm>>) target_semaphore(%dma_start3A_460 : memref<!tpu.dma_semaphore, #tpu.memory_space<semaphore_mem>>)
    %dma_wait3A_467 = arith.constant 8 : i32
    %dma_wait3A_468 = arith.constant 1 : i32
    %dma_wait3A_469 = arith.constant 3 : i32
    %dma_wait3A_470 = arith.constant 1 : i32
    %dma_wait3A_471 = arith.constant 3 : i32
    %dma_wait3A_472 = arith.constant 0 : i32
    %dma_wait3A_473 = arith.constant 0 : i32
    %dma_wait3A_474 = tpu.memref_slice %arg6[%dma_wait3A_468, %dma_wait3A_469, %dma_wait3A_472, %dma_wait3A_473] : memref<2x5x64x128xf32, #tpu.memory_space<vmem>> -> memref<1x1x64x128xf32, #tpu.memory_space<vmem>>
    %dma_wait3A_475 = tpu.memref_squeeze %dma_wait3A_474 : memref<1x1x64x128xf32, #tpu.memory_space<vmem>> -> memref<64x128xf32, #tpu.memory_space<vmem>>
    %dma_wait3A_476 = arith.constant 0 : i32
    %dma_wait3A_477 = tpu.memref_slice %arg5[%dma_wait3A_467, %dma_wait3A_476] : memref<100x64xi32, #tpu.memory_space<vmem>> -> memref<1x64xi32, #tpu.memory_space<vmem>>
    %dma_wait3A_478 = tpu.memref_squeeze %dma_wait3A_477 : memref<1x64xi32, #tpu.memory_space<vmem>> -> memref<64xi32, #tpu.memory_space<vmem>>
    %dma_wait3A_479 = arith.constant 0 : i32
    %dma_wait3A_480 = arith.constant 0 : i32
    %dma_wait3A_481 = tpu.memref_slice %arg3[%dma_wait3A_479, %dma_wait3A_480] : memref<1000000x128xf32, #tpu.memory_space<hbm>> -> memref<1000000x128xf32, #tpu.memory_space<hbm>>
    %dma_wait3A_482 = tpu.memref_slice %arg7[%dma_wait3A_470, %dma_wait3A_471] : memref<2x5x!tpu.dma_semaphore, #tpu.memory_space<semaphore_mem>> -> memref<1x1x!tpu.dma_semaphore, #tpu.memory_space<semaphore_mem>>
    %dma_wait3A_483 = tpu.memref_squeeze %dma_wait3A_482 : memref<1x1x!tpu.dma_semaphore, #tpu.memory_space<semaphore_mem>> -> memref<!tpu.dma_semaphore, #tpu.memory_space<semaphore_mem>>
    tpu.wait_indirect_dma semaphore(%dma_wait3A_483 : memref<!tpu.dma_semaphore, #tpu.memory_space<semaphore_mem>>) src(%dma_wait3A_481 : memref<1000000x128xf32, #tpu.memory_space<hbm>>) dst(%dma_wait3A_475 : memref<64x128xf32, #tpu.memory_space<vmem>>)
    %add3A_484 = arith.constant 512 : i32
    %add3A_485 = arith.addi %mul3A_2, %add3A_484 : i32
    %dma_start3A_486 = arith.constant 1 : i32
    %dma_start3A_487 = arith.constant 3 : i32
    %dma_start3A_488 = arith.constant 1 : i32
    %dma_start3A_489 = arith.constant 3 : i32
    %dma_start3A_490 = arith.constant 0 : i32
    %dma_start3A_491 = arith.constant 0 : i32
    %dma_start3A_492 = tpu.memref_slice %arg6[%dma_start3A_486, %dma_start3A_487, %dma_start3A_490, %dma_start3A_491] : memref<2x5x64x128xf32, #tpu.memory_space<vmem>> -> memref<1x1x64x128xf32, #tpu.memory_space<vmem>>
    %dma_start3A_493 = tpu.memref_squeeze %dma_start3A_492 : memref<1x1x64x128xf32, #tpu.memory_space<vmem>> -> memref<64x128xf32, #tpu.memory_space<vmem>>
    %dma_start3A_494 = arith.constant 0 : i32
    %dma_start3A_495 = tpu.memref_slice %arg4[%add3A_485, %dma_start3A_494] : memref<204800x128xf32, #tpu.memory_space<hbm>> -> memref<64x128xf32, #tpu.memory_space<hbm>>
    %dma_start3A_496 = tpu.memref_slice %arg8[%dma_start3A_488, %dma_start3A_489] : memref<2x5x!tpu.dma_semaphore, #tpu.memory_space<semaphore_mem>> -> memref<1x1x!tpu.dma_semaphore, #tpu.memory_space<semaphore_mem>>
    %dma_start3A_497 = tpu.memref_squeeze %dma_start3A_496 : memref<1x1x!tpu.dma_semaphore, #tpu.memory_space<semaphore_mem>> -> memref<!tpu.dma_semaphore, #tpu.memory_space<semaphore_mem>>
    %dma_start3A_498 = arith.constant 0 : i32
    %dma_start3A_499 = tpu.memref_slice %arg4[%add3A_485, %dma_start3A_498] : memref<204800x128xf32, #tpu.memory_space<hbm>> -> memref<64x128xf32, #tpu.memory_space<hbm>>
    %dma_start3A_500 = arith.constant 0 : i32
    %dma_start3A_501 = arith.constant 0 : i32
    %dma_start3A_502 = tpu.memref_slice %arg6[%dma_start3A_486, %dma_start3A_487, %dma_start3A_500, %dma_start3A_501] : memref<2x5x64x128xf32, #tpu.memory_space<vmem>> -> memref<1x1x64x128xf32, #tpu.memory_space<vmem>>
    %dma_start3A_503 = tpu.memref_squeeze %dma_start3A_502 : memref<1x1x64x128xf32, #tpu.memory_space<vmem>> -> memref<64x128xf32, #tpu.memory_space<vmem>>
    tpu.enqueue_dma source(%dma_start3A_503 : memref<64x128xf32, #tpu.memory_space<vmem>>) target(%dma_start3A_499 : memref<64x128xf32, #tpu.memory_space<hbm>>) target_semaphore(%dma_start3A_497 : memref<!tpu.dma_semaphore, #tpu.memory_space<semaphore_mem>>)
    %dma_wait3A_504 = arith.constant 9 : i32
    %dma_wait3A_505 = arith.constant 1 : i32
    %dma_wait3A_506 = arith.constant 4 : i32
    %dma_wait3A_507 = arith.constant 1 : i32
    %dma_wait3A_508 = arith.constant 4 : i32
    %dma_wait3A_509 = arith.constant 0 : i32
    %dma_wait3A_510 = arith.constant 0 : i32
    %dma_wait3A_511 = tpu.memref_slice %arg6[%dma_wait3A_505, %dma_wait3A_506, %dma_wait3A_509, %dma_wait3A_510] : memref<2x5x64x128xf32, #tpu.memory_space<vmem>> -> memref<1x1x64x128xf32, #tpu.memory_space<vmem>>
    %dma_wait3A_512 = tpu.memref_squeeze %dma_wait3A_511 : memref<1x1x64x128xf32, #tpu.memory_space<vmem>> -> memref<64x128xf32, #tpu.memory_space<vmem>>
    %dma_wait3A_513 = arith.constant 0 : i32
    %dma_wait3A_514 = tpu.memref_slice %arg5[%dma_wait3A_504, %dma_wait3A_513] : memref<100x64xi32, #tpu.memory_space<vmem>> -> memref<1x64xi32, #tpu.memory_space<vmem>>
    %dma_wait3A_515 = tpu.memref_squeeze %dma_wait3A_514 : memref<1x64xi32, #tpu.memory_space<vmem>> -> memref<64xi32, #tpu.memory_space<vmem>>
    %dma_wait3A_516 = arith.constant 0 : i32
    %dma_wait3A_517 = arith.constant 0 : i32
    %dma_wait3A_518 = tpu.memref_slice %arg3[%dma_wait3A_516, %dma_wait3A_517] : memref<1000000x128xf32, #tpu.memory_space<hbm>> -> memref<1000000x128xf32, #tpu.memory_space<hbm>>
    %dma_wait3A_519 = tpu.memref_slice %arg7[%dma_wait3A_507, %dma_wait3A_508] : memref<2x5x!tpu.dma_semaphore, #tpu.memory_space<semaphore_mem>> -> memref<1x1x!tpu.dma_semaphore, #tpu.memory_space<semaphore_mem>>
    %dma_wait3A_520 = tpu.memref_squeeze %dma_wait3A_519 : memref<1x1x!tpu.dma_semaphore, #tpu.memory_space<semaphore_mem>> -> memref<!tpu.dma_semaphore, #tpu.memory_space<semaphore_mem>>
    tpu.wait_indirect_dma semaphore(%dma_wait3A_520 : memref<!tpu.dma_semaphore, #tpu.memory_space<semaphore_mem>>) src(%dma_wait3A_518 : memref<1000000x128xf32, #tpu.memory_space<hbm>>) dst(%dma_wait3A_512 : memref<64x128xf32, #tpu.memory_space<vmem>>)
    %add3A_521 = arith.constant 576 : i32
    %add3A_522 = arith.addi %mul3A_2, %add3A_521 : i32
    %dma_start3A_523 = arith.constant 1 : i32
    %dma_start3A_524 = arith.constant 4 : i32
    %dma_start3A_525 = arith.constant 1 : i32
    %dma_start3A_526 = arith.constant 4 : i32
    %dma_start3A_527 = arith.constant 0 : i32
    %dma_start3A_528 = arith.constant 0 : i32
    %dma_start3A_529 = tpu.memref_slice %arg6[%dma_start3A_523, %dma_start3A_524, %dma_start3A_527, %dma_start3A_528] : memref<2x5x64x128xf32, #tpu.memory_space<vmem>> -> memref<1x1x64x128xf32, #tpu.memory_space<vmem>>
    %dma_start3A_530 = tpu.memref_squeeze %dma_start3A_529 : memref<1x1x64x128xf32, #tpu.memory_space<vmem>> -> memref<64x128xf32, #tpu.memory_space<vmem>>
    %dma_start3A_531 = arith.constant 0 : i32
    %dma_start3A_532 = tpu.memref_slice %arg4[%add3A_522, %dma_start3A_531] : memref<204800x128xf32, #tpu.memory_space<hbm>> -> memref<64x128xf32, #tpu.memory_space<hbm>>
    %dma_start3A_533 = tpu.memref_slice %arg8[%dma_start3A_525, %dma_start3A_526] : memref<2x5x!tpu.dma_semaphore, #tpu.memory_space<semaphore_mem>> -> memref<1x1x!tpu.dma_semaphore, #tpu.memory_space<semaphore_mem>>
    %dma_start3A_534 = tpu.memref_squeeze %dma_start3A_533 : memref<1x1x!tpu.dma_semaphore, #tpu.memory_space<semaphore_mem>> -> memref<!tpu.dma_semaphore, #tpu.memory_space<semaphore_mem>>
    %dma_start3A_535 = arith.constant 0 : i32
    %dma_start3A_536 = tpu.memref_slice %arg4[%add3A_522, %dma_start3A_535] : memref<204800x128xf32, #tpu.memory_space<hbm>> -> memref<64x128xf32, #tpu.memory_space<hbm>>
    %dma_start3A_537 = arith.constant 0 : i32
    %dma_start3A_538 = arith.constant 0 : i32
    %dma_start3A_539 = tpu.memref_slice %arg6[%dma_start3A_523, %dma_start3A_524, %dma_start3A_537, %dma_start3A_538] : memref<2x5x64x128xf32, #tpu.memory_space<vmem>> -> memref<1x1x64x128xf32, #tpu.memory_space<vmem>>
    %dma_start3A_540 = tpu.memref_squeeze %dma_start3A_539 : memref<1x1x64x128xf32, #tpu.memory_space<vmem>> -> memref<64x128xf32, #tpu.memory_space<vmem>>
    tpu.enqueue_dma source(%dma_start3A_540 : memref<64x128xf32, #tpu.memory_space<vmem>>) target(%dma_start3A_536 : memref<64x128xf32, #tpu.memory_space<hbm>>) target_semaphore(%dma_start3A_534 : memref<!tpu.dma_semaphore, #tpu.memory_space<semaphore_mem>>)
    %scan3A = arith.constant 0 : i32
    %scan3A_541 = arith.constant 0 : i32
    %scan3A_542 = arith.constant 9 : i32
    %scan3A_543 = arith.addi %scan3A_541, %scan3A_542 : i32
    %scan3A_544 = arith.constant 1 : i32
    scf.for %scan3A_726 = %scan3A_541 to %scan3A_543 step %scan3A_544  : i32 {
      %mul3A_727 = arith.constant 2 : i32
      %mul3A_728 = arith.muli %mul3A_727, %scan3A_726 : i32
      %add3A_729 = arith.constant 2 : i32
      %add3A_730 = arith.addi %mul3A_728, %add3A_729 : i32
      %dma_wait3A_731 = arith.constant 0 : i32
      %dma_wait3A_732 = arith.constant 0 : i32
      %dma_wait3A_733 = arith.constant 0 : i32
      %dma_wait3A_734 = arith.constant 0 : i32
      %dma_wait3A_735 = arith.constant 0 : i32
      %dma_wait3A_736 = arith.constant 0 : i32
      %dma_wait3A_737 = tpu.memref_slice %arg6[%dma_wait3A_731, %dma_wait3A_732, %dma_wait3A_735, %dma_wait3A_736] : memref<2x5x64x128xf32, #tpu.memory_space<vmem>> -> memref<1x1x64x128xf32, #tpu.memory_space<vmem>>
      %dma_wait3A_738 = tpu.memref_squeeze %dma_wait3A_737 : memref<1x1x64x128xf32, #tpu.memory_space<vmem>> -> memref<64x128xf32, #tpu.memory_space<vmem>>
      %dma_wait3A_739 = arith.constant 0 : i32
      %dma_wait3A_740 = tpu.memref_slice %arg4[%mul3A_2, %dma_wait3A_739] : memref<204800x128xf32, #tpu.memory_space<hbm>> -> memref<64x128xf32, #tpu.memory_space<hbm>>
      %dma_wait3A_741 = tpu.memref_slice %arg8[%dma_wait3A_733, %dma_wait3A_734] : memref<2x5x!tpu.dma_semaphore, #tpu.memory_space<semaphore_mem>> -> memref<1x1x!tpu.dma_semaphore, #tpu.memory_space<semaphore_mem>>
      %dma_wait3A_742 = tpu.memref_squeeze %dma_wait3A_741 : memref<1x1x!tpu.dma_semaphore, #tpu.memory_space<semaphore_mem>> -> memref<!tpu.dma_semaphore, #tpu.memory_space<semaphore_mem>>
      %dma_wait3A_743 = arith.constant 0 : i32
      %dma_wait3A_744 = tpu.memref_slice %arg4[%mul3A_2, %dma_wait3A_743] : memref<204800x128xf32, #tpu.memory_space<hbm>> -> memref<64x128xf32, #tpu.memory_space<hbm>>
      %dma_wait3A_745 = arith.constant 0 : i32
      %dma_wait3A_746 = arith.constant 0 : i32
      %dma_wait3A_747 = tpu.memref_slice %arg6[%dma_wait3A_731, %dma_wait3A_732, %dma_wait3A_745, %dma_wait3A_746] : memref<2x5x64x128xf32, #tpu.memory_space<vmem>> -> memref<1x1x64x128xf32, #tpu.memory_space<vmem>>
      %dma_wait3A_748 = tpu.memref_squeeze %dma_wait3A_747 : memref<1x1x64x128xf32, #tpu.memory_space<vmem>> -> memref<64x128xf32, #tpu.memory_space<vmem>>
      tpu.wait_dma2 semaphore(%dma_wait3A_742 : memref<!tpu.dma_semaphore, #tpu.memory_space<semaphore_mem>>) src(%dma_wait3A_748 : memref<64x128xf32, #tpu.memory_space<vmem>>) dst(%dma_wait3A_744 : memref<64x128xf32, #tpu.memory_space<hbm>>)
      %dma_wait3A_749 = arith.constant 0 : i32
      %dma_wait3A_750 = arith.constant 1 : i32
      %dma_wait3A_751 = arith.constant 0 : i32
      %dma_wait3A_752 = arith.constant 1 : i32
      %dma_wait3A_753 = arith.constant 0 : i32
      %dma_wait3A_754 = arith.constant 0 : i32
      %dma_wait3A_755 = tpu.memref_slice %arg6[%dma_wait3A_749, %dma_wait3A_750, %dma_wait3A_753, %dma_wait3A_754] : memref<2x5x64x128xf32, #tpu.memory_space<vmem>> -> memref<1x1x64x128xf32, #tpu.memory_space<vmem>>
      %dma_wait3A_756 = tpu.memref_squeeze %dma_wait3A_755 : memref<1x1x64x128xf32, #tpu.memory_space<vmem>> -> memref<64x128xf32, #tpu.memory_space<vmem>>
      %dma_wait3A_757 = arith.constant 0 : i32
      %dma_wait3A_758 = tpu.memref_slice %arg4[%mul3A_2, %dma_wait3A_757] : memref<204800x128xf32, #tpu.memory_space<hbm>> -> memref<64x128xf32, #tpu.memory_space<hbm>>
      %dma_wait3A_759 = tpu.memref_slice %arg8[%dma_wait3A_751, %dma_wait3A_752] : memref<2x5x!tpu.dma_semaphore, #tpu.memory_space<semaphore_mem>> -> memref<1x1x!tpu.dma_semaphore, #tpu.memory_space<semaphore_mem>>
      %dma_wait3A_760 = tpu.memref_squeeze %dma_wait3A_759 : memref<1x1x!tpu.dma_semaphore, #tpu.memory_space<semaphore_mem>> -> memref<!tpu.dma_semaphore, #tpu.memory_space<semaphore_mem>>
      %dma_wait3A_761 = arith.constant 0 : i32
      %dma_wait3A_762 = tpu.memref_slice %arg4[%mul3A_2, %dma_wait3A_761] : memref<204800x128xf32, #tpu.memory_space<hbm>> -> memref<64x128xf32, #tpu.memory_space<hbm>>
      %dma_wait3A_763 = arith.constant 0 : i32
      %dma_wait3A_764 = arith.constant 0 : i32
      %dma_wait3A_765 = tpu.memref_slice %arg6[%dma_wait3A_749, %dma_wait3A_750, %dma_wait3A_763, %dma_wait3A_764] : memref<2x5x64x128xf32, #tpu.memory_space<vmem>> -> memref<1x1x64x128xf32, #tpu.memory_space<vmem>>
      %dma_wait3A_766 = tpu.memref_squeeze %dma_wait3A_765 : memref<1x1x64x128xf32, #tpu.memory_space<vmem>> -> memref<64x128xf32, #tpu.memory_space<vmem>>
      tpu.wait_dma2 semaphore(%dma_wait3A_760 : memref<!tpu.dma_semaphore, #tpu.memory_space<semaphore_mem>>) src(%dma_wait3A_766 : memref<64x128xf32, #tpu.memory_space<vmem>>) dst(%dma_wait3A_762 : memref<64x128xf32, #tpu.memory_space<hbm>>)
      %dma_wait3A_767 = arith.constant 0 : i32
      %dma_wait3A_768 = arith.constant 2 : i32
      %dma_wait3A_769 = arith.constant 0 : i32
      %dma_wait3A_770 = arith.constant 2 : i32
      %dma_wait3A_771 = arith.constant 0 : i32
      %dma_wait3A_772 = arith.constant 0 : i32
      %dma_wait3A_773 = tpu.memref_slice %arg6[%dma_wait3A_767, %dma_wait3A_768, %dma_wait3A_771, %dma_wait3A_772] : memref<2x5x64x128xf32, #tpu.memory_space<vmem>> -> memref<1x1x64x128xf32, #tpu.memory_space<vmem>>
      %dma_wait3A_774 = tpu.memref_squeeze %dma_wait3A_773 : memref<1x1x64x128xf32, #tpu.memory_space<vmem>> -> memref<64x128xf32, #tpu.memory_space<vmem>>
      %dma_wait3A_775 = arith.constant 0 : i32
      %dma_wait3A_776 = tpu.memref_slice %arg4[%mul3A_2, %dma_wait3A_775] : memref<204800x128xf32, #tpu.memory_space<hbm>> -> memref<64x128xf32, #tpu.memory_space<hbm>>
      %dma_wait3A_777 = tpu.memref_slice %arg8[%dma_wait3A_769, %dma_wait3A_770] : memref<2x5x!tpu.dma_semaphore, #tpu.memory_space<semaphore_mem>> -> memref<1x1x!tpu.dma_semaphore, #tpu.memory_space<semaphore_mem>>
      %dma_wait3A_778 = tpu.memref_squeeze %dma_wait3A_777 : memref<1x1x!tpu.dma_semaphore, #tpu.memory_space<semaphore_mem>> -> memref<!tpu.dma_semaphore, #tpu.memory_space<semaphore_mem>>
      %dma_wait3A_779 = arith.constant 0 : i32
      %dma_wait3A_780 = tpu.memref_slice %arg4[%mul3A_2, %dma_wait3A_779] : memref<204800x128xf32, #tpu.memory_space<hbm>> -> memref<64x128xf32, #tpu.memory_space<hbm>>
      %dma_wait3A_781 = arith.constant 0 : i32
      %dma_wait3A_782 = arith.constant 0 : i32
      %dma_wait3A_783 = tpu.memref_slice %arg6[%dma_wait3A_767, %dma_wait3A_768, %dma_wait3A_781, %dma_wait3A_782] : memref<2x5x64x128xf32, #tpu.memory_space<vmem>> -> memref<1x1x64x128xf32, #tpu.memory_space<vmem>>
      %dma_wait3A_784 = tpu.memref_squeeze %dma_wait3A_783 : memref<1x1x64x128xf32, #tpu.memory_space<vmem>> -> memref<64x128xf32, #tpu.memory_space<vmem>>
      tpu.wait_dma2 semaphore(%dma_wait3A_778 : memref<!tpu.dma_semaphore, #tpu.memory_space<semaphore_mem>>) src(%dma_wait3A_784 : memref<64x128xf32, #tpu.memory_space<vmem>>) dst(%dma_wait3A_780 : memref<64x128xf32, #tpu.memory_space<hbm>>)
      %dma_wait3A_785 = arith.constant 0 : i32
      %dma_wait3A_786 = arith.constant 3 : i32
      %dma_wait3A_787 = arith.constant 0 : i32
      %dma_wait3A_788 = arith.constant 3 : i32
      %dma_wait3A_789 = arith.constant 0 : i32
      %dma_wait3A_790 = arith.constant 0 : i32
      %dma_wait3A_791 = tpu.memref_slice %arg6[%dma_wait3A_785, %dma_wait3A_786, %dma_wait3A_789, %dma_wait3A_790] : memref<2x5x64x128xf32, #tpu.memory_space<vmem>> -> memref<1x1x64x128xf32, #tpu.memory_space<vmem>>
      %dma_wait3A_792 = tpu.memref_squeeze %dma_wait3A_791 : memref<1x1x64x128xf32, #tpu.memory_space<vmem>> -> memref<64x128xf32, #tpu.memory_space<vmem>>
      %dma_wait3A_793 = arith.constant 0 : i32
      %dma_wait3A_794 = tpu.memref_slice %arg4[%mul3A_2, %dma_wait3A_793] : memref<204800x128xf32, #tpu.memory_space<hbm>> -> memref<64x128xf32, #tpu.memory_space<hbm>>
      %dma_wait3A_795 = tpu.memref_slice %arg8[%dma_wait3A_787, %dma_wait3A_788] : memref<2x5x!tpu.dma_semaphore, #tpu.memory_space<semaphore_mem>> -> memref<1x1x!tpu.dma_semaphore, #tpu.memory_space<semaphore_mem>>
      %dma_wait3A_796 = tpu.memref_squeeze %dma_wait3A_795 : memref<1x1x!tpu.dma_semaphore, #tpu.memory_space<semaphore_mem>> -> memref<!tpu.dma_semaphore, #tpu.memory_space<semaphore_mem>>
      %dma_wait3A_797 = arith.constant 0 : i32
      %dma_wait3A_798 = tpu.memref_slice %arg4[%mul3A_2, %dma_wait3A_797] : memref<204800x128xf32, #tpu.memory_space<hbm>> -> memref<64x128xf32, #tpu.memory_space<hbm>>
      %dma_wait3A_799 = arith.constant 0 : i32
      %dma_wait3A_800 = arith.constant 0 : i32
      %dma_wait3A_801 = tpu.memref_slice %arg6[%dma_wait3A_785, %dma_wait3A_786, %dma_wait3A_799, %dma_wait3A_800] : memref<2x5x64x128xf32, #tpu.memory_space<vmem>> -> memref<1x1x64x128xf32, #tpu.memory_space<vmem>>
      %dma_wait3A_802 = tpu.memref_squeeze %dma_wait3A_801 : memref<1x1x64x128xf32, #tpu.memory_space<vmem>> -> memref<64x128xf32, #tpu.memory_space<vmem>>
      tpu.wait_dma2 semaphore(%dma_wait3A_796 : memref<!tpu.dma_semaphore, #tpu.memory_space<semaphore_mem>>) src(%dma_wait3A_802 : memref<64x128xf32, #tpu.memory_space<vmem>>) dst(%dma_wait3A_798 : memref<64x128xf32, #tpu.memory_space<hbm>>)
      %dma_wait3A_803 = arith.constant 0 : i32
      %dma_wait3A_804 = arith.constant 4 : i32
      %dma_wait3A_805 = arith.constant 0 : i32
      %dma_wait3A_806 = arith.constant 4 : i32
      %dma_wait3A_807 = arith.constant 0 : i32
      %dma_wait3A_808 = arith.constant 0 : i32
      %dma_wait3A_809 = tpu.memref_slice %arg6[%dma_wait3A_803, %dma_wait3A_804, %dma_wait3A_807, %dma_wait3A_808] : memref<2x5x64x128xf32, #tpu.memory_space<vmem>> -> memref<1x1x64x128xf32, #tpu.memory_space<vmem>>
      %dma_wait3A_810 = tpu.memref_squeeze %dma_wait3A_809 : memref<1x1x64x128xf32, #tpu.memory_space<vmem>> -> memref<64x128xf32, #tpu.memory_space<vmem>>
      %dma_wait3A_811 = arith.constant 0 : i32
      %dma_wait3A_812 = tpu.memref_slice %arg4[%mul3A_2, %dma_wait3A_811] : memref<204800x128xf32, #tpu.memory_space<hbm>> -> memref<64x128xf32, #tpu.memory_space<hbm>>
      %dma_wait3A_813 = tpu.memref_slice %arg8[%dma_wait3A_805, %dma_wait3A_806] : memref<2x5x!tpu.dma_semaphore, #tpu.memory_space<semaphore_mem>> -> memref<1x1x!tpu.dma_semaphore, #tpu.memory_space<semaphore_mem>>
      %dma_wait3A_814 = tpu.memref_squeeze %dma_wait3A_813 : memref<1x1x!tpu.dma_semaphore, #tpu.memory_space<semaphore_mem>> -> memref<!tpu.dma_semaphore, #tpu.memory_space<semaphore_mem>>
      %dma_wait3A_815 = arith.constant 0 : i32
      %dma_wait3A_816 = tpu.memref_slice %arg4[%mul3A_2, %dma_wait3A_815] : memref<204800x128xf32, #tpu.memory_space<hbm>> -> memref<64x128xf32, #tpu.memory_space<hbm>>
      %dma_wait3A_817 = arith.constant 0 : i32
      %dma_wait3A_818 = arith.constant 0 : i32
      %dma_wait3A_819 = tpu.memref_slice %arg6[%dma_wait3A_803, %dma_wait3A_804, %dma_wait3A_817, %dma_wait3A_818] : memref<2x5x64x128xf32, #tpu.memory_space<vmem>> -> memref<1x1x64x128xf32, #tpu.memory_space<vmem>>
      %dma_wait3A_820 = tpu.memref_squeeze %dma_wait3A_819 : memref<1x1x64x128xf32, #tpu.memory_space<vmem>> -> memref<64x128xf32, #tpu.memory_space<vmem>>
      tpu.wait_dma2 semaphore(%dma_wait3A_814 : memref<!tpu.dma_semaphore, #tpu.memory_space<semaphore_mem>>) src(%dma_wait3A_820 : memref<64x128xf32, #tpu.memory_space<vmem>>) dst(%dma_wait3A_816 : memref<64x128xf32, #tpu.memory_space<hbm>>)
      %mul3A_821 = arith.constant 5 : i32
      %mul3A_822 = arith.muli %add3A_730, %mul3A_821 : i32
      %add3A_823 = arith.constant 0 : i32
      %add3A_824 = arith.addi %mul3A_822, %add3A_823 : i32
      %dma_start3A_825 = arith.constant 0 : i32
      %dma_start3A_826 = arith.constant 0 : i32
      %dma_start3A_827 = arith.constant 0 : i32
      %dma_start3A_828 = arith.constant 0 : i32
      %dma_start3A_829 = arith.constant 0 : i32
      %dma_start3A_830 = arith.constant 0 : i32
      %dma_start3A_831 = tpu.memref_slice %arg6[%dma_start3A_825, %dma_start3A_826, %dma_start3A_829, %dma_start3A_830] : memref<2x5x64x128xf32, #tpu.memory_space<vmem>> -> memref<1x1x64x128xf32, #tpu.memory_space<vmem>>
      %dma_start3A_832 = tpu.memref_squeeze %dma_start3A_831 : memref<1x1x64x128xf32, #tpu.memory_space<vmem>> -> memref<64x128xf32, #tpu.memory_space<vmem>>
      %dma_start3A_833 = arith.constant 0 : i32
      %dma_start3A_834 = tpu.memref_slice %arg5[%add3A_824, %dma_start3A_833] : memref<100x64xi32, #tpu.memory_space<vmem>> -> memref<1x64xi32, #tpu.memory_space<vmem>>
      %dma_start3A_835 = tpu.memref_squeeze %dma_start3A_834 : memref<1x64xi32, #tpu.memory_space<vmem>> -> memref<64xi32, #tpu.memory_space<vmem>>
      %dma_start3A_836 = arith.constant 0 : i32
      %dma_start3A_837 = arith.constant 0 : i32
      %dma_start3A_838 = tpu.memref_slice %arg3[%dma_start3A_836, %dma_start3A_837] : memref<1000000x128xf32, #tpu.memory_space<hbm>> -> memref<1000000x128xf32, #tpu.memory_space<hbm>>
      %dma_start3A_839 = tpu.memref_slice %arg7[%dma_start3A_827, %dma_start3A_828] : memref<2x5x!tpu.dma_semaphore, #tpu.memory_space<semaphore_mem>> -> memref<1x1x!tpu.dma_semaphore, #tpu.memory_space<semaphore_mem>>
      %dma_start3A_840 = tpu.memref_squeeze %dma_start3A_839 : memref<1x1x!tpu.dma_semaphore, #tpu.memory_space<semaphore_mem>> -> memref<!tpu.dma_semaphore, #tpu.memory_space<semaphore_mem>>
      tpu.enqueue_indirect_dma source(%dma_start3A_838 : memref<1000000x128xf32, #tpu.memory_space<hbm>>) target(%dma_start3A_832 : memref<64x128xf32, #tpu.memory_space<vmem>>) offsets(%dma_start3A_835 : memref<64xi32, #tpu.memory_space<vmem>>) semaphore(%dma_start3A_840 : memref<!tpu.dma_semaphore, #tpu.memory_space<semaphore_mem>>)
      %mul3A_841 = arith.constant 5 : i32
      %mul3A_842 = arith.muli %add3A_730, %mul3A_841 : i32
      %add3A_843 = arith.constant 1 : i32
      %add3A_844 = arith.addi %mul3A_842, %add3A_843 : i32
      %dma_start3A_845 = arith.constant 0 : i32
      %dma_start3A_846 = arith.constant 1 : i32
      %dma_start3A_847 = arith.constant 0 : i32
      %dma_start3A_848 = arith.constant 1 : i32
      %dma_start3A_849 = arith.constant 0 : i32
      %dma_start3A_850 = arith.constant 0 : i32
      %dma_start3A_851 = tpu.memref_slice %arg6[%dma_start3A_845, %dma_start3A_846, %dma_start3A_849, %dma_start3A_850] : memref<2x5x64x128xf32, #tpu.memory_space<vmem>> -> memref<1x1x64x128xf32, #tpu.memory_space<vmem>>
      %dma_start3A_852 = tpu.memref_squeeze %dma_start3A_851 : memref<1x1x64x128xf32, #tpu.memory_space<vmem>> -> memref<64x128xf32, #tpu.memory_space<vmem>>
      %dma_start3A_853 = arith.constant 0 : i32
      %dma_start3A_854 = tpu.memref_slice %arg5[%add3A_844, %dma_start3A_853] : memref<100x64xi32, #tpu.memory_space<vmem>> -> memref<1x64xi32, #tpu.memory_space<vmem>>
      %dma_start3A_855 = tpu.memref_squeeze %dma_start3A_854 : memref<1x64xi32, #tpu.memory_space<vmem>> -> memref<64xi32, #tpu.memory_space<vmem>>
      %dma_start3A_856 = arith.constant 0 : i32
      %dma_start3A_857 = arith.constant 0 : i32
      %dma_start3A_858 = tpu.memref_slice %arg3[%dma_start3A_856, %dma_start3A_857] : memref<1000000x128xf32, #tpu.memory_space<hbm>> -> memref<1000000x128xf32, #tpu.memory_space<hbm>>
      %dma_start3A_859 = tpu.memref_slice %arg7[%dma_start3A_847, %dma_start3A_848] : memref<2x5x!tpu.dma_semaphore, #tpu.memory_space<semaphore_mem>> -> memref<1x1x!tpu.dma_semaphore, #tpu.memory_space<semaphore_mem>>
      %dma_start3A_860 = tpu.memref_squeeze %dma_start3A_859 : memref<1x1x!tpu.dma_semaphore, #tpu.memory_space<semaphore_mem>> -> memref<!tpu.dma_semaphore, #tpu.memory_space<semaphore_mem>>
      tpu.enqueue_indirect_dma source(%dma_start3A_858 : memref<1000000x128xf32, #tpu.memory_space<hbm>>) target(%dma_start3A_852 : memref<64x128xf32, #tpu.memory_space<vmem>>) offsets(%dma_start3A_855 : memref<64xi32, #tpu.memory_space<vmem>>) semaphore(%dma_start3A_860 : memref<!tpu.dma_semaphore, #tpu.memory_space<semaphore_mem>>)
      %mul3A_861 = arith.constant 5 : i32
      %mul3A_862 = arith.muli %add3A_730, %mul3A_861 : i32
      %add3A_863 = arith.constant 2 : i32
      %add3A_864 = arith.addi %mul3A_862, %add3A_863 : i32
      %dma_start3A_865 = arith.constant 0 : i32
      %dma_start3A_866 = arith.constant 2 : i32
      %dma_start3A_867 = arith.constant 0 : i32
      %dma_start3A_868 = arith.constant 2 : i32
      %dma_start3A_869 = arith.constant 0 : i32
      %dma_start3A_870 = arith.constant 0 : i32
      %dma_start3A_871 = tpu.memref_slice %arg6[%dma_start3A_865, %dma_start3A_866, %dma_start3A_869, %dma_start3A_870] : memref<2x5x64x128xf32, #tpu.memory_space<vmem>> -> memref<1x1x64x128xf32, #tpu.memory_space<vmem>>
      %dma_start3A_872 = tpu.memref_squeeze %dma_start3A_871 : memref<1x1x64x128xf32, #tpu.memory_space<vmem>> -> memref<64x128xf32, #tpu.memory_space<vmem>>
      %dma_start3A_873 = arith.constant 0 : i32
      %dma_start3A_874 = tpu.memref_slice %arg5[%add3A_864, %dma_start3A_873] : memref<100x64xi32, #tpu.memory_space<vmem>> -> memref<1x64xi32, #tpu.memory_space<vmem>>
      %dma_start3A_875 = tpu.memref_squeeze %dma_start3A_874 : memref<1x64xi32, #tpu.memory_space<vmem>> -> memref<64xi32, #tpu.memory_space<vmem>>
      %dma_start3A_876 = arith.constant 0 : i32
      %dma_start3A_877 = arith.constant 0 : i32
      %dma_start3A_878 = tpu.memref_slice %arg3[%dma_start3A_876, %dma_start3A_877] : memref<1000000x128xf32, #tpu.memory_space<hbm>> -> memref<1000000x128xf32, #tpu.memory_space<hbm>>
      %dma_start3A_879 = tpu.memref_slice %arg7[%dma_start3A_867, %dma_start3A_868] : memref<2x5x!tpu.dma_semaphore, #tpu.memory_space<semaphore_mem>> -> memref<1x1x!tpu.dma_semaphore, #tpu.memory_space<semaphore_mem>>
      %dma_start3A_880 = tpu.memref_squeeze %dma_start3A_879 : memref<1x1x!tpu.dma_semaphore, #tpu.memory_space<semaphore_mem>> -> memref<!tpu.dma_semaphore, #tpu.memory_space<semaphore_mem>>
      tpu.enqueue_indirect_dma source(%dma_start3A_878 : memref<1000000x128xf32, #tpu.memory_space<hbm>>) target(%dma_start3A_872 : memref<64x128xf32, #tpu.memory_space<vmem>>) offsets(%dma_start3A_875 : memref<64xi32, #tpu.memory_space<vmem>>) semaphore(%dma_start3A_880 : memref<!tpu.dma_semaphore, #tpu.memory_space<semaphore_mem>>)
      %mul3A_881 = arith.constant 5 : i32
      %mul3A_882 = arith.muli %add3A_730, %mul3A_881 : i32
      %add3A_883 = arith.constant 3 : i32
      %add3A_884 = arith.addi %mul3A_882, %add3A_883 : i32
      %dma_start3A_885 = arith.constant 0 : i32
      %dma_start3A_886 = arith.constant 3 : i32
      %dma_start3A_887 = arith.constant 0 : i32
      %dma_start3A_888 = arith.constant 3 : i32
      %dma_start3A_889 = arith.constant 0 : i32
      %dma_start3A_890 = arith.constant 0 : i32
      %dma_start3A_891 = tpu.memref_slice %arg6[%dma_start3A_885, %dma_start3A_886, %dma_start3A_889, %dma_start3A_890] : memref<2x5x64x128xf32, #tpu.memory_space<vmem>> -> memref<1x1x64x128xf32, #tpu.memory_space<vmem>>
      %dma_start3A_892 = tpu.memref_squeeze %dma_start3A_891 : memref<1x1x64x128xf32, #tpu.memory_space<vmem>> -> memref<64x128xf32, #tpu.memory_space<vmem>>
      %dma_start3A_893 = arith.constant 0 : i32
      %dma_start3A_894 = tpu.memref_slice %arg5[%add3A_884, %dma_start3A_893] : memref<100x64xi32, #tpu.memory_space<vmem>> -> memref<1x64xi32, #tpu.memory_space<vmem>>
      %dma_start3A_895 = tpu.memref_squeeze %dma_start3A_894 : memref<1x64xi32, #tpu.memory_space<vmem>> -> memref<64xi32, #tpu.memory_space<vmem>>
      %dma_start3A_896 = arith.constant 0 : i32
      %dma_start3A_897 = arith.constant 0 : i32
      %dma_start3A_898 = tpu.memref_slice %arg3[%dma_start3A_896, %dma_start3A_897] : memref<1000000x128xf32, #tpu.memory_space<hbm>> -> memref<1000000x128xf32, #tpu.memory_space<hbm>>
      %dma_start3A_899 = tpu.memref_slice %arg7[%dma_start3A_887, %dma_start3A_888] : memref<2x5x!tpu.dma_semaphore, #tpu.memory_space<semaphore_mem>> -> memref<1x1x!tpu.dma_semaphore, #tpu.memory_space<semaphore_mem>>
      %dma_start3A_900 = tpu.memref_squeeze %dma_start3A_899 : memref<1x1x!tpu.dma_semaphore, #tpu.memory_space<semaphore_mem>> -> memref<!tpu.dma_semaphore, #tpu.memory_space<semaphore_mem>>
      tpu.enqueue_indirect_dma source(%dma_start3A_898 : memref<1000000x128xf32, #tpu.memory_space<hbm>>) target(%dma_start3A_892 : memref<64x128xf32, #tpu.memory_space<vmem>>) offsets(%dma_start3A_895 : memref<64xi32, #tpu.memory_space<vmem>>) semaphore(%dma_start3A_900 : memref<!tpu.dma_semaphore, #tpu.memory_space<semaphore_mem>>)
      %mul3A_901 = arith.constant 5 : i32
      %mul3A_902 = arith.muli %add3A_730, %mul3A_901 : i32
      %add3A_903 = arith.constant 4 : i32
      %add3A_904 = arith.addi %mul3A_902, %add3A_903 : i32
      %dma_start3A_905 = arith.constant 0 : i32
      %dma_start3A_906 = arith.constant 4 : i32
      %dma_start3A_907 = arith.constant 0 : i32
      %dma_start3A_908 = arith.constant 4 : i32
      %dma_start3A_909 = arith.constant 0 : i32
      %dma_start3A_910 = arith.constant 0 : i32
      %dma_start3A_911 = tpu.memref_slice %arg6[%dma_start3A_905, %dma_start3A_906, %dma_start3A_909, %dma_start3A_910] : memref<2x5x64x128xf32, #tpu.memory_space<vmem>> -> memref<1x1x64x128xf32, #tpu.memory_space<vmem>>
      %dma_start3A_912 = tpu.memref_squeeze %dma_start3A_911 : memref<1x1x64x128xf32, #tpu.memory_space<vmem>> -> memref<64x128xf32, #tpu.memory_space<vmem>>
      %dma_start3A_913 = arith.constant 0 : i32
      %dma_start3A_914 = tpu.memref_slice %arg5[%add3A_904, %dma_start3A_913] : memref<100x64xi32, #tpu.memory_space<vmem>> -> memref<1x64xi32, #tpu.memory_space<vmem>>
      %dma_start3A_915 = tpu.memref_squeeze %dma_start3A_914 : memref<1x64xi32, #tpu.memory_space<vmem>> -> memref<64xi32, #tpu.memory_space<vmem>>
      %dma_start3A_916 = arith.constant 0 : i32
      %dma_start3A_917 = arith.constant 0 : i32
      %dma_start3A_918 = tpu.memref_slice %arg3[%dma_start3A_916, %dma_start3A_917] : memref<1000000x128xf32, #tpu.memory_space<hbm>> -> memref<1000000x128xf32, #tpu.memory_space<hbm>>
      %dma_start3A_919 = tpu.memref_slice %arg7[%dma_start3A_907, %dma_start3A_908] : memref<2x5x!tpu.dma_semaphore, #tpu.memory_space<semaphore_mem>> -> memref<1x1x!tpu.dma_semaphore, #tpu.memory_space<semaphore_mem>>
      %dma_start3A_920 = tpu.memref_squeeze %dma_start3A_919 : memref<1x1x!tpu.dma_semaphore, #tpu.memory_space<semaphore_mem>> -> memref<!tpu.dma_semaphore, #tpu.memory_space<semaphore_mem>>
      tpu.enqueue_indirect_dma source(%dma_start3A_918 : memref<1000000x128xf32, #tpu.memory_space<hbm>>) target(%dma_start3A_912 : memref<64x128xf32, #tpu.memory_space<vmem>>) offsets(%dma_start3A_915 : memref<64xi32, #tpu.memory_space<vmem>>) semaphore(%dma_start3A_920 : memref<!tpu.dma_semaphore, #tpu.memory_space<semaphore_mem>>)
      %dma_wait3A_921 = arith.constant 0 : i32
      %dma_wait3A_922 = arith.constant 0 : i32
      %dma_wait3A_923 = arith.constant 0 : i32
      %dma_wait3A_924 = arith.constant 0 : i32
      %dma_wait3A_925 = arith.constant 0 : i32
      %dma_wait3A_926 = arith.constant 0 : i32
      %dma_wait3A_927 = tpu.memref_slice %arg6[%dma_wait3A_921, %dma_wait3A_922, %dma_wait3A_925, %dma_wait3A_926] : memref<2x5x64x128xf32, #tpu.memory_space<vmem>> -> memref<1x1x64x128xf32, #tpu.memory_space<vmem>>
      %dma_wait3A_928 = tpu.memref_squeeze %dma_wait3A_927 : memref<1x1x64x128xf32, #tpu.memory_space<vmem>> -> memref<64x128xf32, #tpu.memory_space<vmem>>
      %dma_wait3A_929 = arith.constant 0 : i32
      %dma_wait3A_930 = tpu.memref_slice %arg5[%add3A_824, %dma_wait3A_929] : memref<100x64xi32, #tpu.memory_space<vmem>> -> memref<1x64xi32, #tpu.memory_space<vmem>>
      %dma_wait3A_931 = tpu.memref_squeeze %dma_wait3A_930 : memref<1x64xi32, #tpu.memory_space<vmem>> -> memref<64xi32, #tpu.memory_space<vmem>>
      %dma_wait3A_932 = arith.constant 0 : i32
      %dma_wait3A_933 = arith.constant 0 : i32
      %dma_wait3A_934 = tpu.memref_slice %arg3[%dma_wait3A_932, %dma_wait3A_933] : memref<1000000x128xf32, #tpu.memory_space<hbm>> -> memref<1000000x128xf32, #tpu.memory_space<hbm>>
      %dma_wait3A_935 = tpu.memref_slice %arg7[%dma_wait3A_923, %dma_wait3A_924] : memref<2x5x!tpu.dma_semaphore, #tpu.memory_space<semaphore_mem>> -> memref<1x1x!tpu.dma_semaphore, #tpu.memory_space<semaphore_mem>>
      %dma_wait3A_936 = tpu.memref_squeeze %dma_wait3A_935 : memref<1x1x!tpu.dma_semaphore, #tpu.memory_space<semaphore_mem>> -> memref<!tpu.dma_semaphore, #tpu.memory_space<semaphore_mem>>
      tpu.wait_indirect_dma semaphore(%dma_wait3A_936 : memref<!tpu.dma_semaphore, #tpu.memory_space<semaphore_mem>>) src(%dma_wait3A_934 : memref<1000000x128xf32, #tpu.memory_space<hbm>>) dst(%dma_wait3A_928 : memref<64x128xf32, #tpu.memory_space<vmem>>)
      %mul3A_937 = arith.constant 5 : i32
      %mul3A_938 = arith.muli %add3A_730, %mul3A_937 : i32
      %add3A_939 = arith.constant 0 : i32
      %add3A_940 = arith.addi %mul3A_938, %add3A_939 : i32
      %mul3A_941 = arith.constant 64 : i32
      %mul3A_942 = arith.muli %add3A_940, %mul3A_941 : i32
      %add3A_943 = arith.addi %mul3A_2, %mul3A_942 : i32
      %dma_start3A_944 = arith.constant 0 : i32
      %dma_start3A_945 = arith.constant 0 : i32
      %dma_start3A_946 = arith.constant 0 : i32
      %dma_start3A_947 = arith.constant 0 : i32
      %dma_start3A_948 = arith.constant 0 : i32
      %dma_start3A_949 = arith.constant 0 : i32
      %dma_start3A_950 = tpu.memref_slice %arg6[%dma_start3A_944, %dma_start3A_945, %dma_start3A_948, %dma_start3A_949] : memref<2x5x64x128xf32, #tpu.memory_space<vmem>> -> memref<1x1x64x128xf32, #tpu.memory_space<vmem>>
      %dma_start3A_951 = tpu.memref_squeeze %dma_start3A_950 : memref<1x1x64x128xf32, #tpu.memory_space<vmem>> -> memref<64x128xf32, #tpu.memory_space<vmem>>
      %dma_start3A_952 = arith.constant 0 : i32
      %dma_start3A_953 = tpu.memref_slice %arg4[%add3A_943, %dma_start3A_952] : memref<204800x128xf32, #tpu.memory_space<hbm>> -> memref<64x128xf32, #tpu.memory_space<hbm>>
      %dma_start3A_954 = tpu.memref_slice %arg8[%dma_start3A_946, %dma_start3A_947] : memref<2x5x!tpu.dma_semaphore, #tpu.memory_space<semaphore_mem>> -> memref<1x1x!tpu.dma_semaphore, #tpu.memory_space<semaphore_mem>>
      %dma_start3A_955 = tpu.memref_squeeze %dma_start3A_954 : memref<1x1x!tpu.dma_semaphore, #tpu.memory_space<semaphore_mem>> -> memref<!tpu.dma_semaphore, #tpu.memory_space<semaphore_mem>>
      %dma_start3A_956 = arith.constant 0 : i32
      %dma_start3A_957 = tpu.memref_slice %arg4[%add3A_943, %dma_start3A_956] : memref<204800x128xf32, #tpu.memory_space<hbm>> -> memref<64x128xf32, #tpu.memory_space<hbm>>
      %dma_start3A_958 = arith.constant 0 : i32
      %dma_start3A_959 = arith.constant 0 : i32
      %dma_start3A_960 = tpu.memref_slice %arg6[%dma_start3A_944, %dma_start3A_945, %dma_start3A_958, %dma_start3A_959] : memref<2x5x64x128xf32, #tpu.memory_space<vmem>> -> memref<1x1x64x128xf32, #tpu.memory_space<vmem>>
      %dma_start3A_961 = tpu.memref_squeeze %dma_start3A_960 : memref<1x1x64x128xf32, #tpu.memory_space<vmem>> -> memref<64x128xf32, #tpu.memory_space<vmem>>
      tpu.enqueue_dma source(%dma_start3A_961 : memref<64x128xf32, #tpu.memory_space<vmem>>) target(%dma_start3A_957 : memref<64x128xf32, #tpu.memory_space<hbm>>) target_semaphore(%dma_start3A_955 : memref<!tpu.dma_semaphore, #tpu.memory_space<semaphore_mem>>)
      %dma_wait3A_962 = arith.constant 0 : i32
      %dma_wait3A_963 = arith.constant 1 : i32
      %dma_wait3A_964 = arith.constant 0 : i32
      %dma_wait3A_965 = arith.constant 1 : i32
      %dma_wait3A_966 = arith.constant 0 : i32
      %dma_wait3A_967 = arith.constant 0 : i32
      %dma_wait3A_968 = tpu.memref_slice %arg6[%dma_wait3A_962, %dma_wait3A_963, %dma_wait3A_966, %dma_wait3A_967] : memref<2x5x64x128xf32, #tpu.memory_space<vmem>> -> memref<1x1x64x128xf32, #tpu.memory_space<vmem>>
      %dma_wait3A_969 = tpu.memref_squeeze %dma_wait3A_968 : memref<1x1x64x128xf32, #tpu.memory_space<vmem>> -> memref<64x128xf32, #tpu.memory_space<vmem>>
      %dma_wait3A_970 = arith.constant 0 : i32
      %dma_wait3A_971 = tpu.memref_slice %arg5[%add3A_844, %dma_wait3A_970] : memref<100x64xi32, #tpu.memory_space<vmem>> -> memref<1x64xi32, #tpu.memory_space<vmem>>
      %dma_wait3A_972 = tpu.memref_squeeze %dma_wait3A_971 : memref<1x64xi32, #tpu.memory_space<vmem>> -> memref<64xi32, #tpu.memory_space<vmem>>
      %dma_wait3A_973 = arith.constant 0 : i32
      %dma_wait3A_974 = arith.constant 0 : i32
      %dma_wait3A_975 = tpu.memref_slice %arg3[%dma_wait3A_973, %dma_wait3A_974] : memref<1000000x128xf32, #tpu.memory_space<hbm>> -> memref<1000000x128xf32, #tpu.memory_space<hbm>>
      %dma_wait3A_976 = tpu.memref_slice %arg7[%dma_wait3A_964, %dma_wait3A_965] : memref<2x5x!tpu.dma_semaphore, #tpu.memory_space<semaphore_mem>> -> memref<1x1x!tpu.dma_semaphore, #tpu.memory_space<semaphore_mem>>
      %dma_wait3A_977 = tpu.memref_squeeze %dma_wait3A_976 : memref<1x1x!tpu.dma_semaphore, #tpu.memory_space<semaphore_mem>> -> memref<!tpu.dma_semaphore, #tpu.memory_space<semaphore_mem>>
      tpu.wait_indirect_dma semaphore(%dma_wait3A_977 : memref<!tpu.dma_semaphore, #tpu.memory_space<semaphore_mem>>) src(%dma_wait3A_975 : memref<1000000x128xf32, #tpu.memory_space<hbm>>) dst(%dma_wait3A_969 : memref<64x128xf32, #tpu.memory_space<vmem>>)
      %mul3A_978 = arith.constant 5 : i32
      %mul3A_979 = arith.muli %add3A_730, %mul3A_978 : i32
      %add3A_980 = arith.constant 1 : i32
      %add3A_981 = arith.addi %mul3A_979, %add3A_980 : i32
      %mul3A_982 = arith.constant 64 : i32
      %mul3A_983 = arith.muli %add3A_981, %mul3A_982 : i32
      %add3A_984 = arith.addi %mul3A_2, %mul3A_983 : i32
      %dma_start3A_985 = arith.constant 0 : i32
      %dma_start3A_986 = arith.constant 1 : i32
      %dma_start3A_987 = arith.constant 0 : i32
      %dma_start3A_988 = arith.constant 1 : i32
      %dma_start3A_989 = arith.constant 0 : i32
      %dma_start3A_990 = arith.constant 0 : i32
      %dma_start3A_991 = tpu.memref_slice %arg6[%dma_start3A_985, %dma_start3A_986, %dma_start3A_989, %dma_start3A_990] : memref<2x5x64x128xf32, #tpu.memory_space<vmem>> -> memref<1x1x64x128xf32, #tpu.memory_space<vmem>>
      %dma_start3A_992 = tpu.memref_squeeze %dma_start3A_991 : memref<1x1x64x128xf32, #tpu.memory_space<vmem>> -> memref<64x128xf32, #tpu.memory_space<vmem>>
      %dma_start3A_993 = arith.constant 0 : i32
      %dma_start3A_994 = tpu.memref_slice %arg4[%add3A_984, %dma_start3A_993] : memref<204800x128xf32, #tpu.memory_space<hbm>> -> memref<64x128xf32, #tpu.memory_space<hbm>>
      %dma_start3A_995 = tpu.memref_slice %arg8[%dma_start3A_987, %dma_start3A_988] : memref<2x5x!tpu.dma_semaphore, #tpu.memory_space<semaphore_mem>> -> memref<1x1x!tpu.dma_semaphore, #tpu.memory_space<semaphore_mem>>
      %dma_start3A_996 = tpu.memref_squeeze %dma_start3A_995 : memref<1x1x!tpu.dma_semaphore, #tpu.memory_space<semaphore_mem>> -> memref<!tpu.dma_semaphore, #tpu.memory_space<semaphore_mem>>
      %dma_start3A_997 = arith.constant 0 : i32
      %dma_start3A_998 = tpu.memref_slice %arg4[%add3A_984, %dma_start3A_997] : memref<204800x128xf32, #tpu.memory_space<hbm>> -> memref<64x128xf32, #tpu.memory_space<hbm>>
      %dma_start3A_999 = arith.constant 0 : i32
      %dma_start3A_1000 = arith.constant 0 : i32
      %dma_start3A_1001 = tpu.memref_slice %arg6[%dma_start3A_985, %dma_start3A_986, %dma_start3A_999, %dma_start3A_1000] : memref<2x5x64x128xf32, #tpu.memory_space<vmem>> -> memref<1x1x64x128xf32, #tpu.memory_space<vmem>>
      %dma_start3A_1002 = tpu.memref_squeeze %dma_start3A_1001 : memref<1x1x64x128xf32, #tpu.memory_space<vmem>> -> memref<64x128xf32, #tpu.memory_space<vmem>>
      tpu.enqueue_dma source(%dma_start3A_1002 : memref<64x128xf32, #tpu.memory_space<vmem>>) target(%dma_start3A_998 : memref<64x128xf32, #tpu.memory_space<hbm>>) target_semaphore(%dma_start3A_996 : memref<!tpu.dma_semaphore, #tpu.memory_space<semaphore_mem>>)
      %dma_wait3A_1003 = arith.constant 0 : i32
      %dma_wait3A_1004 = arith.constant 2 : i32
      %dma_wait3A_1005 = arith.constant 0 : i32
      %dma_wait3A_1006 = arith.constant 2 : i32
      %dma_wait3A_1007 = arith.constant 0 : i32
      %dma_wait3A_1008 = arith.constant 0 : i32
      %dma_wait3A_1009 = tpu.memref_slice %arg6[%dma_wait3A_1003, %dma_wait3A_1004, %dma_wait3A_1007, %dma_wait3A_1008] : memref<2x5x64x128xf32, #tpu.memory_space<vmem>> -> memref<1x1x64x128xf32, #tpu.memory_space<vmem>>
      %dma_wait3A_1010 = tpu.memref_squeeze %dma_wait3A_1009 : memref<1x1x64x128xf32, #tpu.memory_space<vmem>> -> memref<64x128xf32, #tpu.memory_space<vmem>>
      %dma_wait3A_1011 = arith.constant 0 : i32
      %dma_wait3A_1012 = tpu.memref_slice %arg5[%add3A_864, %dma_wait3A_1011] : memref<100x64xi32, #tpu.memory_space<vmem>> -> memref<1x64xi32, #tpu.memory_space<vmem>>
      %dma_wait3A_1013 = tpu.memref_squeeze %dma_wait3A_1012 : memref<1x64xi32, #tpu.memory_space<vmem>> -> memref<64xi32, #tpu.memory_space<vmem>>
      %dma_wait3A_1014 = arith.constant 0 : i32
      %dma_wait3A_1015 = arith.constant 0 : i32
      %dma_wait3A_1016 = tpu.memref_slice %arg3[%dma_wait3A_1014, %dma_wait3A_1015] : memref<1000000x128xf32, #tpu.memory_space<hbm>> -> memref<1000000x128xf32, #tpu.memory_space<hbm>>
      %dma_wait3A_1017 = tpu.memref_slice %arg7[%dma_wait3A_1005, %dma_wait3A_1006] : memref<2x5x!tpu.dma_semaphore, #tpu.memory_space<semaphore_mem>> -> memref<1x1x!tpu.dma_semaphore, #tpu.memory_space<semaphore_mem>>
      %dma_wait3A_1018 = tpu.memref_squeeze %dma_wait3A_1017 : memref<1x1x!tpu.dma_semaphore, #tpu.memory_space<semaphore_mem>> -> memref<!tpu.dma_semaphore, #tpu.memory_space<semaphore_mem>>
      tpu.wait_indirect_dma semaphore(%dma_wait3A_1018 : memref<!tpu.dma_semaphore, #tpu.memory_space<semaphore_mem>>) src(%dma_wait3A_1016 : memref<1000000x128xf32, #tpu.memory_space<hbm>>) dst(%dma_wait3A_1010 : memref<64x128xf32, #tpu.memory_space<vmem>>)
      %mul3A_1019 = arith.constant 5 : i32
      %mul3A_1020 = arith.muli %add3A_730, %mul3A_1019 : i32
      %add3A_1021 = arith.constant 2 : i32
      %add3A_1022 = arith.addi %mul3A_1020, %add3A_1021 : i32
      %mul3A_1023 = arith.constant 64 : i32
      %mul3A_1024 = arith.muli %add3A_1022, %mul3A_1023 : i32
      %add3A_1025 = arith.addi %mul3A_2, %mul3A_1024 : i32
      %dma_start3A_1026 = arith.constant 0 : i32
      %dma_start3A_1027 = arith.constant 2 : i32
      %dma_start3A_1028 = arith.constant 0 : i32
      %dma_start3A_1029 = arith.constant 2 : i32
      %dma_start3A_1030 = arith.constant 0 : i32
      %dma_start3A_1031 = arith.constant 0 : i32
      %dma_start3A_1032 = tpu.memref_slice %arg6[%dma_start3A_1026, %dma_start3A_1027, %dma_start3A_1030, %dma_start3A_1031] : memref<2x5x64x128xf32, #tpu.memory_space<vmem>> -> memref<1x1x64x128xf32, #tpu.memory_space<vmem>>
      %dma_start3A_1033 = tpu.memref_squeeze %dma_start3A_1032 : memref<1x1x64x128xf32, #tpu.memory_space<vmem>> -> memref<64x128xf32, #tpu.memory_space<vmem>>
      %dma_start3A_1034 = arith.constant 0 : i32
      %dma_start3A_1035 = tpu.memref_slice %arg4[%add3A_1025, %dma_start3A_1034] : memref<204800x128xf32, #tpu.memory_space<hbm>> -> memref<64x128xf32, #tpu.memory_space<hbm>>
      %dma_start3A_1036 = tpu.memref_slice %arg8[%dma_start3A_1028, %dma_start3A_1029] : memref<2x5x!tpu.dma_semaphore, #tpu.memory_space<semaphore_mem>> -> memref<1x1x!tpu.dma_semaphore, #tpu.memory_space<semaphore_mem>>
      %dma_start3A_1037 = tpu.memref_squeeze %dma_start3A_1036 : memref<1x1x!tpu.dma_semaphore, #tpu.memory_space<semaphore_mem>> -> memref<!tpu.dma_semaphore, #tpu.memory_space<semaphore_mem>>
      %dma_start3A_1038 = arith.constant 0 : i32
      %dma_start3A_1039 = tpu.memref_slice %arg4[%add3A_1025, %dma_start3A_1038] : memref<204800x128xf32, #tpu.memory_space<hbm>> -> memref<64x128xf32, #tpu.memory_space<hbm>>
      %dma_start3A_1040 = arith.constant 0 : i32
      %dma_start3A_1041 = arith.constant 0 : i32
      %dma_start3A_1042 = tpu.memref_slice %arg6[%dma_start3A_1026, %dma_start3A_1027, %dma_start3A_1040, %dma_start3A_1041] : memref<2x5x64x128xf32, #tpu.memory_space<vmem>> -> memref<1x1x64x128xf32, #tpu.memory_space<vmem>>
      %dma_start3A_1043 = tpu.memref_squeeze %dma_start3A_1042 : memref<1x1x64x128xf32, #tpu.memory_space<vmem>> -> memref<64x128xf32, #tpu.memory_space<vmem>>
      tpu.enqueue_dma source(%dma_start3A_1043 : memref<64x128xf32, #tpu.memory_space<vmem>>) target(%dma_start3A_1039 : memref<64x128xf32, #tpu.memory_space<hbm>>) target_semaphore(%dma_start3A_1037 : memref<!tpu.dma_semaphore, #tpu.memory_space<semaphore_mem>>)
      %dma_wait3A_1044 = arith.constant 0 : i32
      %dma_wait3A_1045 = arith.constant 3 : i32
      %dma_wait3A_1046 = arith.constant 0 : i32
      %dma_wait3A_1047 = arith.constant 3 : i32
      %dma_wait3A_1048 = arith.constant 0 : i32
      %dma_wait3A_1049 = arith.constant 0 : i32
      %dma_wait3A_1050 = tpu.memref_slice %arg6[%dma_wait3A_1044, %dma_wait3A_1045, %dma_wait3A_1048, %dma_wait3A_1049] : memref<2x5x64x128xf32, #tpu.memory_space<vmem>> -> memref<1x1x64x128xf32, #tpu.memory_space<vmem>>
      %dma_wait3A_1051 = tpu.memref_squeeze %dma_wait3A_1050 : memref<1x1x64x128xf32, #tpu.memory_space<vmem>> -> memref<64x128xf32, #tpu.memory_space<vmem>>
      %dma_wait3A_1052 = arith.constant 0 : i32
      %dma_wait3A_1053 = tpu.memref_slice %arg5[%add3A_884, %dma_wait3A_1052] : memref<100x64xi32, #tpu.memory_space<vmem>> -> memref<1x64xi32, #tpu.memory_space<vmem>>
      %dma_wait3A_1054 = tpu.memref_squeeze %dma_wait3A_1053 : memref<1x64xi32, #tpu.memory_space<vmem>> -> memref<64xi32, #tpu.memory_space<vmem>>
      %dma_wait3A_1055 = arith.constant 0 : i32
      %dma_wait3A_1056 = arith.constant 0 : i32
      %dma_wait3A_1057 = tpu.memref_slice %arg3[%dma_wait3A_1055, %dma_wait3A_1056] : memref<1000000x128xf32, #tpu.memory_space<hbm>> -> memref<1000000x128xf32, #tpu.memory_space<hbm>>
      %dma_wait3A_1058 = tpu.memref_slice %arg7[%dma_wait3A_1046, %dma_wait3A_1047] : memref<2x5x!tpu.dma_semaphore, #tpu.memory_space<semaphore_mem>> -> memref<1x1x!tpu.dma_semaphore, #tpu.memory_space<semaphore_mem>>
      %dma_wait3A_1059 = tpu.memref_squeeze %dma_wait3A_1058 : memref<1x1x!tpu.dma_semaphore, #tpu.memory_space<semaphore_mem>> -> memref<!tpu.dma_semaphore, #tpu.memory_space<semaphore_mem>>
      tpu.wait_indirect_dma semaphore(%dma_wait3A_1059 : memref<!tpu.dma_semaphore, #tpu.memory_space<semaphore_mem>>) src(%dma_wait3A_1057 : memref<1000000x128xf32, #tpu.memory_space<hbm>>) dst(%dma_wait3A_1051 : memref<64x128xf32, #tpu.memory_space<vmem>>)
      %mul3A_1060 = arith.constant 5 : i32
      %mul3A_1061 = arith.muli %add3A_730, %mul3A_1060 : i32
      %add3A_1062 = arith.constant 3 : i32
      %add3A_1063 = arith.addi %mul3A_1061, %add3A_1062 : i32
      %mul3A_1064 = arith.constant 64 : i32
      %mul3A_1065 = arith.muli %add3A_1063, %mul3A_1064 : i32
      %add3A_1066 = arith.addi %mul3A_2, %mul3A_1065 : i32
      %dma_start3A_1067 = arith.constant 0 : i32
      %dma_start3A_1068 = arith.constant 3 : i32
      %dma_start3A_1069 = arith.constant 0 : i32
      %dma_start3A_1070 = arith.constant 3 : i32
      %dma_start3A_1071 = arith.constant 0 : i32
      %dma_start3A_1072 = arith.constant 0 : i32
      %dma_start3A_1073 = tpu.memref_slice %arg6[%dma_start3A_1067, %dma_start3A_1068, %dma_start3A_1071, %dma_start3A_1072] : memref<2x5x64x128xf32, #tpu.memory_space<vmem>> -> memref<1x1x64x128xf32, #tpu.memory_space<vmem>>
      %dma_start3A_1074 = tpu.memref_squeeze %dma_start3A_1073 : memref<1x1x64x128xf32, #tpu.memory_space<vmem>> -> memref<64x128xf32, #tpu.memory_space<vmem>>
      %dma_start3A_1075 = arith.constant 0 : i32
      %dma_start3A_1076 = tpu.memref_slice %arg4[%add3A_1066, %dma_start3A_1075] : memref<204800x128xf32, #tpu.memory_space<hbm>> -> memref<64x128xf32, #tpu.memory_space<hbm>>
      %dma_start3A_1077 = tpu.memref_slice %arg8[%dma_start3A_1069, %dma_start3A_1070] : memref<2x5x!tpu.dma_semaphore, #tpu.memory_space<semaphore_mem>> -> memref<1x1x!tpu.dma_semaphore, #tpu.memory_space<semaphore_mem>>
      %dma_start3A_1078 = tpu.memref_squeeze %dma_start3A_1077 : memref<1x1x!tpu.dma_semaphore, #tpu.memory_space<semaphore_mem>> -> memref<!tpu.dma_semaphore, #tpu.memory_space<semaphore_mem>>
      %dma_start3A_1079 = arith.constant 0 : i32
      %dma_start3A_1080 = tpu.memref_slice %arg4[%add3A_1066, %dma_start3A_1079] : memref<204800x128xf32, #tpu.memory_space<hbm>> -> memref<64x128xf32, #tpu.memory_space<hbm>>
      %dma_start3A_1081 = arith.constant 0 : i32
      %dma_start3A_1082 = arith.constant 0 : i32
      %dma_start3A_1083 = tpu.memref_slice %arg6[%dma_start3A_1067, %dma_start3A_1068, %dma_start3A_1081, %dma_start3A_1082] : memref<2x5x64x128xf32, #tpu.memory_space<vmem>> -> memref<1x1x64x128xf32, #tpu.memory_space<vmem>>
      %dma_start3A_1084 = tpu.memref_squeeze %dma_start3A_1083 : memref<1x1x64x128xf32, #tpu.memory_space<vmem>> -> memref<64x128xf32, #tpu.memory_space<vmem>>
      tpu.enqueue_dma source(%dma_start3A_1084 : memref<64x128xf32, #tpu.memory_space<vmem>>) target(%dma_start3A_1080 : memref<64x128xf32, #tpu.memory_space<hbm>>) target_semaphore(%dma_start3A_1078 : memref<!tpu.dma_semaphore, #tpu.memory_space<semaphore_mem>>)
      %dma_wait3A_1085 = arith.constant 0 : i32
      %dma_wait3A_1086 = arith.constant 4 : i32
      %dma_wait3A_1087 = arith.constant 0 : i32
      %dma_wait3A_1088 = arith.constant 4 : i32
      %dma_wait3A_1089 = arith.constant 0 : i32
      %dma_wait3A_1090 = arith.constant 0 : i32
      %dma_wait3A_1091 = tpu.memref_slice %arg6[%dma_wait3A_1085, %dma_wait3A_1086, %dma_wait3A_1089, %dma_wait3A_1090] : memref<2x5x64x128xf32, #tpu.memory_space<vmem>> -> memref<1x1x64x128xf32, #tpu.memory_space<vmem>>
      %dma_wait3A_1092 = tpu.memref_squeeze %dma_wait3A_1091 : memref<1x1x64x128xf32, #tpu.memory_space<vmem>> -> memref<64x128xf32, #tpu.memory_space<vmem>>
      %dma_wait3A_1093 = arith.constant 0 : i32
      %dma_wait3A_1094 = tpu.memref_slice %arg5[%add3A_904, %dma_wait3A_1093] : memref<100x64xi32, #tpu.memory_space<vmem>> -> memref<1x64xi32, #tpu.memory_space<vmem>>
      %dma_wait3A_1095 = tpu.memref_squeeze %dma_wait3A_1094 : memref<1x64xi32, #tpu.memory_space<vmem>> -> memref<64xi32, #tpu.memory_space<vmem>>
      %dma_wait3A_1096 = arith.constant 0 : i32
      %dma_wait3A_1097 = arith.constant 0 : i32
      %dma_wait3A_1098 = tpu.memref_slice %arg3[%dma_wait3A_1096, %dma_wait3A_1097] : memref<1000000x128xf32, #tpu.memory_space<hbm>> -> memref<1000000x128xf32, #tpu.memory_space<hbm>>
      %dma_wait3A_1099 = tpu.memref_slice %arg7[%dma_wait3A_1087, %dma_wait3A_1088] : memref<2x5x!tpu.dma_semaphore, #tpu.memory_space<semaphore_mem>> -> memref<1x1x!tpu.dma_semaphore, #tpu.memory_space<semaphore_mem>>
      %dma_wait3A_1100 = tpu.memref_squeeze %dma_wait3A_1099 : memref<1x1x!tpu.dma_semaphore, #tpu.memory_space<semaphore_mem>> -> memref<!tpu.dma_semaphore, #tpu.memory_space<semaphore_mem>>
      tpu.wait_indirect_dma semaphore(%dma_wait3A_1100 : memref<!tpu.dma_semaphore, #tpu.memory_space<semaphore_mem>>) src(%dma_wait3A_1098 : memref<1000000x128xf32, #tpu.memory_space<hbm>>) dst(%dma_wait3A_1092 : memref<64x128xf32, #tpu.memory_space<vmem>>)
      %mul3A_1101 = arith.constant 5 : i32
      %mul3A_1102 = arith.muli %add3A_730, %mul3A_1101 : i32
      %add3A_1103 = arith.constant 4 : i32
      %add3A_1104 = arith.addi %mul3A_1102, %add3A_1103 : i32
      %mul3A_1105 = arith.constant 64 : i32
      %mul3A_1106 = arith.muli %add3A_1104, %mul3A_1105 : i32
      %add3A_1107 = arith.addi %mul3A_2, %mul3A_1106 : i32
      %dma_start3A_1108 = arith.constant 0 : i32
      %dma_start3A_1109 = arith.constant 4 : i32
      %dma_start3A_1110 = arith.constant 0 : i32
      %dma_start3A_1111 = arith.constant 4 : i32
      %dma_start3A_1112 = arith.constant 0 : i32
      %dma_start3A_1113 = arith.constant 0 : i32
      %dma_start3A_1114 = tpu.memref_slice %arg6[%dma_start3A_1108, %dma_start3A_1109, %dma_start3A_1112, %dma_start3A_1113] : memref<2x5x64x128xf32, #tpu.memory_space<vmem>> -> memref<1x1x64x128xf32, #tpu.memory_space<vmem>>
      %dma_start3A_1115 = tpu.memref_squeeze %dma_start3A_1114 : memref<1x1x64x128xf32, #tpu.memory_space<vmem>> -> memref<64x128xf32, #tpu.memory_space<vmem>>
      %dma_start3A_1116 = arith.constant 0 : i32
      %dma_start3A_1117 = tpu.memref_slice %arg4[%add3A_1107, %dma_start3A_1116] : memref<204800x128xf32, #tpu.memory_space<hbm>> -> memref<64x128xf32, #tpu.memory_space<hbm>>
      %dma_start3A_1118 = tpu.memref_slice %arg8[%dma_start3A_1110, %dma_start3A_1111] : memref<2x5x!tpu.dma_semaphore, #tpu.memory_space<semaphore_mem>> -> memref<1x1x!tpu.dma_semaphore, #tpu.memory_space<semaphore_mem>>
      %dma_start3A_1119 = tpu.memref_squeeze %dma_start3A_1118 : memref<1x1x!tpu.dma_semaphore, #tpu.memory_space<semaphore_mem>> -> memref<!tpu.dma_semaphore, #tpu.memory_space<semaphore_mem>>
      %dma_start3A_1120 = arith.constant 0 : i32
      %dma_start3A_1121 = tpu.memref_slice %arg4[%add3A_1107, %dma_start3A_1120] : memref<204800x128xf32, #tpu.memory_space<hbm>> -> memref<64x128xf32, #tpu.memory_space<hbm>>
      %dma_start3A_1122 = arith.constant 0 : i32
      %dma_start3A_1123 = arith.constant 0 : i32
      %dma_start3A_1124 = tpu.memref_slice %arg6[%dma_start3A_1108, %dma_start3A_1109, %dma_start3A_1122, %dma_start3A_1123] : memref<2x5x64x128xf32, #tpu.memory_space<vmem>> -> memref<1x1x64x128xf32, #tpu.memory_space<vmem>>
      %dma_start3A_1125 = tpu.memref_squeeze %dma_start3A_1124 : memref<1x1x64x128xf32, #tpu.memory_space<vmem>> -> memref<64x128xf32, #tpu.memory_space<vmem>>
      tpu.enqueue_dma source(%dma_start3A_1125 : memref<64x128xf32, #tpu.memory_space<vmem>>) target(%dma_start3A_1121 : memref<64x128xf32, #tpu.memory_space<hbm>>) target_semaphore(%dma_start3A_1119 : memref<!tpu.dma_semaphore, #tpu.memory_space<semaphore_mem>>)
      %add3A_1126 = arith.constant 1 : i32
      %add3A_1127 = arith.addi %add3A_730, %add3A_1126 : i32
      %dma_wait3A_1128 = arith.constant 1 : i32
      %dma_wait3A_1129 = arith.constant 0 : i32
      %dma_wait3A_1130 = arith.constant 1 : i32
      %dma_wait3A_1131 = arith.constant 0 : i32
      %dma_wait3A_1132 = arith.constant 0 : i32
      %dma_wait3A_1133 = arith.constant 0 : i32
      %dma_wait3A_1134 = tpu.memref_slice %arg6[%dma_wait3A_1128, %dma_wait3A_1129, %dma_wait3A_1132, %dma_wait3A_1133] : memref<2x5x64x128xf32, #tpu.memory_space<vmem>> -> memref<1x1x64x128xf32, #tpu.memory_space<vmem>>
      %dma_wait3A_1135 = tpu.memref_squeeze %dma_wait3A_1134 : memref<1x1x64x128xf32, #tpu.memory_space<vmem>> -> memref<64x128xf32, #tpu.memory_space<vmem>>
      %dma_wait3A_1136 = arith.constant 0 : i32
      %dma_wait3A_1137 = tpu.memref_slice %arg4[%mul3A_2, %dma_wait3A_1136] : memref<204800x128xf32, #tpu.memory_space<hbm>> -> memref<64x128xf32, #tpu.memory_space<hbm>>
      %dma_wait3A_1138 = tpu.memref_slice %arg8[%dma_wait3A_1130, %dma_wait3A_1131] : memref<2x5x!tpu.dma_semaphore, #tpu.memory_space<semaphore_mem>> -> memref<1x1x!tpu.dma_semaphore, #tpu.memory_space<semaphore_mem>>
      %dma_wait3A_1139 = tpu.memref_squeeze %dma_wait3A_1138 : memref<1x1x!tpu.dma_semaphore, #tpu.memory_space<semaphore_mem>> -> memref<!tpu.dma_semaphore, #tpu.memory_space<semaphore_mem>>
      %dma_wait3A_1140 = arith.constant 0 : i32
      %dma_wait3A_1141 = tpu.memref_slice %arg4[%mul3A_2, %dma_wait3A_1140] : memref<204800x128xf32, #tpu.memory_space<hbm>> -> memref<64x128xf32, #tpu.memory_space<hbm>>
      %dma_wait3A_1142 = arith.constant 0 : i32
      %dma_wait3A_1143 = arith.constant 0 : i32
      %dma_wait3A_1144 = tpu.memref_slice %arg6[%dma_wait3A_1128, %dma_wait3A_1129, %dma_wait3A_1142, %dma_wait3A_1143] : memref<2x5x64x128xf32, #tpu.memory_space<vmem>> -> memref<1x1x64x128xf32, #tpu.memory_space<vmem>>
      %dma_wait3A_1145 = tpu.memref_squeeze %dma_wait3A_1144 : memref<1x1x64x128xf32, #tpu.memory_space<vmem>> -> memref<64x128xf32, #tpu.memory_space<vmem>>
      tpu.wait_dma2 semaphore(%dma_wait3A_1139 : memref<!tpu.dma_semaphore, #tpu.memory_space<semaphore_mem>>) src(%dma_wait3A_1145 : memref<64x128xf32, #tpu.memory_space<vmem>>) dst(%dma_wait3A_1141 : memref<64x128xf32, #tpu.memory_space<hbm>>)
      %dma_wait3A_1146 = arith.constant 1 : i32
      %dma_wait3A_1147 = arith.constant 1 : i32
      %dma_wait3A_1148 = arith.constant 1 : i32
      %dma_wait3A_1149 = arith.constant 1 : i32
      %dma_wait3A_1150 = arith.constant 0 : i32
      %dma_wait3A_1151 = arith.constant 0 : i32
      %dma_wait3A_1152 = tpu.memref_slice %arg6[%dma_wait3A_1146, %dma_wait3A_1147, %dma_wait3A_1150, %dma_wait3A_1151] : memref<2x5x64x128xf32, #tpu.memory_space<vmem>> -> memref<1x1x64x128xf32, #tpu.memory_space<vmem>>
      %dma_wait3A_1153 = tpu.memref_squeeze %dma_wait3A_1152 : memref<1x1x64x128xf32, #tpu.memory_space<vmem>> -> memref<64x128xf32, #tpu.memory_space<vmem>>
      %dma_wait3A_1154 = arith.constant 0 : i32
      %dma_wait3A_1155 = tpu.memref_slice %arg4[%mul3A_2, %dma_wait3A_1154] : memref<204800x128xf32, #tpu.memory_space<hbm>> -> memref<64x128xf32, #tpu.memory_space<hbm>>
      %dma_wait3A_1156 = tpu.memref_slice %arg8[%dma_wait3A_1148, %dma_wait3A_1149] : memref<2x5x!tpu.dma_semaphore, #tpu.memory_space<semaphore_mem>> -> memref<1x1x!tpu.dma_semaphore, #tpu.memory_space<semaphore_mem>>
      %dma_wait3A_1157 = tpu.memref_squeeze %dma_wait3A_1156 : memref<1x1x!tpu.dma_semaphore, #tpu.memory_space<semaphore_mem>> -> memref<!tpu.dma_semaphore, #tpu.memory_space<semaphore_mem>>
      %dma_wait3A_1158 = arith.constant 0 : i32
      %dma_wait3A_1159 = tpu.memref_slice %arg4[%mul3A_2, %dma_wait3A_1158] : memref<204800x128xf32, #tpu.memory_space<hbm>> -> memref<64x128xf32, #tpu.memory_space<hbm>>
      %dma_wait3A_1160 = arith.constant 0 : i32
      %dma_wait3A_1161 = arith.constant 0 : i32
      %dma_wait3A_1162 = tpu.memref_slice %arg6[%dma_wait3A_1146, %dma_wait3A_1147, %dma_wait3A_1160, %dma_wait3A_1161] : memref<2x5x64x128xf32, #tpu.memory_space<vmem>> -> memref<1x1x64x128xf32, #tpu.memory_space<vmem>>
      %dma_wait3A_1163 = tpu.memref_squeeze %dma_wait3A_1162 : memref<1x1x64x128xf32, #tpu.memory_space<vmem>> -> memref<64x128xf32, #tpu.memory_space<vmem>>
      tpu.wait_dma2 semaphore(%dma_wait3A_1157 : memref<!tpu.dma_semaphore, #tpu.memory_space<semaphore_mem>>) src(%dma_wait3A_1163 : memref<64x128xf32, #tpu.memory_space<vmem>>) dst(%dma_wait3A_1159 : memref<64x128xf32, #tpu.memory_space<hbm>>)
      %dma_wait3A_1164 = arith.constant 1 : i32
      %dma_wait3A_1165 = arith.constant 2 : i32
      %dma_wait3A_1166 = arith.constant 1 : i32
      %dma_wait3A_1167 = arith.constant 2 : i32
      %dma_wait3A_1168 = arith.constant 0 : i32
      %dma_wait3A_1169 = arith.constant 0 : i32
      %dma_wait3A_1170 = tpu.memref_slice %arg6[%dma_wait3A_1164, %dma_wait3A_1165, %dma_wait3A_1168, %dma_wait3A_1169] : memref<2x5x64x128xf32, #tpu.memory_space<vmem>> -> memref<1x1x64x128xf32, #tpu.memory_space<vmem>>
      %dma_wait3A_1171 = tpu.memref_squeeze %dma_wait3A_1170 : memref<1x1x64x128xf32, #tpu.memory_space<vmem>> -> memref<64x128xf32, #tpu.memory_space<vmem>>
      %dma_wait3A_1172 = arith.constant 0 : i32
      %dma_wait3A_1173 = tpu.memref_slice %arg4[%mul3A_2, %dma_wait3A_1172] : memref<204800x128xf32, #tpu.memory_space<hbm>> -> memref<64x128xf32, #tpu.memory_space<hbm>>
      %dma_wait3A_1174 = tpu.memref_slice %arg8[%dma_wait3A_1166, %dma_wait3A_1167] : memref<2x5x!tpu.dma_semaphore, #tpu.memory_space<semaphore_mem>> -> memref<1x1x!tpu.dma_semaphore, #tpu.memory_space<semaphore_mem>>
      %dma_wait3A_1175 = tpu.memref_squeeze %dma_wait3A_1174 : memref<1x1x!tpu.dma_semaphore, #tpu.memory_space<semaphore_mem>> -> memref<!tpu.dma_semaphore, #tpu.memory_space<semaphore_mem>>
      %dma_wait3A_1176 = arith.constant 0 : i32
      %dma_wait3A_1177 = tpu.memref_slice %arg4[%mul3A_2, %dma_wait3A_1176] : memref<204800x128xf32, #tpu.memory_space<hbm>> -> memref<64x128xf32, #tpu.memory_space<hbm>>
      %dma_wait3A_1178 = arith.constant 0 : i32
      %dma_wait3A_1179 = arith.constant 0 : i32
      %dma_wait3A_1180 = tpu.memref_slice %arg6[%dma_wait3A_1164, %dma_wait3A_1165, %dma_wait3A_1178, %dma_wait3A_1179] : memref<2x5x64x128xf32, #tpu.memory_space<vmem>> -> memref<1x1x64x128xf32, #tpu.memory_space<vmem>>
      %dma_wait3A_1181 = tpu.memref_squeeze %dma_wait3A_1180 : memref<1x1x64x128xf32, #tpu.memory_space<vmem>> -> memref<64x128xf32, #tpu.memory_space<vmem>>
      tpu.wait_dma2 semaphore(%dma_wait3A_1175 : memref<!tpu.dma_semaphore, #tpu.memory_space<semaphore_mem>>) src(%dma_wait3A_1181 : memref<64x128xf32, #tpu.memory_space<vmem>>) dst(%dma_wait3A_1177 : memref<64x128xf32, #tpu.memory_space<hbm>>)
      %dma_wait3A_1182 = arith.constant 1 : i32
      %dma_wait3A_1183 = arith.constant 3 : i32
      %dma_wait3A_1184 = arith.constant 1 : i32
      %dma_wait3A_1185 = arith.constant 3 : i32
      %dma_wait3A_1186 = arith.constant 0 : i32
      %dma_wait3A_1187 = arith.constant 0 : i32
      %dma_wait3A_1188 = tpu.memref_slice %arg6[%dma_wait3A_1182, %dma_wait3A_1183, %dma_wait3A_1186, %dma_wait3A_1187] : memref<2x5x64x128xf32, #tpu.memory_space<vmem>> -> memref<1x1x64x128xf32, #tpu.memory_space<vmem>>
      %dma_wait3A_1189 = tpu.memref_squeeze %dma_wait3A_1188 : memref<1x1x64x128xf32, #tpu.memory_space<vmem>> -> memref<64x128xf32, #tpu.memory_space<vmem>>
      %dma_wait3A_1190 = arith.constant 0 : i32
      %dma_wait3A_1191 = tpu.memref_slice %arg4[%mul3A_2, %dma_wait3A_1190] : memref<204800x128xf32, #tpu.memory_space<hbm>> -> memref<64x128xf32, #tpu.memory_space<hbm>>
      %dma_wait3A_1192 = tpu.memref_slice %arg8[%dma_wait3A_1184, %dma_wait3A_1185] : memref<2x5x!tpu.dma_semaphore, #tpu.memory_space<semaphore_mem>> -> memref<1x1x!tpu.dma_semaphore, #tpu.memory_space<semaphore_mem>>
      %dma_wait3A_1193 = tpu.memref_squeeze %dma_wait3A_1192 : memref<1x1x!tpu.dma_semaphore, #tpu.memory_space<semaphore_mem>> -> memref<!tpu.dma_semaphore, #tpu.memory_space<semaphore_mem>>
      %dma_wait3A_1194 = arith.constant 0 : i32
      %dma_wait3A_1195 = tpu.memref_slice %arg4[%mul3A_2, %dma_wait3A_1194] : memref<204800x128xf32, #tpu.memory_space<hbm>> -> memref<64x128xf32, #tpu.memory_space<hbm>>
      %dma_wait3A_1196 = arith.constant 0 : i32
      %dma_wait3A_1197 = arith.constant 0 : i32
      %dma_wait3A_1198 = tpu.memref_slice %arg6[%dma_wait3A_1182, %dma_wait3A_1183, %dma_wait3A_1196, %dma_wait3A_1197] : memref<2x5x64x128xf32, #tpu.memory_space<vmem>> -> memref<1x1x64x128xf32, #tpu.memory_space<vmem>>
      %dma_wait3A_1199 = tpu.memref_squeeze %dma_wait3A_1198 : memref<1x1x64x128xf32, #tpu.memory_space<vmem>> -> memref<64x128xf32, #tpu.memory_space<vmem>>
      tpu.wait_dma2 semaphore(%dma_wait3A_1193 : memref<!tpu.dma_semaphore, #tpu.memory_space<semaphore_mem>>) src(%dma_wait3A_1199 : memref<64x128xf32, #tpu.memory_space<vmem>>) dst(%dma_wait3A_1195 : memref<64x128xf32, #tpu.memory_space<hbm>>)
      %dma_wait3A_1200 = arith.constant 1 : i32
      %dma_wait3A_1201 = arith.constant 4 : i32
      %dma_wait3A_1202 = arith.constant 1 : i32
      %dma_wait3A_1203 = arith.constant 4 : i32
      %dma_wait3A_1204 = arith.constant 0 : i32
      %dma_wait3A_1205 = arith.constant 0 : i32
      %dma_wait3A_1206 = tpu.memref_slice %arg6[%dma_wait3A_1200, %dma_wait3A_1201, %dma_wait3A_1204, %dma_wait3A_1205] : memref<2x5x64x128xf32, #tpu.memory_space<vmem>> -> memref<1x1x64x128xf32, #tpu.memory_space<vmem>>
      %dma_wait3A_1207 = tpu.memref_squeeze %dma_wait3A_1206 : memref<1x1x64x128xf32, #tpu.memory_space<vmem>> -> memref<64x128xf32, #tpu.memory_space<vmem>>
      %dma_wait3A_1208 = arith.constant 0 : i32
      %dma_wait3A_1209 = tpu.memref_slice %arg4[%mul3A_2, %dma_wait3A_1208] : memref<204800x128xf32, #tpu.memory_space<hbm>> -> memref<64x128xf32, #tpu.memory_space<hbm>>
      %dma_wait3A_1210 = tpu.memref_slice %arg8[%dma_wait3A_1202, %dma_wait3A_1203] : memref<2x5x!tpu.dma_semaphore, #tpu.memory_space<semaphore_mem>> -> memref<1x1x!tpu.dma_semaphore, #tpu.memory_space<semaphore_mem>>
      %dma_wait3A_1211 = tpu.memref_squeeze %dma_wait3A_1210 : memref<1x1x!tpu.dma_semaphore, #tpu.memory_space<semaphore_mem>> -> memref<!tpu.dma_semaphore, #tpu.memory_space<semaphore_mem>>
      %dma_wait3A_1212 = arith.constant 0 : i32
      %dma_wait3A_1213 = tpu.memref_slice %arg4[%mul3A_2, %dma_wait3A_1212] : memref<204800x128xf32, #tpu.memory_space<hbm>> -> memref<64x128xf32, #tpu.memory_space<hbm>>
      %dma_wait3A_1214 = arith.constant 0 : i32
      %dma_wait3A_1215 = arith.constant 0 : i32
      %dma_wait3A_1216 = tpu.memref_slice %arg6[%dma_wait3A_1200, %dma_wait3A_1201, %dma_wait3A_1214, %dma_wait3A_1215] : memref<2x5x64x128xf32, #tpu.memory_space<vmem>> -> memref<1x1x64x128xf32, #tpu.memory_space<vmem>>
      %dma_wait3A_1217 = tpu.memref_squeeze %dma_wait3A_1216 : memref<1x1x64x128xf32, #tpu.memory_space<vmem>> -> memref<64x128xf32, #tpu.memory_space<vmem>>
      tpu.wait_dma2 semaphore(%dma_wait3A_1211 : memref<!tpu.dma_semaphore, #tpu.memory_space<semaphore_mem>>) src(%dma_wait3A_1217 : memref<64x128xf32, #tpu.memory_space<vmem>>) dst(%dma_wait3A_1213 : memref<64x128xf32, #tpu.memory_space<hbm>>)
      %mul3A_1218 = arith.constant 5 : i32
      %mul3A_1219 = arith.muli %add3A_1127, %mul3A_1218 : i32
      %add3A_1220 = arith.constant 0 : i32
      %add3A_1221 = arith.addi %mul3A_1219, %add3A_1220 : i32
      %dma_start3A_1222 = arith.constant 1 : i32
      %dma_start3A_1223 = arith.constant 0 : i32
      %dma_start3A_1224 = arith.constant 1 : i32
      %dma_start3A_1225 = arith.constant 0 : i32
      %dma_start3A_1226 = arith.constant 0 : i32
      %dma_start3A_1227 = arith.constant 0 : i32
      %dma_start3A_1228 = tpu.memref_slice %arg6[%dma_start3A_1222, %dma_start3A_1223, %dma_start3A_1226, %dma_start3A_1227] : memref<2x5x64x128xf32, #tpu.memory_space<vmem>> -> memref<1x1x64x128xf32, #tpu.memory_space<vmem>>
      %dma_start3A_1229 = tpu.memref_squeeze %dma_start3A_1228 : memref<1x1x64x128xf32, #tpu.memory_space<vmem>> -> memref<64x128xf32, #tpu.memory_space<vmem>>
      %dma_start3A_1230 = arith.constant 0 : i32
      %dma_start3A_1231 = tpu.memref_slice %arg5[%add3A_1221, %dma_start3A_1230] : memref<100x64xi32, #tpu.memory_space<vmem>> -> memref<1x64xi32, #tpu.memory_space<vmem>>
      %dma_start3A_1232 = tpu.memref_squeeze %dma_start3A_1231 : memref<1x64xi32, #tpu.memory_space<vmem>> -> memref<64xi32, #tpu.memory_space<vmem>>
      %dma_start3A_1233 = arith.constant 0 : i32
      %dma_start3A_1234 = arith.constant 0 : i32
      %dma_start3A_1235 = tpu.memref_slice %arg3[%dma_start3A_1233, %dma_start3A_1234] : memref<1000000x128xf32, #tpu.memory_space<hbm>> -> memref<1000000x128xf32, #tpu.memory_space<hbm>>
      %dma_start3A_1236 = tpu.memref_slice %arg7[%dma_start3A_1224, %dma_start3A_1225] : memref<2x5x!tpu.dma_semaphore, #tpu.memory_space<semaphore_mem>> -> memref<1x1x!tpu.dma_semaphore, #tpu.memory_space<semaphore_mem>>
      %dma_start3A_1237 = tpu.memref_squeeze %dma_start3A_1236 : memref<1x1x!tpu.dma_semaphore, #tpu.memory_space<semaphore_mem>> -> memref<!tpu.dma_semaphore, #tpu.memory_space<semaphore_mem>>
      tpu.enqueue_indirect_dma source(%dma_start3A_1235 : memref<1000000x128xf32, #tpu.memory_space<hbm>>) target(%dma_start3A_1229 : memref<64x128xf32, #tpu.memory_space<vmem>>) offsets(%dma_start3A_1232 : memref<64xi32, #tpu.memory_space<vmem>>) semaphore(%dma_start3A_1237 : memref<!tpu.dma_semaphore, #tpu.memory_space<semaphore_mem>>)
      %mul3A_1238 = arith.constant 5 : i32
      %mul3A_1239 = arith.muli %add3A_1127, %mul3A_1238 : i32
      %add3A_1240 = arith.constant 1 : i32
      %add3A_1241 = arith.addi %mul3A_1239, %add3A_1240 : i32
      %dma_start3A_1242 = arith.constant 1 : i32
      %dma_start3A_1243 = arith.constant 1 : i32
      %dma_start3A_1244 = arith.constant 1 : i32
      %dma_start3A_1245 = arith.constant 1 : i32
      %dma_start3A_1246 = arith.constant 0 : i32
      %dma_start3A_1247 = arith.constant 0 : i32
      %dma_start3A_1248 = tpu.memref_slice %arg6[%dma_start3A_1242, %dma_start3A_1243, %dma_start3A_1246, %dma_start3A_1247] : memref<2x5x64x128xf32, #tpu.memory_space<vmem>> -> memref<1x1x64x128xf32, #tpu.memory_space<vmem>>
      %dma_start3A_1249 = tpu.memref_squeeze %dma_start3A_1248 : memref<1x1x64x128xf32, #tpu.memory_space<vmem>> -> memref<64x128xf32, #tpu.memory_space<vmem>>
      %dma_start3A_1250 = arith.constant 0 : i32
      %dma_start3A_1251 = tpu.memref_slice %arg5[%add3A_1241, %dma_start3A_1250] : memref<100x64xi32, #tpu.memory_space<vmem>> -> memref<1x64xi32, #tpu.memory_space<vmem>>
      %dma_start3A_1252 = tpu.memref_squeeze %dma_start3A_1251 : memref<1x64xi32, #tpu.memory_space<vmem>> -> memref<64xi32, #tpu.memory_space<vmem>>
      %dma_start3A_1253 = arith.constant 0 : i32
      %dma_start3A_1254 = arith.constant 0 : i32
      %dma_start3A_1255 = tpu.memref_slice %arg3[%dma_start3A_1253, %dma_start3A_1254] : memref<1000000x128xf32, #tpu.memory_space<hbm>> -> memref<1000000x128xf32, #tpu.memory_space<hbm>>
      %dma_start3A_1256 = tpu.memref_slice %arg7[%dma_start3A_1244, %dma_start3A_1245] : memref<2x5x!tpu.dma_semaphore, #tpu.memory_space<semaphore_mem>> -> memref<1x1x!tpu.dma_semaphore, #tpu.memory_space<semaphore_mem>>
      %dma_start3A_1257 = tpu.memref_squeeze %dma_start3A_1256 : memref<1x1x!tpu.dma_semaphore, #tpu.memory_space<semaphore_mem>> -> memref<!tpu.dma_semaphore, #tpu.memory_space<semaphore_mem>>
      tpu.enqueue_indirect_dma source(%dma_start3A_1255 : memref<1000000x128xf32, #tpu.memory_space<hbm>>) target(%dma_start3A_1249 : memref<64x128xf32, #tpu.memory_space<vmem>>) offsets(%dma_start3A_1252 : memref<64xi32, #tpu.memory_space<vmem>>) semaphore(%dma_start3A_1257 : memref<!tpu.dma_semaphore, #tpu.memory_space<semaphore_mem>>)
      %mul3A_1258 = arith.constant 5 : i32
      %mul3A_1259 = arith.muli %add3A_1127, %mul3A_1258 : i32
      %add3A_1260 = arith.constant 2 : i32
      %add3A_1261 = arith.addi %mul3A_1259, %add3A_1260 : i32
      %dma_start3A_1262 = arith.constant 1 : i32
      %dma_start3A_1263 = arith.constant 2 : i32
      %dma_start3A_1264 = arith.constant 1 : i32
      %dma_start3A_1265 = arith.constant 2 : i32
      %dma_start3A_1266 = arith.constant 0 : i32
      %dma_start3A_1267 = arith.constant 0 : i32
      %dma_start3A_1268 = tpu.memref_slice %arg6[%dma_start3A_1262, %dma_start3A_1263, %dma_start3A_1266, %dma_start3A_1267] : memref<2x5x64x128xf32, #tpu.memory_space<vmem>> -> memref<1x1x64x128xf32, #tpu.memory_space<vmem>>
      %dma_start3A_1269 = tpu.memref_squeeze %dma_start3A_1268 : memref<1x1x64x128xf32, #tpu.memory_space<vmem>> -> memref<64x128xf32, #tpu.memory_space<vmem>>
      %dma_start3A_1270 = arith.constant 0 : i32
      %dma_start3A_1271 = tpu.memref_slice %arg5[%add3A_1261, %dma_start3A_1270] : memref<100x64xi32, #tpu.memory_space<vmem>> -> memref<1x64xi32, #tpu.memory_space<vmem>>
      %dma_start3A_1272 = tpu.memref_squeeze %dma_start3A_1271 : memref<1x64xi32, #tpu.memory_space<vmem>> -> memref<64xi32, #tpu.memory_space<vmem>>
      %dma_start3A_1273 = arith.constant 0 : i32
      %dma_start3A_1274 = arith.constant 0 : i32
      %dma_start3A_1275 = tpu.memref_slice %arg3[%dma_start3A_1273, %dma_start3A_1274] : memref<1000000x128xf32, #tpu.memory_space<hbm>> -> memref<1000000x128xf32, #tpu.memory_space<hbm>>
      %dma_start3A_1276 = tpu.memref_slice %arg7[%dma_start3A_1264, %dma_start3A_1265] : memref<2x5x!tpu.dma_semaphore, #tpu.memory_space<semaphore_mem>> -> memref<1x1x!tpu.dma_semaphore, #tpu.memory_space<semaphore_mem>>
      %dma_start3A_1277 = tpu.memref_squeeze %dma_start3A_1276 : memref<1x1x!tpu.dma_semaphore, #tpu.memory_space<semaphore_mem>> -> memref<!tpu.dma_semaphore, #tpu.memory_space<semaphore_mem>>
      tpu.enqueue_indirect_dma source(%dma_start3A_1275 : memref<1000000x128xf32, #tpu.memory_space<hbm>>) target(%dma_start3A_1269 : memref<64x128xf32, #tpu.memory_space<vmem>>) offsets(%dma_start3A_1272 : memref<64xi32, #tpu.memory_space<vmem>>) semaphore(%dma_start3A_1277 : memref<!tpu.dma_semaphore, #tpu.memory_space<semaphore_mem>>)
      %mul3A_1278 = arith.constant 5 : i32
      %mul3A_1279 = arith.muli %add3A_1127, %mul3A_1278 : i32
      %add3A_1280 = arith.constant 3 : i32
      %add3A_1281 = arith.addi %mul3A_1279, %add3A_1280 : i32
      %dma_start3A_1282 = arith.constant 1 : i32
      %dma_start3A_1283 = arith.constant 3 : i32
      %dma_start3A_1284 = arith.constant 1 : i32
      %dma_start3A_1285 = arith.constant 3 : i32
      %dma_start3A_1286 = arith.constant 0 : i32
      %dma_start3A_1287 = arith.constant 0 : i32
      %dma_start3A_1288 = tpu.memref_slice %arg6[%dma_start3A_1282, %dma_start3A_1283, %dma_start3A_1286, %dma_start3A_1287] : memref<2x5x64x128xf32, #tpu.memory_space<vmem>> -> memref<1x1x64x128xf32, #tpu.memory_space<vmem>>
      %dma_start3A_1289 = tpu.memref_squeeze %dma_start3A_1288 : memref<1x1x64x128xf32, #tpu.memory_space<vmem>> -> memref<64x128xf32, #tpu.memory_space<vmem>>
      %dma_start3A_1290 = arith.constant 0 : i32
      %dma_start3A_1291 = tpu.memref_slice %arg5[%add3A_1281, %dma_start3A_1290] : memref<100x64xi32, #tpu.memory_space<vmem>> -> memref<1x64xi32, #tpu.memory_space<vmem>>
      %dma_start3A_1292 = tpu.memref_squeeze %dma_start3A_1291 : memref<1x64xi32, #tpu.memory_space<vmem>> -> memref<64xi32, #tpu.memory_space<vmem>>
      %dma_start3A_1293 = arith.constant 0 : i32
      %dma_start3A_1294 = arith.constant 0 : i32
      %dma_start3A_1295 = tpu.memref_slice %arg3[%dma_start3A_1293, %dma_start3A_1294] : memref<1000000x128xf32, #tpu.memory_space<hbm>> -> memref<1000000x128xf32, #tpu.memory_space<hbm>>
      %dma_start3A_1296 = tpu.memref_slice %arg7[%dma_start3A_1284, %dma_start3A_1285] : memref<2x5x!tpu.dma_semaphore, #tpu.memory_space<semaphore_mem>> -> memref<1x1x!tpu.dma_semaphore, #tpu.memory_space<semaphore_mem>>
      %dma_start3A_1297 = tpu.memref_squeeze %dma_start3A_1296 : memref<1x1x!tpu.dma_semaphore, #tpu.memory_space<semaphore_mem>> -> memref<!tpu.dma_semaphore, #tpu.memory_space<semaphore_mem>>
      tpu.enqueue_indirect_dma source(%dma_start3A_1295 : memref<1000000x128xf32, #tpu.memory_space<hbm>>) target(%dma_start3A_1289 : memref<64x128xf32, #tpu.memory_space<vmem>>) offsets(%dma_start3A_1292 : memref<64xi32, #tpu.memory_space<vmem>>) semaphore(%dma_start3A_1297 : memref<!tpu.dma_semaphore, #tpu.memory_space<semaphore_mem>>)
      %mul3A_1298 = arith.constant 5 : i32
      %mul3A_1299 = arith.muli %add3A_1127, %mul3A_1298 : i32
      %add3A_1300 = arith.constant 4 : i32
      %add3A_1301 = arith.addi %mul3A_1299, %add3A_1300 : i32
      %dma_start3A_1302 = arith.constant 1 : i32
      %dma_start3A_1303 = arith.constant 4 : i32
      %dma_start3A_1304 = arith.constant 1 : i32
      %dma_start3A_1305 = arith.constant 4 : i32
      %dma_start3A_1306 = arith.constant 0 : i32
      %dma_start3A_1307 = arith.constant 0 : i32
      %dma_start3A_1308 = tpu.memref_slice %arg6[%dma_start3A_1302, %dma_start3A_1303, %dma_start3A_1306, %dma_start3A_1307] : memref<2x5x64x128xf32, #tpu.memory_space<vmem>> -> memref<1x1x64x128xf32, #tpu.memory_space<vmem>>
      %dma_start3A_1309 = tpu.memref_squeeze %dma_start3A_1308 : memref<1x1x64x128xf32, #tpu.memory_space<vmem>> -> memref<64x128xf32, #tpu.memory_space<vmem>>
      %dma_start3A_1310 = arith.constant 0 : i32
      %dma_start3A_1311 = tpu.memref_slice %arg5[%add3A_1301, %dma_start3A_1310] : memref<100x64xi32, #tpu.memory_space<vmem>> -> memref<1x64xi32, #tpu.memory_space<vmem>>
      %dma_start3A_1312 = tpu.memref_squeeze %dma_start3A_1311 : memref<1x64xi32, #tpu.memory_space<vmem>> -> memref<64xi32, #tpu.memory_space<vmem>>
      %dma_start3A_1313 = arith.constant 0 : i32
      %dma_start3A_1314 = arith.constant 0 : i32
      %dma_start3A_1315 = tpu.memref_slice %arg3[%dma_start3A_1313, %dma_start3A_1314] : memref<1000000x128xf32, #tpu.memory_space<hbm>> -> memref<1000000x128xf32, #tpu.memory_space<hbm>>
      %dma_start3A_1316 = tpu.memref_slice %arg7[%dma_start3A_1304, %dma_start3A_1305] : memref<2x5x!tpu.dma_semaphore, #tpu.memory_space<semaphore_mem>> -> memref<1x1x!tpu.dma_semaphore, #tpu.memory_space<semaphore_mem>>
      %dma_start3A_1317 = tpu.memref_squeeze %dma_start3A_1316 : memref<1x1x!tpu.dma_semaphore, #tpu.memory_space<semaphore_mem>> -> memref<!tpu.dma_semaphore, #tpu.memory_space<semaphore_mem>>
      tpu.enqueue_indirect_dma source(%dma_start3A_1315 : memref<1000000x128xf32, #tpu.memory_space<hbm>>) target(%dma_start3A_1309 : memref<64x128xf32, #tpu.memory_space<vmem>>) offsets(%dma_start3A_1312 : memref<64xi32, #tpu.memory_space<vmem>>) semaphore(%dma_start3A_1317 : memref<!tpu.dma_semaphore, #tpu.memory_space<semaphore_mem>>)
      %dma_wait3A_1318 = arith.constant 1 : i32
      %dma_wait3A_1319 = arith.constant 0 : i32
      %dma_wait3A_1320 = arith.constant 1 : i32
      %dma_wait3A_1321 = arith.constant 0 : i32
      %dma_wait3A_1322 = arith.constant 0 : i32
      %dma_wait3A_1323 = arith.constant 0 : i32
      %dma_wait3A_1324 = tpu.memref_slice %arg6[%dma_wait3A_1318, %dma_wait3A_1319, %dma_wait3A_1322, %dma_wait3A_1323] : memref<2x5x64x128xf32, #tpu.memory_space<vmem>> -> memref<1x1x64x128xf32, #tpu.memory_space<vmem>>
      %dma_wait3A_1325 = tpu.memref_squeeze %dma_wait3A_1324 : memref<1x1x64x128xf32, #tpu.memory_space<vmem>> -> memref<64x128xf32, #tpu.memory_space<vmem>>
      %dma_wait3A_1326 = arith.constant 0 : i32
      %dma_wait3A_1327 = tpu.memref_slice %arg5[%add3A_1221, %dma_wait3A_1326] : memref<100x64xi32, #tpu.memory_space<vmem>> -> memref<1x64xi32, #tpu.memory_space<vmem>>
      %dma_wait3A_1328 = tpu.memref_squeeze %dma_wait3A_1327 : memref<1x64xi32, #tpu.memory_space<vmem>> -> memref<64xi32, #tpu.memory_space<vmem>>
      %dma_wait3A_1329 = arith.constant 0 : i32
      %dma_wait3A_1330 = arith.constant 0 : i32
      %dma_wait3A_1331 = tpu.memref_slice %arg3[%dma_wait3A_1329, %dma_wait3A_1330] : memref<1000000x128xf32, #tpu.memory_space<hbm>> -> memref<1000000x128xf32, #tpu.memory_space<hbm>>
      %dma_wait3A_1332 = tpu.memref_slice %arg7[%dma_wait3A_1320, %dma_wait3A_1321] : memref<2x5x!tpu.dma_semaphore, #tpu.memory_space<semaphore_mem>> -> memref<1x1x!tpu.dma_semaphore, #tpu.memory_space<semaphore_mem>>
      %dma_wait3A_1333 = tpu.memref_squeeze %dma_wait3A_1332 : memref<1x1x!tpu.dma_semaphore, #tpu.memory_space<semaphore_mem>> -> memref<!tpu.dma_semaphore, #tpu.memory_space<semaphore_mem>>
      tpu.wait_indirect_dma semaphore(%dma_wait3A_1333 : memref<!tpu.dma_semaphore, #tpu.memory_space<semaphore_mem>>) src(%dma_wait3A_1331 : memref<1000000x128xf32, #tpu.memory_space<hbm>>) dst(%dma_wait3A_1325 : memref<64x128xf32, #tpu.memory_space<vmem>>)
      %mul3A_1334 = arith.constant 5 : i32
      %mul3A_1335 = arith.muli %add3A_1127, %mul3A_1334 : i32
      %add3A_1336 = arith.constant 0 : i32
      %add3A_1337 = arith.addi %mul3A_1335, %add3A_1336 : i32
      %mul3A_1338 = arith.constant 64 : i32
      %mul3A_1339 = arith.muli %add3A_1337, %mul3A_1338 : i32
      %add3A_1340 = arith.addi %mul3A_2, %mul3A_1339 : i32
      %dma_start3A_1341 = arith.constant 1 : i32
      %dma_start3A_1342 = arith.constant 0 : i32
      %dma_start3A_1343 = arith.constant 1 : i32
      %dma_start3A_1344 = arith.constant 0 : i32
      %dma_start3A_1345 = arith.constant 0 : i32
      %dma_start3A_1346 = arith.constant 0 : i32
      %dma_start3A_1347 = tpu.memref_slice %arg6[%dma_start3A_1341, %dma_start3A_1342, %dma_start3A_1345, %dma_start3A_1346] : memref<2x5x64x128xf32, #tpu.memory_space<vmem>> -> memref<1x1x64x128xf32, #tpu.memory_space<vmem>>
      %dma_start3A_1348 = tpu.memref_squeeze %dma_start3A_1347 : memref<1x1x64x128xf32, #tpu.memory_space<vmem>> -> memref<64x128xf32, #tpu.memory_space<vmem>>
      %dma_start3A_1349 = arith.constant 0 : i32
      %dma_start3A_1350 = tpu.memref_slice %arg4[%add3A_1340, %dma_start3A_1349] : memref<204800x128xf32, #tpu.memory_space<hbm>> -> memref<64x128xf32, #tpu.memory_space<hbm>>
      %dma_start3A_1351 = tpu.memref_slice %arg8[%dma_start3A_1343, %dma_start3A_1344] : memref<2x5x!tpu.dma_semaphore, #tpu.memory_space<semaphore_mem>> -> memref<1x1x!tpu.dma_semaphore, #tpu.memory_space<semaphore_mem>>
      %dma_start3A_1352 = tpu.memref_squeeze %dma_start3A_1351 : memref<1x1x!tpu.dma_semaphore, #tpu.memory_space<semaphore_mem>> -> memref<!tpu.dma_semaphore, #tpu.memory_space<semaphore_mem>>
      %dma_start3A_1353 = arith.constant 0 : i32
      %dma_start3A_1354 = tpu.memref_slice %arg4[%add3A_1340, %dma_start3A_1353] : memref<204800x128xf32, #tpu.memory_space<hbm>> -> memref<64x128xf32, #tpu.memory_space<hbm>>
      %dma_start3A_1355 = arith.constant 0 : i32
      %dma_start3A_1356 = arith.constant 0 : i32
      %dma_start3A_1357 = tpu.memref_slice %arg6[%dma_start3A_1341, %dma_start3A_1342, %dma_start3A_1355, %dma_start3A_1356] : memref<2x5x64x128xf32, #tpu.memory_space<vmem>> -> memref<1x1x64x128xf32, #tpu.memory_space<vmem>>
      %dma_start3A_1358 = tpu.memref_squeeze %dma_start3A_1357 : memref<1x1x64x128xf32, #tpu.memory_space<vmem>> -> memref<64x128xf32, #tpu.memory_space<vmem>>
      tpu.enqueue_dma source(%dma_start3A_1358 : memref<64x128xf32, #tpu.memory_space<vmem>>) target(%dma_start3A_1354 : memref<64x128xf32, #tpu.memory_space<hbm>>) target_semaphore(%dma_start3A_1352 : memref<!tpu.dma_semaphore, #tpu.memory_space<semaphore_mem>>)
      %dma_wait3A_1359 = arith.constant 1 : i32
      %dma_wait3A_1360 = arith.constant 1 : i32
      %dma_wait3A_1361 = arith.constant 1 : i32
      %dma_wait3A_1362 = arith.constant 1 : i32
      %dma_wait3A_1363 = arith.constant 0 : i32
      %dma_wait3A_1364 = arith.constant 0 : i32
      %dma_wait3A_1365 = tpu.memref_slice %arg6[%dma_wait3A_1359, %dma_wait3A_1360, %dma_wait3A_1363, %dma_wait3A_1364] : memref<2x5x64x128xf32, #tpu.memory_space<vmem>> -> memref<1x1x64x128xf32, #tpu.memory_space<vmem>>
      %dma_wait3A_1366 = tpu.memref_squeeze %dma_wait3A_1365 : memref<1x1x64x128xf32, #tpu.memory_space<vmem>> -> memref<64x128xf32, #tpu.memory_space<vmem>>
      %dma_wait3A_1367 = arith.constant 0 : i32
      %dma_wait3A_1368 = tpu.memref_slice %arg5[%add3A_1241, %dma_wait3A_1367] : memref<100x64xi32, #tpu.memory_space<vmem>> -> memref<1x64xi32, #tpu.memory_space<vmem>>
      %dma_wait3A_1369 = tpu.memref_squeeze %dma_wait3A_1368 : memref<1x64xi32, #tpu.memory_space<vmem>> -> memref<64xi32, #tpu.memory_space<vmem>>
      %dma_wait3A_1370 = arith.constant 0 : i32
      %dma_wait3A_1371 = arith.constant 0 : i32
      %dma_wait3A_1372 = tpu.memref_slice %arg3[%dma_wait3A_1370, %dma_wait3A_1371] : memref<1000000x128xf32, #tpu.memory_space<hbm>> -> memref<1000000x128xf32, #tpu.memory_space<hbm>>
      %dma_wait3A_1373 = tpu.memref_slice %arg7[%dma_wait3A_1361, %dma_wait3A_1362] : memref<2x5x!tpu.dma_semaphore, #tpu.memory_space<semaphore_mem>> -> memref<1x1x!tpu.dma_semaphore, #tpu.memory_space<semaphore_mem>>
      %dma_wait3A_1374 = tpu.memref_squeeze %dma_wait3A_1373 : memref<1x1x!tpu.dma_semaphore, #tpu.memory_space<semaphore_mem>> -> memref<!tpu.dma_semaphore, #tpu.memory_space<semaphore_mem>>
      tpu.wait_indirect_dma semaphore(%dma_wait3A_1374 : memref<!tpu.dma_semaphore, #tpu.memory_space<semaphore_mem>>) src(%dma_wait3A_1372 : memref<1000000x128xf32, #tpu.memory_space<hbm>>) dst(%dma_wait3A_1366 : memref<64x128xf32, #tpu.memory_space<vmem>>)
      %mul3A_1375 = arith.constant 5 : i32
      %mul3A_1376 = arith.muli %add3A_1127, %mul3A_1375 : i32
      %add3A_1377 = arith.constant 1 : i32
      %add3A_1378 = arith.addi %mul3A_1376, %add3A_1377 : i32
      %mul3A_1379 = arith.constant 64 : i32
      %mul3A_1380 = arith.muli %add3A_1378, %mul3A_1379 : i32
      %add3A_1381 = arith.addi %mul3A_2, %mul3A_1380 : i32
      %dma_start3A_1382 = arith.constant 1 : i32
      %dma_start3A_1383 = arith.constant 1 : i32
      %dma_start3A_1384 = arith.constant 1 : i32
      %dma_start3A_1385 = arith.constant 1 : i32
      %dma_start3A_1386 = arith.constant 0 : i32
      %dma_start3A_1387 = arith.constant 0 : i32
      %dma_start3A_1388 = tpu.memref_slice %arg6[%dma_start3A_1382, %dma_start3A_1383, %dma_start3A_1386, %dma_start3A_1387] : memref<2x5x64x128xf32, #tpu.memory_space<vmem>> -> memref<1x1x64x128xf32, #tpu.memory_space<vmem>>
      %dma_start3A_1389 = tpu.memref_squeeze %dma_start3A_1388 : memref<1x1x64x128xf32, #tpu.memory_space<vmem>> -> memref<64x128xf32, #tpu.memory_space<vmem>>
      %dma_start3A_1390 = arith.constant 0 : i32
      %dma_start3A_1391 = tpu.memref_slice %arg4[%add3A_1381, %dma_start3A_1390] : memref<204800x128xf32, #tpu.memory_space<hbm>> -> memref<64x128xf32, #tpu.memory_space<hbm>>
      %dma_start3A_1392 = tpu.memref_slice %arg8[%dma_start3A_1384, %dma_start3A_1385] : memref<2x5x!tpu.dma_semaphore, #tpu.memory_space<semaphore_mem>> -> memref<1x1x!tpu.dma_semaphore, #tpu.memory_space<semaphore_mem>>
      %dma_start3A_1393 = tpu.memref_squeeze %dma_start3A_1392 : memref<1x1x!tpu.dma_semaphore, #tpu.memory_space<semaphore_mem>> -> memref<!tpu.dma_semaphore, #tpu.memory_space<semaphore_mem>>
      %dma_start3A_1394 = arith.constant 0 : i32
      %dma_start3A_1395 = tpu.memref_slice %arg4[%add3A_1381, %dma_start3A_1394] : memref<204800x128xf32, #tpu.memory_space<hbm>> -> memref<64x128xf32, #tpu.memory_space<hbm>>
      %dma_start3A_1396 = arith.constant 0 : i32
      %dma_start3A_1397 = arith.constant 0 : i32
      %dma_start3A_1398 = tpu.memref_slice %arg6[%dma_start3A_1382, %dma_start3A_1383, %dma_start3A_1396, %dma_start3A_1397] : memref<2x5x64x128xf32, #tpu.memory_space<vmem>> -> memref<1x1x64x128xf32, #tpu.memory_space<vmem>>
      %dma_start3A_1399 = tpu.memref_squeeze %dma_start3A_1398 : memref<1x1x64x128xf32, #tpu.memory_space<vmem>> -> memref<64x128xf32, #tpu.memory_space<vmem>>
      tpu.enqueue_dma source(%dma_start3A_1399 : memref<64x128xf32, #tpu.memory_space<vmem>>) target(%dma_start3A_1395 : memref<64x128xf32, #tpu.memory_space<hbm>>) target_semaphore(%dma_start3A_1393 : memref<!tpu.dma_semaphore, #tpu.memory_space<semaphore_mem>>)
      %dma_wait3A_1400 = arith.constant 1 : i32
      %dma_wait3A_1401 = arith.constant 2 : i32
      %dma_wait3A_1402 = arith.constant 1 : i32
      %dma_wait3A_1403 = arith.constant 2 : i32
      %dma_wait3A_1404 = arith.constant 0 : i32
      %dma_wait3A_1405 = arith.constant 0 : i32
      %dma_wait3A_1406 = tpu.memref_slice %arg6[%dma_wait3A_1400, %dma_wait3A_1401, %dma_wait3A_1404, %dma_wait3A_1405] : memref<2x5x64x128xf32, #tpu.memory_space<vmem>> -> memref<1x1x64x128xf32, #tpu.memory_space<vmem>>
      %dma_wait3A_1407 = tpu.memref_squeeze %dma_wait3A_1406 : memref<1x1x64x128xf32, #tpu.memory_space<vmem>> -> memref<64x128xf32, #tpu.memory_space<vmem>>
      %dma_wait3A_1408 = arith.constant 0 : i32
      %dma_wait3A_1409 = tpu.memref_slice %arg5[%add3A_1261, %dma_wait3A_1408] : memref<100x64xi32, #tpu.memory_space<vmem>> -> memref<1x64xi32, #tpu.memory_space<vmem>>
      %dma_wait3A_1410 = tpu.memref_squeeze %dma_wait3A_1409 : memref<1x64xi32, #tpu.memory_space<vmem>> -> memref<64xi32, #tpu.memory_space<vmem>>
      %dma_wait3A_1411 = arith.constant 0 : i32
      %dma_wait3A_1412 = arith.constant 0 : i32
      %dma_wait3A_1413 = tpu.memref_slice %arg3[%dma_wait3A_1411, %dma_wait3A_1412] : memref<1000000x128xf32, #tpu.memory_space<hbm>> -> memref<1000000x128xf32, #tpu.memory_space<hbm>>
      %dma_wait3A_1414 = tpu.memref_slice %arg7[%dma_wait3A_1402, %dma_wait3A_1403] : memref<2x5x!tpu.dma_semaphore, #tpu.memory_space<semaphore_mem>> -> memref<1x1x!tpu.dma_semaphore, #tpu.memory_space<semaphore_mem>>
      %dma_wait3A_1415 = tpu.memref_squeeze %dma_wait3A_1414 : memref<1x1x!tpu.dma_semaphore, #tpu.memory_space<semaphore_mem>> -> memref<!tpu.dma_semaphore, #tpu.memory_space<semaphore_mem>>
      tpu.wait_indirect_dma semaphore(%dma_wait3A_1415 : memref<!tpu.dma_semaphore, #tpu.memory_space<semaphore_mem>>) src(%dma_wait3A_1413 : memref<1000000x128xf32, #tpu.memory_space<hbm>>) dst(%dma_wait3A_1407 : memref<64x128xf32, #tpu.memory_space<vmem>>)
      %mul3A_1416 = arith.constant 5 : i32
      %mul3A_1417 = arith.muli %add3A_1127, %mul3A_1416 : i32
      %add3A_1418 = arith.constant 2 : i32
      %add3A_1419 = arith.addi %mul3A_1417, %add3A_1418 : i32
      %mul3A_1420 = arith.constant 64 : i32
      %mul3A_1421 = arith.muli %add3A_1419, %mul3A_1420 : i32
      %add3A_1422 = arith.addi %mul3A_2, %mul3A_1421 : i32
      %dma_start3A_1423 = arith.constant 1 : i32
      %dma_start3A_1424 = arith.constant 2 : i32
      %dma_start3A_1425 = arith.constant 1 : i32
      %dma_start3A_1426 = arith.constant 2 : i32
      %dma_start3A_1427 = arith.constant 0 : i32
      %dma_start3A_1428 = arith.constant 0 : i32
      %dma_start3A_1429 = tpu.memref_slice %arg6[%dma_start3A_1423, %dma_start3A_1424, %dma_start3A_1427, %dma_start3A_1428] : memref<2x5x64x128xf32, #tpu.memory_space<vmem>> -> memref<1x1x64x128xf32, #tpu.memory_space<vmem>>
      %dma_start3A_1430 = tpu.memref_squeeze %dma_start3A_1429 : memref<1x1x64x128xf32, #tpu.memory_space<vmem>> -> memref<64x128xf32, #tpu.memory_space<vmem>>
      %dma_start3A_1431 = arith.constant 0 : i32
      %dma_start3A_1432 = tpu.memref_slice %arg4[%add3A_1422, %dma_start3A_1431] : memref<204800x128xf32, #tpu.memory_space<hbm>> -> memref<64x128xf32, #tpu.memory_space<hbm>>
      %dma_start3A_1433 = tpu.memref_slice %arg8[%dma_start3A_1425, %dma_start3A_1426] : memref<2x5x!tpu.dma_semaphore, #tpu.memory_space<semaphore_mem>> -> memref<1x1x!tpu.dma_semaphore, #tpu.memory_space<semaphore_mem>>
      %dma_start3A_1434 = tpu.memref_squeeze %dma_start3A_1433 : memref<1x1x!tpu.dma_semaphore, #tpu.memory_space<semaphore_mem>> -> memref<!tpu.dma_semaphore, #tpu.memory_space<semaphore_mem>>
      %dma_start3A_1435 = arith.constant 0 : i32
      %dma_start3A_1436 = tpu.memref_slice %arg4[%add3A_1422, %dma_start3A_1435] : memref<204800x128xf32, #tpu.memory_space<hbm>> -> memref<64x128xf32, #tpu.memory_space<hbm>>
      %dma_start3A_1437 = arith.constant 0 : i32
      %dma_start3A_1438 = arith.constant 0 : i32
      %dma_start3A_1439 = tpu.memref_slice %arg6[%dma_start3A_1423, %dma_start3A_1424, %dma_start3A_1437, %dma_start3A_1438] : memref<2x5x64x128xf32, #tpu.memory_space<vmem>> -> memref<1x1x64x128xf32, #tpu.memory_space<vmem>>
      %dma_start3A_1440 = tpu.memref_squeeze %dma_start3A_1439 : memref<1x1x64x128xf32, #tpu.memory_space<vmem>> -> memref<64x128xf32, #tpu.memory_space<vmem>>
      tpu.enqueue_dma source(%dma_start3A_1440 : memref<64x128xf32, #tpu.memory_space<vmem>>) target(%dma_start3A_1436 : memref<64x128xf32, #tpu.memory_space<hbm>>) target_semaphore(%dma_start3A_1434 : memref<!tpu.dma_semaphore, #tpu.memory_space<semaphore_mem>>)
      %dma_wait3A_1441 = arith.constant 1 : i32
      %dma_wait3A_1442 = arith.constant 3 : i32
      %dma_wait3A_1443 = arith.constant 1 : i32
      %dma_wait3A_1444 = arith.constant 3 : i32
      %dma_wait3A_1445 = arith.constant 0 : i32
      %dma_wait3A_1446 = arith.constant 0 : i32
      %dma_wait3A_1447 = tpu.memref_slice %arg6[%dma_wait3A_1441, %dma_wait3A_1442, %dma_wait3A_1445, %dma_wait3A_1446] : memref<2x5x64x128xf32, #tpu.memory_space<vmem>> -> memref<1x1x64x128xf32, #tpu.memory_space<vmem>>
      %dma_wait3A_1448 = tpu.memref_squeeze %dma_wait3A_1447 : memref<1x1x64x128xf32, #tpu.memory_space<vmem>> -> memref<64x128xf32, #tpu.memory_space<vmem>>
      %dma_wait3A_1449 = arith.constant 0 : i32
      %dma_wait3A_1450 = tpu.memref_slice %arg5[%add3A_1281, %dma_wait3A_1449] : memref<100x64xi32, #tpu.memory_space<vmem>> -> memref<1x64xi32, #tpu.memory_space<vmem>>
      %dma_wait3A_1451 = tpu.memref_squeeze %dma_wait3A_1450 : memref<1x64xi32, #tpu.memory_space<vmem>> -> memref<64xi32, #tpu.memory_space<vmem>>
      %dma_wait3A_1452 = arith.constant 0 : i32
      %dma_wait3A_1453 = arith.constant 0 : i32
      %dma_wait3A_1454 = tpu.memref_slice %arg3[%dma_wait3A_1452, %dma_wait3A_1453] : memref<1000000x128xf32, #tpu.memory_space<hbm>> -> memref<1000000x128xf32, #tpu.memory_space<hbm>>
      %dma_wait3A_1455 = tpu.memref_slice %arg7[%dma_wait3A_1443, %dma_wait3A_1444] : memref<2x5x!tpu.dma_semaphore, #tpu.memory_space<semaphore_mem>> -> memref<1x1x!tpu.dma_semaphore, #tpu.memory_space<semaphore_mem>>
      %dma_wait3A_1456 = tpu.memref_squeeze %dma_wait3A_1455 : memref<1x1x!tpu.dma_semaphore, #tpu.memory_space<semaphore_mem>> -> memref<!tpu.dma_semaphore, #tpu.memory_space<semaphore_mem>>
      tpu.wait_indirect_dma semaphore(%dma_wait3A_1456 : memref<!tpu.dma_semaphore, #tpu.memory_space<semaphore_mem>>) src(%dma_wait3A_1454 : memref<1000000x128xf32, #tpu.memory_space<hbm>>) dst(%dma_wait3A_1448 : memref<64x128xf32, #tpu.memory_space<vmem>>)
      %mul3A_1457 = arith.constant 5 : i32
      %mul3A_1458 = arith.muli %add3A_1127, %mul3A_1457 : i32
      %add3A_1459 = arith.constant 3 : i32
      %add3A_1460 = arith.addi %mul3A_1458, %add3A_1459 : i32
      %mul3A_1461 = arith.constant 64 : i32
      %mul3A_1462 = arith.muli %add3A_1460, %mul3A_1461 : i32
      %add3A_1463 = arith.addi %mul3A_2, %mul3A_1462 : i32
      %dma_start3A_1464 = arith.constant 1 : i32
      %dma_start3A_1465 = arith.constant 3 : i32
      %dma_start3A_1466 = arith.constant 1 : i32
      %dma_start3A_1467 = arith.constant 3 : i32
      %dma_start3A_1468 = arith.constant 0 : i32
      %dma_start3A_1469 = arith.constant 0 : i32
      %dma_start3A_1470 = tpu.memref_slice %arg6[%dma_start3A_1464, %dma_start3A_1465, %dma_start3A_1468, %dma_start3A_1469] : memref<2x5x64x128xf32, #tpu.memory_space<vmem>> -> memref<1x1x64x128xf32, #tpu.memory_space<vmem>>
      %dma_start3A_1471 = tpu.memref_squeeze %dma_start3A_1470 : memref<1x1x64x128xf32, #tpu.memory_space<vmem>> -> memref<64x128xf32, #tpu.memory_space<vmem>>
      %dma_start3A_1472 = arith.constant 0 : i32
      %dma_start3A_1473 = tpu.memref_slice %arg4[%add3A_1463, %dma_start3A_1472] : memref<204800x128xf32, #tpu.memory_space<hbm>> -> memref<64x128xf32, #tpu.memory_space<hbm>>
      %dma_start3A_1474 = tpu.memref_slice %arg8[%dma_start3A_1466, %dma_start3A_1467] : memref<2x5x!tpu.dma_semaphore, #tpu.memory_space<semaphore_mem>> -> memref<1x1x!tpu.dma_semaphore, #tpu.memory_space<semaphore_mem>>
      %dma_start3A_1475 = tpu.memref_squeeze %dma_start3A_1474 : memref<1x1x!tpu.dma_semaphore, #tpu.memory_space<semaphore_mem>> -> memref<!tpu.dma_semaphore, #tpu.memory_space<semaphore_mem>>
      %dma_start3A_1476 = arith.constant 0 : i32
      %dma_start3A_1477 = tpu.memref_slice %arg4[%add3A_1463, %dma_start3A_1476] : memref<204800x128xf32, #tpu.memory_space<hbm>> -> memref<64x128xf32, #tpu.memory_space<hbm>>
      %dma_start3A_1478 = arith.constant 0 : i32
      %dma_start3A_1479 = arith.constant 0 : i32
      %dma_start3A_1480 = tpu.memref_slice %arg6[%dma_start3A_1464, %dma_start3A_1465, %dma_start3A_1478, %dma_start3A_1479] : memref<2x5x64x128xf32, #tpu.memory_space<vmem>> -> memref<1x1x64x128xf32, #tpu.memory_space<vmem>>
      %dma_start3A_1481 = tpu.memref_squeeze %dma_start3A_1480 : memref<1x1x64x128xf32, #tpu.memory_space<vmem>> -> memref<64x128xf32, #tpu.memory_space<vmem>>
      tpu.enqueue_dma source(%dma_start3A_1481 : memref<64x128xf32, #tpu.memory_space<vmem>>) target(%dma_start3A_1477 : memref<64x128xf32, #tpu.memory_space<hbm>>) target_semaphore(%dma_start3A_1475 : memref<!tpu.dma_semaphore, #tpu.memory_space<semaphore_mem>>)
      %dma_wait3A_1482 = arith.constant 1 : i32
      %dma_wait3A_1483 = arith.constant 4 : i32
      %dma_wait3A_1484 = arith.constant 1 : i32
      %dma_wait3A_1485 = arith.constant 4 : i32
      %dma_wait3A_1486 = arith.constant 0 : i32
      %dma_wait3A_1487 = arith.constant 0 : i32
      %dma_wait3A_1488 = tpu.memref_slice %arg6[%dma_wait3A_1482, %dma_wait3A_1483, %dma_wait3A_1486, %dma_wait3A_1487] : memref<2x5x64x128xf32, #tpu.memory_space<vmem>> -> memref<1x1x64x128xf32, #tpu.memory_space<vmem>>
      %dma_wait3A_1489 = tpu.memref_squeeze %dma_wait3A_1488 : memref<1x1x64x128xf32, #tpu.memory_space<vmem>> -> memref<64x128xf32, #tpu.memory_space<vmem>>
      %dma_wait3A_1490 = arith.constant 0 : i32
      %dma_wait3A_1491 = tpu.memref_slice %arg5[%add3A_1301, %dma_wait3A_1490] : memref<100x64xi32, #tpu.memory_space<vmem>> -> memref<1x64xi32, #tpu.memory_space<vmem>>
      %dma_wait3A_1492 = tpu.memref_squeeze %dma_wait3A_1491 : memref<1x64xi32, #tpu.memory_space<vmem>> -> memref<64xi32, #tpu.memory_space<vmem>>
      %dma_wait3A_1493 = arith.constant 0 : i32
      %dma_wait3A_1494 = arith.constant 0 : i32
      %dma_wait3A_1495 = tpu.memref_slice %arg3[%dma_wait3A_1493, %dma_wait3A_1494] : memref<1000000x128xf32, #tpu.memory_space<hbm>> -> memref<1000000x128xf32, #tpu.memory_space<hbm>>
      %dma_wait3A_1496 = tpu.memref_slice %arg7[%dma_wait3A_1484, %dma_wait3A_1485] : memref<2x5x!tpu.dma_semaphore, #tpu.memory_space<semaphore_mem>> -> memref<1x1x!tpu.dma_semaphore, #tpu.memory_space<semaphore_mem>>
      %dma_wait3A_1497 = tpu.memref_squeeze %dma_wait3A_1496 : memref<1x1x!tpu.dma_semaphore, #tpu.memory_space<semaphore_mem>> -> memref<!tpu.dma_semaphore, #tpu.memory_space<semaphore_mem>>
      tpu.wait_indirect_dma semaphore(%dma_wait3A_1497 : memref<!tpu.dma_semaphore, #tpu.memory_space<semaphore_mem>>) src(%dma_wait3A_1495 : memref<1000000x128xf32, #tpu.memory_space<hbm>>) dst(%dma_wait3A_1489 : memref<64x128xf32, #tpu.memory_space<vmem>>)
      %mul3A_1498 = arith.constant 5 : i32
      %mul3A_1499 = arith.muli %add3A_1127, %mul3A_1498 : i32
      %add3A_1500 = arith.constant 4 : i32
      %add3A_1501 = arith.addi %mul3A_1499, %add3A_1500 : i32
      %mul3A_1502 = arith.constant 64 : i32
      %mul3A_1503 = arith.muli %add3A_1501, %mul3A_1502 : i32
      %add3A_1504 = arith.addi %mul3A_2, %mul3A_1503 : i32
      %dma_start3A_1505 = arith.constant 1 : i32
      %dma_start3A_1506 = arith.constant 4 : i32
      %dma_start3A_1507 = arith.constant 1 : i32
      %dma_start3A_1508 = arith.constant 4 : i32
      %dma_start3A_1509 = arith.constant 0 : i32
      %dma_start3A_1510 = arith.constant 0 : i32
      %dma_start3A_1511 = tpu.memref_slice %arg6[%dma_start3A_1505, %dma_start3A_1506, %dma_start3A_1509, %dma_start3A_1510] : memref<2x5x64x128xf32, #tpu.memory_space<vmem>> -> memref<1x1x64x128xf32, #tpu.memory_space<vmem>>
      %dma_start3A_1512 = tpu.memref_squeeze %dma_start3A_1511 : memref<1x1x64x128xf32, #tpu.memory_space<vmem>> -> memref<64x128xf32, #tpu.memory_space<vmem>>
      %dma_start3A_1513 = arith.constant 0 : i32
      %dma_start3A_1514 = tpu.memref_slice %arg4[%add3A_1504, %dma_start3A_1513] : memref<204800x128xf32, #tpu.memory_space<hbm>> -> memref<64x128xf32, #tpu.memory_space<hbm>>
      %dma_start3A_1515 = tpu.memref_slice %arg8[%dma_start3A_1507, %dma_start3A_1508] : memref<2x5x!tpu.dma_semaphore, #tpu.memory_space<semaphore_mem>> -> memref<1x1x!tpu.dma_semaphore, #tpu.memory_space<semaphore_mem>>
      %dma_start3A_1516 = tpu.memref_squeeze %dma_start3A_1515 : memref<1x1x!tpu.dma_semaphore, #tpu.memory_space<semaphore_mem>> -> memref<!tpu.dma_semaphore, #tpu.memory_space<semaphore_mem>>
      %dma_start3A_1517 = arith.constant 0 : i32
      %dma_start3A_1518 = tpu.memref_slice %arg4[%add3A_1504, %dma_start3A_1517] : memref<204800x128xf32, #tpu.memory_space<hbm>> -> memref<64x128xf32, #tpu.memory_space<hbm>>
      %dma_start3A_1519 = arith.constant 0 : i32
      %dma_start3A_1520 = arith.constant 0 : i32
      %dma_start3A_1521 = tpu.memref_slice %arg6[%dma_start3A_1505, %dma_start3A_1506, %dma_start3A_1519, %dma_start3A_1520] : memref<2x5x64x128xf32, #tpu.memory_space<vmem>> -> memref<1x1x64x128xf32, #tpu.memory_space<vmem>>
      %dma_start3A_1522 = tpu.memref_squeeze %dma_start3A_1521 : memref<1x1x64x128xf32, #tpu.memory_space<vmem>> -> memref<64x128xf32, #tpu.memory_space<vmem>>
      tpu.enqueue_dma source(%dma_start3A_1522 : memref<64x128xf32, #tpu.memory_space<vmem>>) target(%dma_start3A_1518 : memref<64x128xf32, #tpu.memory_space<hbm>>) target_semaphore(%dma_start3A_1516 : memref<!tpu.dma_semaphore, #tpu.memory_space<semaphore_mem>>)
    }
    %scan3A_545 = arith.constant 9 : i32
    %dma_wait3A_546 = arith.constant 0 : i32
    %dma_wait3A_547 = arith.constant 0 : i32
    %dma_wait3A_548 = arith.constant 0 : i32
    %dma_wait3A_549 = arith.constant 0 : i32
    %dma_wait3A_550 = arith.constant 0 : i32
    %dma_wait3A_551 = arith.constant 0 : i32
    %dma_wait3A_552 = tpu.memref_slice %arg6[%dma_wait3A_546, %dma_wait3A_547, %dma_wait3A_550, %dma_wait3A_551] : memref<2x5x64x128xf32, #tpu.memory_space<vmem>> -> memref<1x1x64x128xf32, #tpu.memory_space<vmem>>
    %dma_wait3A_553 = tpu.memref_squeeze %dma_wait3A_552 : memref<1x1x64x128xf32, #tpu.memory_space<vmem>> -> memref<64x128xf32, #tpu.memory_space<vmem>>
    %dma_wait3A_554 = arith.constant 0 : i32
    %dma_wait3A_555 = tpu.memref_slice %arg4[%mul3A_2, %dma_wait3A_554] : memref<204800x128xf32, #tpu.memory_space<hbm>> -> memref<64x128xf32, #tpu.memory_space<hbm>>
    %dma_wait3A_556 = tpu.memref_slice %arg8[%dma_wait3A_548, %dma_wait3A_549] : memref<2x5x!tpu.dma_semaphore, #tpu.memory_space<semaphore_mem>> -> memref<1x1x!tpu.dma_semaphore, #tpu.memory_space<semaphore_mem>>
    %dma_wait3A_557 = tpu.memref_squeeze %dma_wait3A_556 : memref<1x1x!tpu.dma_semaphore, #tpu.memory_space<semaphore_mem>> -> memref<!tpu.dma_semaphore, #tpu.memory_space<semaphore_mem>>
    %dma_wait3A_558 = arith.constant 0 : i32
    %dma_wait3A_559 = tpu.memref_slice %arg4[%mul3A_2, %dma_wait3A_558] : memref<204800x128xf32, #tpu.memory_space<hbm>> -> memref<64x128xf32, #tpu.memory_space<hbm>>
    %dma_wait3A_560 = arith.constant 0 : i32
    %dma_wait3A_561 = arith.constant 0 : i32
    %dma_wait3A_562 = tpu.memref_slice %arg6[%dma_wait3A_546, %dma_wait3A_547, %dma_wait3A_560, %dma_wait3A_561] : memref<2x5x64x128xf32, #tpu.memory_space<vmem>> -> memref<1x1x64x128xf32, #tpu.memory_space<vmem>>
    %dma_wait3A_563 = tpu.memref_squeeze %dma_wait3A_562 : memref<1x1x64x128xf32, #tpu.memory_space<vmem>> -> memref<64x128xf32, #tpu.memory_space<vmem>>
    tpu.wait_dma2 semaphore(%dma_wait3A_557 : memref<!tpu.dma_semaphore, #tpu.memory_space<semaphore_mem>>) src(%dma_wait3A_563 : memref<64x128xf32, #tpu.memory_space<vmem>>) dst(%dma_wait3A_559 : memref<64x128xf32, #tpu.memory_space<hbm>>)
    %dma_wait3A_564 = arith.constant 0 : i32
    %dma_wait3A_565 = arith.constant 1 : i32
    %dma_wait3A_566 = arith.constant 0 : i32
    %dma_wait3A_567 = arith.constant 1 : i32
    %dma_wait3A_568 = arith.constant 0 : i32
    %dma_wait3A_569 = arith.constant 0 : i32
    %dma_wait3A_570 = tpu.memref_slice %arg6[%dma_wait3A_564, %dma_wait3A_565, %dma_wait3A_568, %dma_wait3A_569] : memref<2x5x64x128xf32, #tpu.memory_space<vmem>> -> memref<1x1x64x128xf32, #tpu.memory_space<vmem>>
    %dma_wait3A_571 = tpu.memref_squeeze %dma_wait3A_570 : memref<1x1x64x128xf32, #tpu.memory_space<vmem>> -> memref<64x128xf32, #tpu.memory_space<vmem>>
    %dma_wait3A_572 = arith.constant 0 : i32
    %dma_wait3A_573 = tpu.memref_slice %arg4[%mul3A_2, %dma_wait3A_572] : memref<204800x128xf32, #tpu.memory_space<hbm>> -> memref<64x128xf32, #tpu.memory_space<hbm>>
    %dma_wait3A_574 = tpu.memref_slice %arg8[%dma_wait3A_566, %dma_wait3A_567] : memref<2x5x!tpu.dma_semaphore, #tpu.memory_space<semaphore_mem>> -> memref<1x1x!tpu.dma_semaphore, #tpu.memory_space<semaphore_mem>>
    %dma_wait3A_575 = tpu.memref_squeeze %dma_wait3A_574 : memref<1x1x!tpu.dma_semaphore, #tpu.memory_space<semaphore_mem>> -> memref<!tpu.dma_semaphore, #tpu.memory_space<semaphore_mem>>
    %dma_wait3A_576 = arith.constant 0 : i32
    %dma_wait3A_577 = tpu.memref_slice %arg4[%mul3A_2, %dma_wait3A_576] : memref<204800x128xf32, #tpu.memory_space<hbm>> -> memref<64x128xf32, #tpu.memory_space<hbm>>
    %dma_wait3A_578 = arith.constant 0 : i32
    %dma_wait3A_579 = arith.constant 0 : i32
    %dma_wait3A_580 = tpu.memref_slice %arg6[%dma_wait3A_564, %dma_wait3A_565, %dma_wait3A_578, %dma_wait3A_579] : memref<2x5x64x128xf32, #tpu.memory_space<vmem>> -> memref<1x1x64x128xf32, #tpu.memory_space<vmem>>
    %dma_wait3A_581 = tpu.memref_squeeze %dma_wait3A_580 : memref<1x1x64x128xf32, #tpu.memory_space<vmem>> -> memref<64x128xf32, #tpu.memory_space<vmem>>
    tpu.wait_dma2 semaphore(%dma_wait3A_575 : memref<!tpu.dma_semaphore, #tpu.memory_space<semaphore_mem>>) src(%dma_wait3A_581 : memref<64x128xf32, #tpu.memory_space<vmem>>) dst(%dma_wait3A_577 : memref<64x128xf32, #tpu.memory_space<hbm>>)
    %dma_wait3A_582 = arith.constant 0 : i32
    %dma_wait3A_583 = arith.constant 2 : i32
    %dma_wait3A_584 = arith.constant 0 : i32
    %dma_wait3A_585 = arith.constant 2 : i32
    %dma_wait3A_586 = arith.constant 0 : i32
    %dma_wait3A_587 = arith.constant 0 : i32
    %dma_wait3A_588 = tpu.memref_slice %arg6[%dma_wait3A_582, %dma_wait3A_583, %dma_wait3A_586, %dma_wait3A_587] : memref<2x5x64x128xf32, #tpu.memory_space<vmem>> -> memref<1x1x64x128xf32, #tpu.memory_space<vmem>>
    %dma_wait3A_589 = tpu.memref_squeeze %dma_wait3A_588 : memref<1x1x64x128xf32, #tpu.memory_space<vmem>> -> memref<64x128xf32, #tpu.memory_space<vmem>>
    %dma_wait3A_590 = arith.constant 0 : i32
    %dma_wait3A_591 = tpu.memref_slice %arg4[%mul3A_2, %dma_wait3A_590] : memref<204800x128xf32, #tpu.memory_space<hbm>> -> memref<64x128xf32, #tpu.memory_space<hbm>>
    %dma_wait3A_592 = tpu.memref_slice %arg8[%dma_wait3A_584, %dma_wait3A_585] : memref<2x5x!tpu.dma_semaphore, #tpu.memory_space<semaphore_mem>> -> memref<1x1x!tpu.dma_semaphore, #tpu.memory_space<semaphore_mem>>
    %dma_wait3A_593 = tpu.memref_squeeze %dma_wait3A_592 : memref<1x1x!tpu.dma_semaphore, #tpu.memory_space<semaphore_mem>> -> memref<!tpu.dma_semaphore, #tpu.memory_space<semaphore_mem>>
    %dma_wait3A_594 = arith.constant 0 : i32
    %dma_wait3A_595 = tpu.memref_slice %arg4[%mul3A_2, %dma_wait3A_594] : memref<204800x128xf32, #tpu.memory_space<hbm>> -> memref<64x128xf32, #tpu.memory_space<hbm>>
    %dma_wait3A_596 = arith.constant 0 : i32
    %dma_wait3A_597 = arith.constant 0 : i32
    %dma_wait3A_598 = tpu.memref_slice %arg6[%dma_wait3A_582, %dma_wait3A_583, %dma_wait3A_596, %dma_wait3A_597] : memref<2x5x64x128xf32, #tpu.memory_space<vmem>> -> memref<1x1x64x128xf32, #tpu.memory_space<vmem>>
    %dma_wait3A_599 = tpu.memref_squeeze %dma_wait3A_598 : memref<1x1x64x128xf32, #tpu.memory_space<vmem>> -> memref<64x128xf32, #tpu.memory_space<vmem>>
    tpu.wait_dma2 semaphore(%dma_wait3A_593 : memref<!tpu.dma_semaphore, #tpu.memory_space<semaphore_mem>>) src(%dma_wait3A_599 : memref<64x128xf32, #tpu.memory_space<vmem>>) dst(%dma_wait3A_595 : memref<64x128xf32, #tpu.memory_space<hbm>>)
    %dma_wait3A_600 = arith.constant 0 : i32
    %dma_wait3A_601 = arith.constant 3 : i32
    %dma_wait3A_602 = arith.constant 0 : i32
    %dma_wait3A_603 = arith.constant 3 : i32
    %dma_wait3A_604 = arith.constant 0 : i32
    %dma_wait3A_605 = arith.constant 0 : i32
    %dma_wait3A_606 = tpu.memref_slice %arg6[%dma_wait3A_600, %dma_wait3A_601, %dma_wait3A_604, %dma_wait3A_605] : memref<2x5x64x128xf32, #tpu.memory_space<vmem>> -> memref<1x1x64x128xf32, #tpu.memory_space<vmem>>
    %dma_wait3A_607 = tpu.memref_squeeze %dma_wait3A_606 : memref<1x1x64x128xf32, #tpu.memory_space<vmem>> -> memref<64x128xf32, #tpu.memory_space<vmem>>
    %dma_wait3A_608 = arith.constant 0 : i32
    %dma_wait3A_609 = tpu.memref_slice %arg4[%mul3A_2, %dma_wait3A_608] : memref<204800x128xf32, #tpu.memory_space<hbm>> -> memref<64x128xf32, #tpu.memory_space<hbm>>
    %dma_wait3A_610 = tpu.memref_slice %arg8[%dma_wait3A_602, %dma_wait3A_603] : memref<2x5x!tpu.dma_semaphore, #tpu.memory_space<semaphore_mem>> -> memref<1x1x!tpu.dma_semaphore, #tpu.memory_space<semaphore_mem>>
    %dma_wait3A_611 = tpu.memref_squeeze %dma_wait3A_610 : memref<1x1x!tpu.dma_semaphore, #tpu.memory_space<semaphore_mem>> -> memref<!tpu.dma_semaphore, #tpu.memory_space<semaphore_mem>>
    %dma_wait3A_612 = arith.constant 0 : i32
    %dma_wait3A_613 = tpu.memref_slice %arg4[%mul3A_2, %dma_wait3A_612] : memref<204800x128xf32, #tpu.memory_space<hbm>> -> memref<64x128xf32, #tpu.memory_space<hbm>>
    %dma_wait3A_614 = arith.constant 0 : i32
    %dma_wait3A_615 = arith.constant 0 : i32
    %dma_wait3A_616 = tpu.memref_slice %arg6[%dma_wait3A_600, %dma_wait3A_601, %dma_wait3A_614, %dma_wait3A_615] : memref<2x5x64x128xf32, #tpu.memory_space<vmem>> -> memref<1x1x64x128xf32, #tpu.memory_space<vmem>>
    %dma_wait3A_617 = tpu.memref_squeeze %dma_wait3A_616 : memref<1x1x64x128xf32, #tpu.memory_space<vmem>> -> memref<64x128xf32, #tpu.memory_space<vmem>>
    tpu.wait_dma2 semaphore(%dma_wait3A_611 : memref<!tpu.dma_semaphore, #tpu.memory_space<semaphore_mem>>) src(%dma_wait3A_617 : memref<64x128xf32, #tpu.memory_space<vmem>>) dst(%dma_wait3A_613 : memref<64x128xf32, #tpu.memory_space<hbm>>)
    %dma_wait3A_618 = arith.constant 0 : i32
    %dma_wait3A_619 = arith.constant 4 : i32
    %dma_wait3A_620 = arith.constant 0 : i32
    %dma_wait3A_621 = arith.constant 4 : i32
    %dma_wait3A_622 = arith.constant 0 : i32
    %dma_wait3A_623 = arith.constant 0 : i32
    %dma_wait3A_624 = tpu.memref_slice %arg6[%dma_wait3A_618, %dma_wait3A_619, %dma_wait3A_622, %dma_wait3A_623] : memref<2x5x64x128xf32, #tpu.memory_space<vmem>> -> memref<1x1x64x128xf32, #tpu.memory_space<vmem>>
    %dma_wait3A_625 = tpu.memref_squeeze %dma_wait3A_624 : memref<1x1x64x128xf32, #tpu.memory_space<vmem>> -> memref<64x128xf32, #tpu.memory_space<vmem>>
    %dma_wait3A_626 = arith.constant 0 : i32
    %dma_wait3A_627 = tpu.memref_slice %arg4[%mul3A_2, %dma_wait3A_626] : memref<204800x128xf32, #tpu.memory_space<hbm>> -> memref<64x128xf32, #tpu.memory_space<hbm>>
    %dma_wait3A_628 = tpu.memref_slice %arg8[%dma_wait3A_620, %dma_wait3A_621] : memref<2x5x!tpu.dma_semaphore, #tpu.memory_space<semaphore_mem>> -> memref<1x1x!tpu.dma_semaphore, #tpu.memory_space<semaphore_mem>>
    %dma_wait3A_629 = tpu.memref_squeeze %dma_wait3A_628 : memref<1x1x!tpu.dma_semaphore, #tpu.memory_space<semaphore_mem>> -> memref<!tpu.dma_semaphore, #tpu.memory_space<semaphore_mem>>
    %dma_wait3A_630 = arith.constant 0 : i32
    %dma_wait3A_631 = tpu.memref_slice %arg4[%mul3A_2, %dma_wait3A_630] : memref<204800x128xf32, #tpu.memory_space<hbm>> -> memref<64x128xf32, #tpu.memory_space<hbm>>
    %dma_wait3A_632 = arith.constant 0 : i32
    %dma_wait3A_633 = arith.constant 0 : i32
    %dma_wait3A_634 = tpu.memref_slice %arg6[%dma_wait3A_618, %dma_wait3A_619, %dma_wait3A_632, %dma_wait3A_633] : memref<2x5x64x128xf32, #tpu.memory_space<vmem>> -> memref<1x1x64x128xf32, #tpu.memory_space<vmem>>
    %dma_wait3A_635 = tpu.memref_squeeze %dma_wait3A_634 : memref<1x1x64x128xf32, #tpu.memory_space<vmem>> -> memref<64x128xf32, #tpu.memory_space<vmem>>
    tpu.wait_dma2 semaphore(%dma_wait3A_629 : memref<!tpu.dma_semaphore, #tpu.memory_space<semaphore_mem>>) src(%dma_wait3A_635 : memref<64x128xf32, #tpu.memory_space<vmem>>) dst(%dma_wait3A_631 : memref<64x128xf32, #tpu.memory_space<hbm>>)
    %dma_wait3A_636 = arith.constant 1 : i32
    %dma_wait3A_637 = arith.constant 0 : i32
    %dma_wait3A_638 = arith.constant 1 : i32
    %dma_wait3A_639 = arith.constant 0 : i32
    %dma_wait3A_640 = arith.constant 0 : i32
    %dma_wait3A_641 = arith.constant 0 : i32
    %dma_wait3A_642 = tpu.memref_slice %arg6[%dma_wait3A_636, %dma_wait3A_637, %dma_wait3A_640, %dma_wait3A_641] : memref<2x5x64x128xf32, #tpu.memory_space<vmem>> -> memref<1x1x64x128xf32, #tpu.memory_space<vmem>>
    %dma_wait3A_643 = tpu.memref_squeeze %dma_wait3A_642 : memref<1x1x64x128xf32, #tpu.memory_space<vmem>> -> memref<64x128xf32, #tpu.memory_space<vmem>>
    %dma_wait3A_644 = arith.constant 0 : i32
    %dma_wait3A_645 = tpu.memref_slice %arg4[%mul3A_2, %dma_wait3A_644] : memref<204800x128xf32, #tpu.memory_space<hbm>> -> memref<64x128xf32, #tpu.memory_space<hbm>>
    %dma_wait3A_646 = tpu.memref_slice %arg8[%dma_wait3A_638, %dma_wait3A_639] : memref<2x5x!tpu.dma_semaphore, #tpu.memory_space<semaphore_mem>> -> memref<1x1x!tpu.dma_semaphore, #tpu.memory_space<semaphore_mem>>
    %dma_wait3A_647 = tpu.memref_squeeze %dma_wait3A_646 : memref<1x1x!tpu.dma_semaphore, #tpu.memory_space<semaphore_mem>> -> memref<!tpu.dma_semaphore, #tpu.memory_space<semaphore_mem>>
    %dma_wait3A_648 = arith.constant 0 : i32
    %dma_wait3A_649 = tpu.memref_slice %arg4[%mul3A_2, %dma_wait3A_648] : memref<204800x128xf32, #tpu.memory_space<hbm>> -> memref<64x128xf32, #tpu.memory_space<hbm>>
    %dma_wait3A_650 = arith.constant 0 : i32
    %dma_wait3A_651 = arith.constant 0 : i32
    %dma_wait3A_652 = tpu.memref_slice %arg6[%dma_wait3A_636, %dma_wait3A_637, %dma_wait3A_650, %dma_wait3A_651] : memref<2x5x64x128xf32, #tpu.memory_space<vmem>> -> memref<1x1x64x128xf32, #tpu.memory_space<vmem>>
    %dma_wait3A_653 = tpu.memref_squeeze %dma_wait3A_652 : memref<1x1x64x128xf32, #tpu.memory_space<vmem>> -> memref<64x128xf32, #tpu.memory_space<vmem>>
    tpu.wait_dma2 semaphore(%dma_wait3A_647 : memref<!tpu.dma_semaphore, #tpu.memory_space<semaphore_mem>>) src(%dma_wait3A_653 : memref<64x128xf32, #tpu.memory_space<vmem>>) dst(%dma_wait3A_649 : memref<64x128xf32, #tpu.memory_space<hbm>>)
    %dma_wait3A_654 = arith.constant 1 : i32
    %dma_wait3A_655 = arith.constant 1 : i32
    %dma_wait3A_656 = arith.constant 1 : i32
    %dma_wait3A_657 = arith.constant 1 : i32
    %dma_wait3A_658 = arith.constant 0 : i32
    %dma_wait3A_659 = arith.constant 0 : i32
    %dma_wait3A_660 = tpu.memref_slice %arg6[%dma_wait3A_654, %dma_wait3A_655, %dma_wait3A_658, %dma_wait3A_659] : memref<2x5x64x128xf32, #tpu.memory_space<vmem>> -> memref<1x1x64x128xf32, #tpu.memory_space<vmem>>
    %dma_wait3A_661 = tpu.memref_squeeze %dma_wait3A_660 : memref<1x1x64x128xf32, #tpu.memory_space<vmem>> -> memref<64x128xf32, #tpu.memory_space<vmem>>
    %dma_wait3A_662 = arith.constant 0 : i32
    %dma_wait3A_663 = tpu.memref_slice %arg4[%mul3A_2, %dma_wait3A_662] : memref<204800x128xf32, #tpu.memory_space<hbm>> -> memref<64x128xf32, #tpu.memory_space<hbm>>
    %dma_wait3A_664 = tpu.memref_slice %arg8[%dma_wait3A_656, %dma_wait3A_657] : memref<2x5x!tpu.dma_semaphore, #tpu.memory_space<semaphore_mem>> -> memref<1x1x!tpu.dma_semaphore, #tpu.memory_space<semaphore_mem>>
    %dma_wait3A_665 = tpu.memref_squeeze %dma_wait3A_664 : memref<1x1x!tpu.dma_semaphore, #tpu.memory_space<semaphore_mem>> -> memref<!tpu.dma_semaphore, #tpu.memory_space<semaphore_mem>>
    %dma_wait3A_666 = arith.constant 0 : i32
    %dma_wait3A_667 = tpu.memref_slice %arg4[%mul3A_2, %dma_wait3A_666] : memref<204800x128xf32, #tpu.memory_space<hbm>> -> memref<64x128xf32, #tpu.memory_space<hbm>>
    %dma_wait3A_668 = arith.constant 0 : i32
    %dma_wait3A_669 = arith.constant 0 : i32
    %dma_wait3A_670 = tpu.memref_slice %arg6[%dma_wait3A_654, %dma_wait3A_655, %dma_wait3A_668, %dma_wait3A_669] : memref<2x5x64x128xf32, #tpu.memory_space<vmem>> -> memref<1x1x64x128xf32, #tpu.memory_space<vmem>>
    %dma_wait3A_671 = tpu.memref_squeeze %dma_wait3A_670 : memref<1x1x64x128xf32, #tpu.memory_space<vmem>> -> memref<64x128xf32, #tpu.memory_space<vmem>>
    tpu.wait_dma2 semaphore(%dma_wait3A_665 : memref<!tpu.dma_semaphore, #tpu.memory_space<semaphore_mem>>) src(%dma_wait3A_671 : memref<64x128xf32, #tpu.memory_space<vmem>>) dst(%dma_wait3A_667 : memref<64x128xf32, #tpu.memory_space<hbm>>)
    %dma_wait3A_672 = arith.constant 1 : i32
    %dma_wait3A_673 = arith.constant 2 : i32
    %dma_wait3A_674 = arith.constant 1 : i32
    %dma_wait3A_675 = arith.constant 2 : i32
    %dma_wait3A_676 = arith.constant 0 : i32
    %dma_wait3A_677 = arith.constant 0 : i32
    %dma_wait3A_678 = tpu.memref_slice %arg6[%dma_wait3A_672, %dma_wait3A_673, %dma_wait3A_676, %dma_wait3A_677] : memref<2x5x64x128xf32, #tpu.memory_space<vmem>> -> memref<1x1x64x128xf32, #tpu.memory_space<vmem>>
    %dma_wait3A_679 = tpu.memref_squeeze %dma_wait3A_678 : memref<1x1x64x128xf32, #tpu.memory_space<vmem>> -> memref<64x128xf32, #tpu.memory_space<vmem>>
    %dma_wait3A_680 = arith.constant 0 : i32
    %dma_wait3A_681 = tpu.memref_slice %arg4[%mul3A_2, %dma_wait3A_680] : memref<204800x128xf32, #tpu.memory_space<hbm>> -> memref<64x128xf32, #tpu.memory_space<hbm>>
    %dma_wait3A_682 = tpu.memref_slice %arg8[%dma_wait3A_674, %dma_wait3A_675] : memref<2x5x!tpu.dma_semaphore, #tpu.memory_space<semaphore_mem>> -> memref<1x1x!tpu.dma_semaphore, #tpu.memory_space<semaphore_mem>>
    %dma_wait3A_683 = tpu.memref_squeeze %dma_wait3A_682 : memref<1x1x!tpu.dma_semaphore, #tpu.memory_space<semaphore_mem>> -> memref<!tpu.dma_semaphore, #tpu.memory_space<semaphore_mem>>
    %dma_wait3A_684 = arith.constant 0 : i32
    %dma_wait3A_685 = tpu.memref_slice %arg4[%mul3A_2, %dma_wait3A_684] : memref<204800x128xf32, #tpu.memory_space<hbm>> -> memref<64x128xf32, #tpu.memory_space<hbm>>
    %dma_wait3A_686 = arith.constant 0 : i32
    %dma_wait3A_687 = arith.constant 0 : i32
    %dma_wait3A_688 = tpu.memref_slice %arg6[%dma_wait3A_672, %dma_wait3A_673, %dma_wait3A_686, %dma_wait3A_687] : memref<2x5x64x128xf32, #tpu.memory_space<vmem>> -> memref<1x1x64x128xf32, #tpu.memory_space<vmem>>
    %dma_wait3A_689 = tpu.memref_squeeze %dma_wait3A_688 : memref<1x1x64x128xf32, #tpu.memory_space<vmem>> -> memref<64x128xf32, #tpu.memory_space<vmem>>
    tpu.wait_dma2 semaphore(%dma_wait3A_683 : memref<!tpu.dma_semaphore, #tpu.memory_space<semaphore_mem>>) src(%dma_wait3A_689 : memref<64x128xf32, #tpu.memory_space<vmem>>) dst(%dma_wait3A_685 : memref<64x128xf32, #tpu.memory_space<hbm>>)
    %dma_wait3A_690 = arith.constant 1 : i32
    %dma_wait3A_691 = arith.constant 3 : i32
    %dma_wait3A_692 = arith.constant 1 : i32
    %dma_wait3A_693 = arith.constant 3 : i32
    %dma_wait3A_694 = arith.constant 0 : i32
    %dma_wait3A_695 = arith.constant 0 : i32
    %dma_wait3A_696 = tpu.memref_slice %arg6[%dma_wait3A_690, %dma_wait3A_691, %dma_wait3A_694, %dma_wait3A_695] : memref<2x5x64x128xf32, #tpu.memory_space<vmem>> -> memref<1x1x64x128xf32, #tpu.memory_space<vmem>>
    %dma_wait3A_697 = tpu.memref_squeeze %dma_wait3A_696 : memref<1x1x64x128xf32, #tpu.memory_space<vmem>> -> memref<64x128xf32, #tpu.memory_space<vmem>>
    %dma_wait3A_698 = arith.constant 0 : i32
    %dma_wait3A_699 = tpu.memref_slice %arg4[%mul3A_2, %dma_wait3A_698] : memref<204800x128xf32, #tpu.memory_space<hbm>> -> memref<64x128xf32, #tpu.memory_space<hbm>>
    %dma_wait3A_700 = tpu.memref_slice %arg8[%dma_wait3A_692, %dma_wait3A_693] : memref<2x5x!tpu.dma_semaphore, #tpu.memory_space<semaphore_mem>> -> memref<1x1x!tpu.dma_semaphore, #tpu.memory_space<semaphore_mem>>
    %dma_wait3A_701 = tpu.memref_squeeze %dma_wait3A_700 : memref<1x1x!tpu.dma_semaphore, #tpu.memory_space<semaphore_mem>> -> memref<!tpu.dma_semaphore, #tpu.memory_space<semaphore_mem>>
    %dma_wait3A_702 = arith.constant 0 : i32
    %dma_wait3A_703 = tpu.memref_slice %arg4[%mul3A_2, %dma_wait3A_702] : memref<204800x128xf32, #tpu.memory_space<hbm>> -> memref<64x128xf32, #tpu.memory_space<hbm>>
    %dma_wait3A_704 = arith.constant 0 : i32
    %dma_wait3A_705 = arith.constant 0 : i32
    %dma_wait3A_706 = tpu.memref_slice %arg6[%dma_wait3A_690, %dma_wait3A_691, %dma_wait3A_704, %dma_wait3A_705] : memref<2x5x64x128xf32, #tpu.memory_space<vmem>> -> memref<1x1x64x128xf32, #tpu.memory_space<vmem>>
    %dma_wait3A_707 = tpu.memref_squeeze %dma_wait3A_706 : memref<1x1x64x128xf32, #tpu.memory_space<vmem>> -> memref<64x128xf32, #tpu.memory_space<vmem>>
    tpu.wait_dma2 semaphore(%dma_wait3A_701 : memref<!tpu.dma_semaphore, #tpu.memory_space<semaphore_mem>>) src(%dma_wait3A_707 : memref<64x128xf32, #tpu.memory_space<vmem>>) dst(%dma_wait3A_703 : memref<64x128xf32, #tpu.memory_space<hbm>>)
    %dma_wait3A_708 = arith.constant 1 : i32
    %dma_wait3A_709 = arith.constant 4 : i32
    %dma_wait3A_710 = arith.constant 1 : i32
    %dma_wait3A_711 = arith.constant 4 : i32
    %dma_wait3A_712 = arith.constant 0 : i32
    %dma_wait3A_713 = arith.constant 0 : i32
    %dma_wait3A_714 = tpu.memref_slice %arg6[%dma_wait3A_708, %dma_wait3A_709, %dma_wait3A_712, %dma_wait3A_713] : memref<2x5x64x128xf32, #tpu.memory_space<vmem>> -> memref<1x1x64x128xf32, #tpu.memory_space<vmem>>
    %dma_wait3A_715 = tpu.memref_squeeze %dma_wait3A_714 : memref<1x1x64x128xf32, #tpu.memory_space<vmem>> -> memref<64x128xf32, #tpu.memory_space<vmem>>
    %dma_wait3A_716 = arith.constant 0 : i32
    %dma_wait3A_717 = tpu.memref_slice %arg4[%mul3A_2, %dma_wait3A_716] : memref<204800x128xf32, #tpu.memory_space<hbm>> -> memref<64x128xf32, #tpu.memory_space<hbm>>
    %dma_wait3A_718 = tpu.memref_slice %arg8[%dma_wait3A_710, %dma_wait3A_711] : memref<2x5x!tpu.dma_semaphore, #tpu.memory_space<semaphore_mem>> -> memref<1x1x!tpu.dma_semaphore, #tpu.memory_space<semaphore_mem>>
    %dma_wait3A_719 = tpu.memref_squeeze %dma_wait3A_718 : memref<1x1x!tpu.dma_semaphore, #tpu.memory_space<semaphore_mem>> -> memref<!tpu.dma_semaphore, #tpu.memory_space<semaphore_mem>>
    %dma_wait3A_720 = arith.constant 0 : i32
    %dma_wait3A_721 = tpu.memref_slice %arg4[%mul3A_2, %dma_wait3A_720] : memref<204800x128xf32, #tpu.memory_space<hbm>> -> memref<64x128xf32, #tpu.memory_space<hbm>>
    %dma_wait3A_722 = arith.constant 0 : i32
    %dma_wait3A_723 = arith.constant 0 : i32
    %dma_wait3A_724 = tpu.memref_slice %arg6[%dma_wait3A_708, %dma_wait3A_709, %dma_wait3A_722, %dma_wait3A_723] : memref<2x5x64x128xf32, #tpu.memory_space<vmem>> -> memref<1x1x64x128xf32, #tpu.memory_space<vmem>>
    %dma_wait3A_725 = tpu.memref_squeeze %dma_wait3A_724 : memref<1x1x64x128xf32, #tpu.memory_space<vmem>> -> memref<64x128xf32, #tpu.memory_space<vmem>>
    tpu.wait_dma2 semaphore(%dma_wait3A_719 : memref<!tpu.dma_semaphore, #tpu.memory_space<semaphore_mem>>) src(%dma_wait3A_725 : memref<64x128xf32, #tpu.memory_space<vmem>>) dst(%dma_wait3A_721 : memref<64x128xf32, #tpu.memory_space<hbm>>)
    return
  }
}

module attributes {stable_mosaic.version = 14 : i64} {
  func.func @_tr_body(%arg0: i32, %arg1: memref<64x2048xf32, #tpu.memory_space<vmem>>, %arg2: memref<2048x128xf32, #tpu.memory_space<vmem>>) attributes {dimension_semantics = [#tpu.dimension_semantics<arbitrary>], iteration_bounds = array<i64: 489>, scalar_prefetch = 0 : i64, scratch_operands = 0 : i64, tpu.core_type = #tpu.core_type<tc>, window_params = [{transform_indices = @transform_0, window_bounds = array<i64: 64, 2048>}, {transform_indices = @transform_1, window_bounds = array<i64: 2048, 128>}]} {
    %get3A = arith.constant 0 : index
    %get3A_0 = arith.constant 0 : index
    %get3A_1 = vector.load %arg1[%get3A, %get3A_0] : memref<64x2048xf32, #tpu.memory_space<vmem>>, vector<64x2048xf32>
    %transpose3A = tpu.transpose %get3A_1, [1, 0] : vector<64x2048xf32> -> vector<2048x64xf32>
    %broadcast_in_dim3A = arith.constant 0.000000e+00 : f32
    %broadcast_in_dim3A_2 = vector.broadcast %broadcast_in_dim3A : f32 to vector<2048x64xf32>
    %concatenate3A = tpu.concatenate %transpose3A, %broadcast_in_dim3A_2 in 1 : vector<2048x64xf32>, vector<2048x64xf32> -> vector<2048x128xf32>
    %swap3A = arith.constant 0 : index
    %swap3A_3 = arith.constant 0 : index
    %swap3A_4 = vector.load %arg2[%swap3A, %swap3A_3] : memref<2048x128xf32, #tpu.memory_space<vmem>>, vector<2048x128xf32>
    tpu.vector_store %arg2[%swap3A, %swap3A_3], %concatenate3A {strides = array<i32>} : memref<2048x128xf32, #tpu.memory_space<vmem>>, vector<2048x128xf32>,
    return
  }
  func.func @transform_0(%arg0: i32) -> (i32, i32) {
    %c0_i32 = arith.constant 0 : i32
    %c0_i32_0 = arith.constant 0 : i32
    return %c0_i32, %arg0 : i32, i32
  }
  func.func @transform_1(%arg0: i32) -> (i32, i32) {
    %c0_i32 = arith.constant 0 : i32
    %c0_i32_0 = arith.constant 0 : i32
    return %arg0, %c0_i32 : i32, i32
  }
}

module attributes {stable_mosaic.version = 14 : i64} {
  func.func @_ln_body(%arg0: i32, %arg1: memref<32x200x128xf32, #tpu.memory_space<vmem>>, %arg2: memref<200x64xf32, #tpu.memory_space<vmem>>, %arg3: memref<1x64xf32, #tpu.memory_space<vmem>>, %arg4: memref<1x64xf32, #tpu.memory_space<vmem>>, %arg5: memref<32x200x64xf32, #tpu.memory_space<vmem>>) attributes {dimension_semantics = [#tpu.dimension_semantics<arbitrary>], iteration_bounds = array<i64: 32>, scalar_prefetch = 0 : i64, scratch_operands = 0 : i64, tpu.core_type = #tpu.core_type<tc>, window_params = [{transform_indices = @transform_0, window_bounds = array<i64: 32, 200, 128>}, {pipeline_mode = #tpu.pipeline_mode<synchronous>, transform_indices = @transform_1, window_bounds = array<i64: 200, 64>}, {pipeline_mode = #tpu.pipeline_mode<synchronous>, transform_indices = @transform_2, window_bounds = array<i64: 1, 64>}, {pipeline_mode = #tpu.pipeline_mode<synchronous>, transform_indices = @transform_3, window_bounds = array<i64: 1, 64>}, {transform_indices = @transform_4, window_bounds = array<i64: 32, 200, 64>}]} {
    %get3A = arith.constant 0 : index
    %get3A_0 = arith.constant 0 : index
    %get3A_1 = arith.constant 0 : index
    %get3A_2 = vector.load %arg1[%get3A, %get3A_0, %get3A_1] : memref<32x200x128xf32, #tpu.memory_space<vmem>>, vector<32x200x128xf32>
    %slice3A = vector.extract_strided_slice %get3A_2 {offsets = [0, 0, 0], sizes = [32, 200, 64], strides = [1, 1, 1]} : vector<32x200x128xf32> to vector<32x200x64xf32>
    %get3A_3 = arith.constant 0 : index
    %get3A_4 = arith.constant 0 : index
    %get3A_5 = vector.load %arg2[%get3A_3, %get3A_4] : memref<200x64xf32, #tpu.memory_space<vmem>>, vector<200x64xf32>
    %broadcast_in_dim3A = vector.shape_cast %get3A_5 : vector<200x64xf32> to vector<1x200x64xf32>
    %add3A = vector.broadcast %broadcast_in_dim3A : vector<1x200x64xf32> to vector<32x200x64xf32>
    %add3A_6 = arith.addf %slice3A, %add3A : vector<32x200x64xf32>
    %reduce_sum3A = arith.constant dense<0.000000e+00> : vector<32x200xf32>
    %reduce_sum3A_7 = vector.multi_reduction <add>, %add3A_6, %reduce_sum3A [2] : vector<32x200x64xf32> to vector<32x200xf32>
    %broadcast_in_dim3A_8 = vector.shape_cast %reduce_sum3A_7 : vector<32x200xf32> to vector<32x200x1xf32>
    %div3A = arith.constant 6.400000e+01 : f32
    %div3A_9 = vector.broadcast %div3A : f32 to vector<32x200x1xf32>
    %div3A_10 = arith.divf %broadcast_in_dim3A_8, %div3A_9 : vector<32x200x1xf32>
    %sub3A = vector.broadcast %div3A_10 : vector<32x200x1xf32> to vector<32x200x64xf32>
    %sub3A_11 = arith.subf %add3A_6, %sub3A : vector<32x200x64xf32>
    %square3A = arith.mulf %sub3A_11, %sub3A_11 : vector<32x200x64xf32>
    %reduce_sum3A_12 = arith.constant dense<0.000000e+00> : vector<32x200xf32>
    %reduce_sum3A_13 = vector.multi_reduction <add>, %square3A, %reduce_sum3A_12 [2] : vector<32x200x64xf32> to vector<32x200xf32>
    %broadcast_in_dim3A_14 = vector.shape_cast %reduce_sum3A_13 : vector<32x200xf32> to vector<32x200x1xf32>
    %div3A_15 = arith.constant 6.400000e+01 : f32
    %div3A_16 = vector.broadcast %div3A_15 : f32 to vector<32x200x1xf32>
    %div3A_17 = arith.divf %broadcast_in_dim3A_14, %div3A_16 : vector<32x200x1xf32>
    %sub3A_18 = vector.broadcast %div3A_10 : vector<32x200x1xf32> to vector<32x200x64xf32>
    %sub3A_19 = arith.subf %add3A_6, %sub3A_18 : vector<32x200x64xf32>
    %add3A_20 = arith.constant 9.99999974E-6 : f32
    %add3A_21 = vector.broadcast %add3A_20 : f32 to vector<32x200x1xf32>
    %add3A_22 = arith.addf %div3A_17, %add3A_21 : vector<32x200x1xf32>
    %rsqrt3A = math.rsqrt %add3A_22 : vector<32x200x1xf32>
    %mul3A = vector.broadcast %rsqrt3A : vector<32x200x1xf32> to vector<32x200x64xf32>
    %mul3A_23 = arith.mulf %sub3A_19, %mul3A : vector<32x200x64xf32>
    %get3A_24 = arith.constant 0 : index
    %get3A_25 = arith.constant 0 : index
    %get3A_26 = vector.load %arg3[%get3A_24, %get3A_25] : memref<1x64xf32, #tpu.memory_space<vmem>>, vector<1x64xf32>
    %broadcast_in_dim3A_27 = vector.shape_cast %get3A_26 : vector<1x64xf32> to vector<1x1x64xf32>
    %mul3A_28 = vector.broadcast %broadcast_in_dim3A_27 : vector<1x1x64xf32> to vector<32x200x64xf32>
    %mul3A_29 = arith.mulf %mul3A_23, %mul3A_28 : vector<32x200x64xf32>
    %get3A_30 = arith.constant 0 : index
    %get3A_31 = arith.constant 0 : index
    %get3A_32 = vector.load %arg4[%get3A_30, %get3A_31] : memref<1x64xf32, #tpu.memory_space<vmem>>, vector<1x64xf32>
    %broadcast_in_dim3A_33 = vector.shape_cast %get3A_32 : vector<1x64xf32> to vector<1x1x64xf32>
    %add3A_34 = vector.broadcast %broadcast_in_dim3A_33 : vector<1x1x64xf32> to vector<32x200x64xf32>
    %add3A_35 = arith.addf %mul3A_29, %add3A_34 : vector<32x200x64xf32>
    %swap3A = arith.constant 0 : index
    %swap3A_36 = arith.constant 0 : index
    %swap3A_37 = arith.constant 0 : index
    %swap3A_38 = vector.load %arg5[%swap3A, %swap3A_36, %swap3A_37] : memref<32x200x64xf32, #tpu.memory_space<vmem>>, vector<32x200x64xf32>
    tpu.vector_store %arg5[%swap3A, %swap3A_36, %swap3A_37], %add3A_35 {strides = array<i32>} : memref<32x200x64xf32, #tpu.memory_space<vmem>>, vector<32x200x64xf32>,
    return
  }
  func.func @transform_0(%arg0: i32) -> (i32, i32, i32) {
    %c0_i32 = arith.constant 0 : i32
    %c0_i32_0 = arith.constant 0 : i32
    %c0_i32_1 = arith.constant 0 : i32
    return %arg0, %c0_i32, %c0_i32_0 : i32, i32, i32
  }
  func.func @transform_1(%arg0: i32) -> (i32, i32) {
    %c0_i32 = arith.constant 0 : i32
    %c0_i32_0 = arith.constant 0 : i32
    %c0_i32_1 = arith.constant 0 : i32
    return %c0_i32, %c0_i32_0 : i32, i32
  }
  func.func @transform_2(%arg0: i32) -> (i32, i32) {
    %c0_i32 = arith.constant 0 : i32
    %c0_i32_0 = arith.constant 0 : i32
    %c0_i32_1 = arith.constant 0 : i32
    return %c0_i32, %c0_i32_0 : i32, i32
  }
  func.func @transform_3(%arg0: i32) -> (i32, i32) {
    %c0_i32 = arith.constant 0 : i32
    %c0_i32_0 = arith.constant 0 : i32
    %c0_i32_1 = arith.constant 0 : i32
    return %c0_i32, %c0_i32_0 : i32, i32
  }
  func.func @transform_4(%arg0: i32) -> (i32, i32, i32) {
    %c0_i32 = arith.constant 0 : i32
    %c0_i32_0 = arith.constant 0 : i32
    %c0_i32_1 = arith.constant 0 : i32
    return %arg0, %c0_i32, %c0_i32_0 : i32, i32, i32
  }
}

</mosaic_0001>

<sc_bundles>
// kernel: kernel.5.cloned.1.call-start
scs
__scs_entry_jumppad:
0x0: {  	(pc) =	sbr.rel $0x88, $3  }
0x1: {  	(tag) =	ssettag $0x0;
	lr =	simm.s32 $0x1  }
0x2: {  	[smem:$0x3F9C] =	sst lr;
	_ =	strace $0xD0000000  }
0x3: {  	_ = 	snop  }
0x4: {  	_ = 	snop  }
0x5: {  	_ = 	snop  }
0x6: {  	_ = 	snop  }
0x7: {  	_ = 	snop  }
__scs_overlays_trampoline_lowered:
0x8: {  	[smem:$0x3FAB] =	sst s0  }
0x9: {  	[smem:$0x3FAC] =	sst s1  }
0xa: {  	[smem:$0x3FAD] =	sst s2  }
0xb: {  	[smem:$0x3FAE] =	sst s3  }
0xc: {  	[smem:$0x3FAF] =	sst s4  }
0xd: {  	[smem:$0x3FB0] =	sst s5  }
0xe: {  	[smem:$0x3FB1] =	sst s6  }
0xf: {  	[smem:$0x3FB2] =	sst s7  }
0x10: {  	[smem:$0x3FB3] =	sst s8  }
0x11: {  	[smem:$0x3FB4] =	sst s9;
	s0 =	simm.s32 @!p0 $0x0  }
0x12: {  	s1 =	sld [smem:$0x3F9A];
	s0 =	simm.s32 @p0 $0x1  }
0x13: {  	[smem:$0x3FB5] =	sst s0;
	s0 =	simm.s32 @!p1 $0x0  }
0x14: {  	s2 =	sld [smem:$0x3F99];
	s0 =	simm.s32 @p1 $0x1  }
0x15: {  	[smem:$0x3FB6] =	sst s0;
	s0 =	simm.s32 @!p2 $0x0  }
0x16: {  	s3 =	sld [smem:$0x3FDB];
	s0 =	simm.s32 @p2 $0x1  }
0x17: {  	s4 =	simm.s32 $0x1BF5;
	[smem:$0x3FB8] =	sst s0  }
0x18: {  	s0 =	sld [smem:$0x3F9B];
	_ =	swait.ge [sflag:s4], $0x0  }
0x19: {  	s7 =	sld [smem:$0x3F9C]  }
0x1a: {  	s8 =	sadd.s32 $0xFFFFE003, lr  }
0x1b: {  	s9 =	sadd.s32 $0xFFFFFEF7, lr;
	s5 =	simm.s32 $0xFFFFFFFF;
	p2 =	slt.u32 s8, $0xFFFFF086  }
0x1c: {  	p1 =	slt.u32 s9, $0xF7A;
	s5 =	simm.s32 @!p2 $0x0  }
0x1d: {  	s5 =	simm.s32 @p1 $0x1;
	p0 =	seq.s32 s7, s2  }
0x1e: {  	s7 =	smul.u32 @!p0 $0xF7A, s2;
	p2 =	seq.s32 @!p0 s5, $0x0  }
0x1f: {  	s9 =	smul.u32 $0xF7A, s1;
	s8 =	simm.s32 @!p0 $0x1BF5;
	p2 =	por !p2, p0  }
0x20: {  	[sflag:s8] =	ssyncset.s32 @!p0 $0xFFFFF086;
	s6 =	sadd.s32 @!p0 s3, s7;
	s7 =	simm.s32 @!p0 $0x108  }
0x21: {  	s3 =	sadd.s32 s3, s9;
	s6 =	sadd.s32 @!p0 $0x88, s6;
	s7 =	simm.s32 @p2 $0x1082  }
0x22: {  	[simem:s7], [sflag:s8] =	dma.local @!p0 [hbm:s6], $0xF7A  }
0x23: {  	s9 =	sor.u32 $0xD0000000, s2;
	s6 =	simm.s32 $0x108;
	_ =	swait.ge @!p0 [sflag:s8], $0x0  }
0x24: {  	s3 =	sadd.s32 $0x88, s3;
	s6 =	simm.s32 @!p1 $0x1082;
	[sflag:s4] =	ssyncset.s32 $0xFFFFF086  }
0x25: {  	[simem:s6], [sflag:s4] =	dma.local [hbm:s3], $0xF7A  }
0x26: {  	[smem:$0x3F9C] =	sst s1;
	(tag) =	ssettag s2;
	_ =	strace s9  }
0x27: {  	s1 =	sld [smem:$0x3FAC]  }
0x28: {  	s2 =	sld [smem:$0x3FAD]  }
0x29: {  	s4 =	sld [smem:$0x3FAF]  }
0x2a: {  	p0 =	seq.s32 s5, $0x0;
	s5 =	sld [smem:$0x3FB0]  }
0x2b: {  	s6 =	sld [smem:$0x3FB1]  }
0x2c: {  	s7 =	sld [smem:$0x3FB2]  }
0x2d: {  	s3 =	simm.s32 $0x108;
	s8 =	sld [smem:$0x3FB3]  }
0x2e: {  	s3 =	simm.s32 @!p0 $0x1082;
	s9 =	sld [smem:$0x3FB4]  }
0x2f: {  	lr =	sadd.s32 s0, s3;
	s0 =	sld [smem:$0x3FAB]  }
0x30: {  	s3 =	sld [smem:$0x3FAE]  }
0x31: {  	[smem:$0x3FB7] =	sst s10  }
0x32: {  	s10 =	sld [smem:$0x3FB5];
	_ =	sdelay $0x3  }
0x33: {  	p0 =	seq.s32 s10, $0x1;
	s10 =	sld [smem:$0x3FB7];
	_ =	sdelay $0x3  }
0x34: {  	[smem:$0x3FB7] =	sst s10  }
0x35: {  	s10 =	sld [smem:$0x3FB6];
	_ =	sdelay $0x3  }
0x36: {  	p1 =	seq.s32 s10, $0x1;
	s10 =	sld [smem:$0x3FB7];
	_ =	sdelay $0x3  }
0x37: {  	[smem:$0x3FB7] =	sst s10  }
0x38: {  	s10 =	sld [smem:$0x3FB8]  }
0x39: {  	_ = 	snop;
	(pc) =	sbr.ind lr, $3  }
0x3a: {  	_ = 	snop  }
0x3b: {  	_ = 	snop  }
0x3c: {  	p2 =	seq.s32 s10, $0x1;
	s10 =	sld [smem:$0x3FB7]  }
0x3d: {  	_ =	shalt  }
0x3e: {  	_ =	shalt  }
0x3f: {  	_ =	shalt  }
0x40: {  	_ =	shalt  }
0x41: {  	_ =	shalt  }
0x42: {  	_ =	shalt  }
0x43: {  	_ =	shalt  }
0x44: {  	_ =	shalt  }
0x45: {  	_ =	shalt  }
0x46: {  	_ =	shalt  }
0x47: {  	_ =	shalt  }
0x48: {  	_ =	shalt  }
0x49: {  	_ =	shalt  }
0x4a: {  	_ =	shalt  }
0x4b: {  	_ =	shalt  }
0x4c: {  	_ =	shalt  }
0x4d: {  	_ =	shalt  }
0x4e: {  	_ =	shalt  }
0x4f: {  	_ =	shalt  }
0x50: {  	_ =	shalt  }
0x51: {  	_ =	shalt  }
0x52: {  	_ =	shalt  }
0x53: {  	_ =	shalt  }
0x54: {  	_ =	shalt  }
0x55: {  	_ =	shalt  }
0x56: {  	_ =	shalt  }
0x57: {  	_ =	shalt  }
0x58: {  	_ =	shalt  }
0x59: {  	_ =	shalt  }
0x5a: {  	_ =	shalt  }
0x5b: {  	_ =	shalt  }
0x5c: {  	_ =	shalt  }
0x5d: {  	_ =	shalt  }
0x5e: {  	_ =	shalt  }
0x5f: {  	_ =	shalt  }
0x60: {  	_ =	shalt  }
0x61: {  	_ =	shalt  }
0x62: {  	_ =	shalt  }
0x63: {  	_ =	shalt  }
0x64: {  	_ =	shalt  }
0x65: {  	_ =	shalt  }
0x66: {  	_ =	shalt  }
0x67: {  	_ =	shalt  }
0x68: {  	_ =	shalt  }
0x69: {  	_ =	shalt  }
0x6a: {  	_ =	shalt  }
0x6b: {  	_ =	shalt  }
0x6c: {  	_ =	shalt  }
0x6d: {  	_ =	shalt  }
0x6e: {  	_ =	shalt  }
0x6f: {  	_ =	shalt  }
0x70: {  	_ =	shalt  }
0x71: {  	_ =	shalt  }
0x72: {  	_ =	shalt  }
0x73: {  	_ =	shalt  }
0x74: {  	_ =	shalt  }
0x75: {  	_ =	shalt  }
0x76: {  	_ =	shalt  }
0x77: {  	_ =	shalt  }
0x78: {  	_ =	shalt  }
0x79: {  	_ =	shalt  }
0x7a: {  	_ =	shalt  }
0x7b: {  	_ =	shalt  }
0x7c: {  	_ =	shalt  }
0x7d: {  	_ =	shalt  }
0x7e: {  	_ =	shalt  }
0x7f: {  	_ =	shalt  }
0x80: {  	_ =	shalt  }
0x81: {  	_ =	shalt  }
0x82: {  	_ =	shalt  }
0x83: {  	_ =	shalt  }
0x84: {  	_ =	shalt  }
0x85: {  	_ =	shalt  }
0x86: {  	_ =	shalt  }
0x87: {  	_ =	shalt  }
.Lfunc_end0:
.L_simem_size_0:
called_computation_lowered:
.L_overlay_start_0:
0x88: {  	s2 =	sld [smem:$0x3FD9]  }
0x89: {  	s3 =	sld [smem:$0x3FFE];
	_ =	sdelay $0x1  }
0x8a: {  	s1 =	srdreg.scid  }
0x8b: {  	s0 =	sand.u32 $0x1, s1  }
0x8c: {  	s17 =	sshll.u32 s0, $0xA;
	s2 =	sadd.s32 s3, s2  }
0x8d: {  	s2 =	sadd.s32 s2, s17  }
0x8e: {  	[smem:$0x3FC3] =	sst s2  }
0x8f: {  	_ = 	snop  }
0x90: {  	s2 =	sld [smem:$0x3FD0];
	(tm) =	ssettm $0x1  }
0x91: {  	s18 =	sld [smem:$0x3FFB];
	_ =	sdelay $0x3  }
0x92: {  	_ =	strace s18  }
0x93: {  	s3 =	sld [smem:$0x3FFC];
	_ =	sdelay $0x3  }
0x94: {  	_ =	strace s3  }
0x95: {  	s3 =	sld [smem:$0x3FFD];
	_ =	sdelay $0x3  }
0x96: {  	_ =	strace s3  }
0x97: {  	_ =	strace $0x8FFFFFFF  }
0x98: {  	s19 =	sld [smem:$0x3FDB];
	_ =	sdelay $0x1  }
0x99: {  	s4 =	simm.s32 $_scs_section_size  }
0x9a: {  	s5 =	simm.s32 $_size__tile_overlayer_lowered;
	s6 =	simm.s32 $_tile_overlayer_lowered  }
0x9b: {  	s22 =	simm.s32 $0x1BFF;
	s21 =	sshll.u32 s6, $0x1;
	s3 =	sadd.s32 s4, s19  }
0x9c: {  	s7 =	simm.s32 $0x0;
	s20 =	sshll.u32 s5, $0x1;
	s5 =	sadd.s32 s21, s3  }
0x9d: {  	[timem:s7], [sflag:s22] =	dma.local [hbm:s5], s20  }
0x9e: {  	_ =	swait.ge [sflag:s22], s20  }
0x9f: {  	s4 =	ssub.s32 $0x0, s20;
	[sflag:s22] =	ssyncset.done $0x0  }
0xa0: {  	[sflag:s22] =	ssyncadd.s32 s4;
	_ =	sdelay $0x1  }
0xa1: {  	s23 =	simm.s32 $0x1B8B  }
0xa2: {  	_ =	swait.ge [sflag:s23], $0x1  }
0xa3: {  	[sflag:s23] =	ssyncset.done $0x0  }
0xa4: {  	s25 =	simm.s32 $0x1B8E;
	s24 =	sld [smem:$0x3FFE];
	[sflag:s23] =	ssyncadd.s32 $0xFFFFFFFF  }
0xa5: {  	s26 =	simm.s32 $execute0_lowered;
	[smem:$0x3FD2] =	sst s25  }
0xa6: {  	s5 =	sshll.u32 s26, $0x1;
	_ =	strace $0x80000046;
	[dreg:$0x1] =	wrdreg $0xFFFFFFFF  }
0xa7: {  	s28 =	simm.s32 $_size_execute0_lowered;
	s3 =	sadd.s32 s3, s5;
	[dreg:$0x0] =	wrdreg $0x0  }
0xa8: {  	s5 =	sshll.u32 s28, $0x1;
	[dreg:$0x2] =	wrdreg s3  }
0xa9: {  	[dreg:$0x3] =	wrdreg s5  }
0xaa: {  	[dreg:$0x4] =	wrdreg $0xC0  }
0xab: {  	_ =	task [dreg:s7], $0x5FFFF  }
0xac: {  	[dreg:$0x1] =	wrdreg $0xFFFFFFFF  }
0xad: {  	[dreg:$0x0] =	wrdreg $0x60  }
0xae: {  	[dreg:$0x2] =	wrdreg s2  }
0xaf: {  	[dreg:$0x3] =	wrdreg s24  }
0xb0: {  	[dreg:$0x4] =	wrdreg $0x9  }
0xb1: {  	_ =	task.clear_ibuf [dreg:s7], $0x5FFFF;
	_ =	strace $0x90000046  }
0xb2: {  	s29 =	simm.s32 $0x9;
	_ =	strace $0x80000048  }
0xb3: {  	_ =	swait.ge [sflag:s29], $0x1  }
0xb4: {  	[sflag:s29] =	ssyncadd.s32 $0xFFFFFFFF  }
0xb5: {  	_ =	strace $0x90000048  }
0xb6: {  	_ =	sfence  }
0xb7: {  	s30 =	sld [smem:$0x0];
	_ =	sdelay $0x2  }
0xb8: {  	s31 =	sshll.u32 s1, $0xD;
	s1 =	sshrl.u32 s1, $0x2  }
0xb9: {  	s3 =	sand.u32 $0x4000, s31;
	s1 =	sadd.s32 s1, s30  }
0xba: {  	s0 =	sor.u32 s3, s0;
	s1 =	sshll.u32 s1, $0x11  }
0xbb: {  	s0 =	sor.u32 s1, s0  }
0xbc: {  	s0 =	sadd.s32 $0x8F2B, s0  }
0xbd: {  	[sflag:s0] =	ssyncadd.remote.s32 $0x1  }
0xbe: {  	_ =	sfence.sel $0xFFFF  }
0xbf: {  	[dreg:$0x0] =	wrdreg $0xFFFFFFFF;
	(pc) =	sbr.abs _section_cstart, $3  }
0xc0: {  	[dreg:$0x1] =	wrdreg $0xFFFFFFFF  }
0xc1: {  	_ =	task.clear_ibuf [dreg:s7], $0x2FFFF;
	_ =	strace $0x9FFFFFFF  }
0xc2: {  	(tm) =	ssettm $0x7FFFFFFF  }
0xc3: {  	_ =	shalt  }
tec
execute0_lowered:
.L_overlay_start_1:
0x0: {  	(tag) =	ssettag $0x1  }
0x1: {  	s0 =	rddreg [dreg:$0x0]  }
0x2: {  	s1 =	rddreg [dreg:$0x1]  }
0x3: {  	s3 =	srdreg.scid;
	s10 =	stileid.u32  }
0x4: {  	s2 =	simm.s32 $0x0;
	s28 =	simm.s32 $0xB400;
	s31 =	simm.s32 $0x1  }
0x5: {  	s29 =	simm.s32 $0x9400;
	s30 =	simm.s32 $0xB400;
	s19 =	smul.u32 $0x32000, s10  }
0x6: {  	s4 =	sand.u32 $0x1, s3;
	s17 =	sshll.u32 s10, $0x1;
	s21 =	smul.u32 $0x190000, s10  }
0x7: {  	[smem:$0x7FF] =	sst s2;
	s5 =	sor.u32 s4, s17;
	s23 =	smul.u32 $0xC8000, s4  }
0x8: {  	s3 =	sadd.s32 $0xE00, s1;
	s11 =	sadd.s32 $0xF43200, s1;
	s7 =	smul.u32 $0x680, s5  }
0x9: {  	_ =	strace $0x80000047;
	s6 =	ssub.s32 $0x2, s4;
	s9 =	smul.u32 $0x19000, s5  }
0xa: {  	[dreg:$0xc] =	wrdreg s11;
	s8 =	sshrl.u32 s6, $0x1;
	s5 =	smul.u32 $0xC8000, s5  }
0xb: {  	s4 =	smul.u32 $0x19000, s4;
	s1 =	ssub.s32 s6, s8;
	s6 =	sadd.s32 s23, s21  }
0xc: {  	s0 =	sadd.s32 s0, s7;
	s18 =	sadd.s32 s11, s9;
	s5 =	sshrl.u32 s5, $0x3  }
0xd: {  	s9 =	sadd.s32 $0x16000, s6;
	s13 =	sadd.s32 $0x1A000, s6;
	s15 =	sadd.s32 $0x18000, s6  }
0xe: {  	s17 =	sadd.s32 $0x26000, s6;
	s21 =	sadd.s32 $0x22000, s6;
	s23 =	sadd.s32 $0x20000, s6  }
0xf: {  	s1 =	smax.u32 s1, $0x1;
	s7 =	simm.s32 $0x4;
	[dreg:$0xd] =	wrdreg s0  }
0x10: {  	s20 =	sadd.s32 $0x400, s18;
	s22 =	sadd.s32 $0x800, s18;
	[dreg:$0xe] =	wrdreg s18  }
0x11: {  	s5 =	sadd.s32 s11, s5;
	s8 =	sadd.s32 $0xC00, s18;
	[dreg:$0x18] =	wrdreg s1  }
0x12: {  	s0 =	sadd.s32 s4, s19;
	s10 =	sshrl.u32 s9, $0x3;
	[dreg:$0xf] =	wrdreg s20  }
0x13: {  	s11 =	sadd.s32 $0x1C000, s6;
	s14 =	sshrl.u32 s13, $0x3;
	[dreg:$0x10] =	wrdreg s22  }
0x14: {  	s16 =	sshrl.u32 s15, $0x3;
	s18 =	sshrl.u32 s17, $0x3;
	[dreg:$0x11] =	wrdreg s8  }
0x15: {  	s19 =	sadd.s32 $0x24000, s6;
	s1 =	simm.s32 $0x3;
	[dreg:$0x3] =	wrdreg s0  }
0x16: {  	s9 =	simm.s32 $0xD400;
	s13 =	simm.s32 $0x6;
	[dreg:$0x4] =	wrdreg s10  }
0x17: {  	s15 =	simm.s32 $0x7;
	s6 =	simm.s32 $0x9;
	[dreg:$0x6] =	wrdreg s14  }
0x18: {  	s17 =	simm.s32 $0xA;
	s4 =	simm.s32 $0x12;
	[dreg:$0x7] =	wrdreg s16  }
0x19: {  	s24 =	sadd.s32 $0x1000, s5;
	s25 =	sadd.s32 $0x1400, s5;
	[dreg:$0x8] =	wrdreg s18  }
0x1a: {  	s26 =	sadd.s32 $0x1800, s5;
	s8 =	sadd.s32 $0x1C00, s5;
	[dreg:$0x12] =	wrdreg s24  }
0x1b: {  	s12 =	sshrl.u32 s11, $0x3;
	s20 =	sshrl.u32 s19, $0x3;
	[dreg:$0x13] =	wrdreg s25  }
0x1c: {  	s22 =	sshrl.u32 s21, $0x3;
	s18 =	simm.s32 $0x40;
	[dreg:$0x14] =	wrdreg s26  }
0x1d: {  	s0 =	simm.s32 $0x2;
	s10 =	simm.s32 $0xF400;
	[dreg:$0x15] =	wrdreg s8  }
0x1e: {  	s11 =	simm.s32 $0x11400;
	s16 =	simm.s32 $0x8;
	[dreg:$0x5] =	wrdreg s12  }
0x1f: {  	s19 =	simm.s32 $0x13;
	s21 =	simm.s32 $0x14;
	[dreg:$0x9] =	wrdreg s20  }
0x20: {  	s14 =	simm.s32 $0x0;
	s24 =	sadd.s32 $0x2000, s5;
	[dreg:$0xa] =	wrdreg s22  }
0x21: {  	s25 =	sshrl.u32 s23, $0x3;
	s26 =	sadd.s32 $0x2400, s5;
	s20 =	simm.s32 $0x5400  }
0x22: {  	s5 =	simm.s32 $0x7400;
	s23 =	simm.s32 $0x1;
	[dreg:$0x16] =	wrdreg s24  }
0x23: {  	s8 =	simm.s32 $0x5;
	s12 =	simm.s32 $0x13400;
	[dreg:$0x17] =	wrdreg s26  }
0x24: {  	[dreg:$0xb] =	wrdreg s25;
	s24 =	simm.s32 $0x3400;
	s26 =	simm.s32 $0x9400  }
.LBB2_1:
0x25: {  	[dreg:$0x19] =	wrdreg s14  }
0x26: {  	s22 =	rddreg [dreg:$0xd];
	s25 =	simm.s32 $0x15  }
0x27: {  	[tilespmem:s2], [sflag:$0x15] =	stream.linear.gather [hbm4b:s22+s2], $0x3200, $0x38;
	[tilespmem:$0x17400] =	vst v63  }
0x28: {  	_ =	swait.ge [sflag:s25], $0x3200  }
0x29: {  	[sflag:s25] =	ssyncset.done $0x0  }
0x2a: {  	[sflag:s25] =	ssyncadd.s32 $0xFFFFCE00  }
0x2b: {  	[tilespmem:s24], [sflag:$0x1] =	stream.indirect.gather [hbm4b:s3+s18], $0x80, s2, s18, $0xb8;
	[tilespmem:$0x17400] =	vst v63  }
0x2c: {  	s14 =	simm.s32 $0x80  }
0x2d: {  	[tilespmem:s20], [sflag:$0x2] =	stream.indirect.gather [hbm4b:s3+s18], $0x80, s14, s18, $0xb8;
	[tilespmem:$0x17400] =	vst v63  }
0x2e: {  	s25 =	simm.s32 $0x100  }
0x2f: {  	[tilespmem:s5], [sflag:$0x3] =	stream.indirect.gather [hbm4b:s3+s18], $0x80, s25, s18, $0xb8;
	[tilespmem:$0x17400] =	vst v63  }
0x30: {  	s14 =	simm.s32 $0x180  }
0x31: {  	[tilespmem:s26], [sflag:$0x4] =	stream.indirect.gather [hbm4b:s3+s18], $0x80, s14, s18, $0xb8;
	[tilespmem:$0x17400] =	vst v63  }
0x32: {  	s25 =	simm.s32 $0x200  }
0x33: {  	[tilespmem:s28], [sflag:$0x5] =	stream.indirect.gather [hbm4b:s3+s18], $0x80, s25, s18, $0xb8;
	[tilespmem:$0x17400] =	vst v63  }
0x34: {  	_ =	swait.ge [sflag:s23], $0x2000  }
0x35: {  	[sflag:s23] =	ssyncset.done $0x0  }
0x36: {  	s14 =	rddreg [dreg:$0xe];
	[sflag:s23] =	ssyncadd.s32 $0xFFFFE000  }
0x37: {  	[hbm4b:s14+s2] =	stream.linear.scatter [tilespmem:s24], [sflag:$0xB], $0x2000, $0x38;
	[tilespmem:$0x17400] =	vst v63  }
0x38: {  	_ =	swait.ge [sflag:s0], $0x2000  }
0x39: {  	[sflag:s0] =	ssyncset.done $0x0  }
0x3a: {  	s25 =	rddreg [dreg:$0xf];
	[sflag:s0] =	ssyncadd.s32 $0xFFFFE000  }
0x3b: {  	[hbm4b:s25+s2] =	stream.linear.scatter [tilespmem:s20], [sflag:$0xC], $0x2000, $0x38;
	[tilespmem:$0x17400] =	vst v63  }
0x3c: {  	_ =	swait.ge [sflag:s1], $0x2000  }
0x3d: {  	[sflag:s1] =	ssyncset.done $0x0  }
0x3e: {  	s14 =	rddreg [dreg:$0x10];
	[sflag:s1] =	ssyncadd.s32 $0xFFFFE000  }
0x3f: {  	[hbm4b:s14+s2] =	stream.linear.scatter [tilespmem:s5], [sflag:$0xD], $0x2000, $0x38;
	[tilespmem:$0x17400] =	vst v63  }
0x40: {  	_ =	swait.ge [sflag:s7], $0x2000  }
0x41: {  	[sflag:s7] =	ssyncset.done $0x0  }
0x42: {  	s25 =	rddreg [dreg:$0x11];
	[sflag:s7] =	ssyncadd.s32 $0xFFFFE000  }
0x43: {  	[hbm4b:s25+s2] =	stream.linear.scatter [tilespmem:s26], [sflag:$0xE], $0x2000, $0x38;
	[tilespmem:$0x17400] =	vst v63  }
0x44: {  	_ =	swait.ge [sflag:s8], $0x2000  }
0x45: {  	[sflag:s8] =	ssyncset.done $0x0  }
0x46: {  	s14 =	rddreg [dreg:$0x12];
	[sflag:s8] =	ssyncadd.s32 $0xFFFFE000  }
0x47: {  	[hbm4b:s14+s2] =	stream.linear.scatter [tilespmem:s28], [sflag:$0xF], $0x2000, $0x38;
	[tilespmem:$0x17400] =	vst v63  }
0x48: {  	s25 =	simm.s32 $0x280  }
0x49: {  	[tilespmem:s9], [sflag:$0x6] =	stream.indirect.gather [hbm4b:s3+s18], $0x80, s25, s18, $0xb8;
	[tilespmem:$0x17400] =	vst v63  }
0x4a: {  	s14 =	simm.s32 $0x300  }
0x4b: {  	[tilespmem:s10], [sflag:$0x7] =	stream.indirect.gather [hbm4b:s3+s18], $0x80, s14, s18, $0xb8;
	[tilespmem:$0x17400] =	vst v63  }
0x4c: {  	s25 =	simm.s32 $0x380  }
0x4d: {  	[tilespmem:s11], [sflag:$0x8] =	stream.indirect.gather [hbm4b:s3+s18], $0x80, s25, s18, $0xb8;
	[tilespmem:$0x17400] =	vst v63  }
0x4e: {  	s14 =	simm.s32 $0x400  }
0x4f: {  	[tilespmem:s12], [sflag:$0x9] =	stream.indirect.gather [hbm4b:s3+s18], $0x80, s14, s18, $0xb8;
	[tilespmem:$0x17400] =	vst v63  }
0x50: {  	s25 =	simm.s32 $0x480;
	s14 =	simm.s32 $0x15400  }
0x51: {  	[tilespmem:s14], [sflag:$0xA] =	stream.indirect.gather [hbm4b:s3+s18], $0x80, s25, s18, $0xb8;
	[tilespmem:$0x17400] =	vst v63  }
0x52: {  	_ =	swait.ge [sflag:s13], $0x2000  }
0x53: {  	[sflag:s13] =	ssyncset.done $0x0  }
0x54: {  	s25 =	rddreg [dreg:$0x13];
	[sflag:s13] =	ssyncadd.s32 $0xFFFFE000  }
0x55: {  	[hbm4b:s25+s2] =	stream.linear.scatter [tilespmem:s9], [sflag:$0x10], $0x2000, $0x38;
	[tilespmem:$0x17400] =	vst v63  }
0x56: {  	_ =	swait.ge [sflag:s15], $0x2000  }
0x57: {  	[sflag:s15] =	ssyncset.done $0x0  }
0x58: {  	s25 =	rddreg [dreg:$0x14];
	[sflag:s15] =	ssyncadd.s32 $0xFFFFE000  }
0x59: {  	[hbm4b:s25+s2] =	stream.linear.scatter [tilespmem:s10], [sflag:$0x11], $0x2000, $0x38;
	[tilespmem:$0x17400] =	vst v63  }
0x5a: {  	_ =	swait.ge [sflag:s16], $0x2000  }
0x5b: {  	[sflag:s16] =	ssyncset.done $0x0  }
0x5c: {  	s25 =	rddreg [dreg:$0x15];
	[sflag:s16] =	ssyncadd.s32 $0xFFFFE000  }
0x5d: {  	[hbm4b:s25+s2] =	stream.linear.scatter [tilespmem:s11], [sflag:$0x12], $0x2000, $0x38;
	[tilespmem:$0x17400] =	vst v63  }
0x5e: {  	_ =	swait.ge [sflag:s6], $0x2000  }
0x5f: {  	[sflag:s6] =	ssyncset.done $0x0  }
0x60: {  	s25 =	rddreg [dreg:$0x16];
	[sflag:s6] =	ssyncadd.s32 $0xFFFFE000  }
0x61: {  	[hbm4b:s25+s2] =	stream.linear.scatter [tilespmem:s12], [sflag:$0x13], $0x2000, $0x38;
	[tilespmem:$0x17400] =	vst v63  }
0x62: {  	_ =	swait.ge [sflag:s17], $0x2000  }
0x63: {  	[sflag:s17] =	ssyncset.done $0x0  }
0x64: {  	s25 =	rddreg [dreg:$0x17];
	[sflag:s17] =	ssyncadd.s32 $0xFFFFE000  }
0x65: {  	[hbm4b:s25+s2] =	stream.linear.scatter [tilespmem:s14], [sflag:$0x14], $0x2000, $0x38;
	[tilespmem:$0x17400] =	vst v63  }
0x66: {  	s25 =	simm.s32 $0xB  }
0x67: {  	_ =	swait.ge [sflag:s25], $0x2000  }
0x68: {  	[sflag:s25] =	ssyncset.done $0x0  }
0x69: {  	[sflag:s25] =	ssyncadd.s32 $0xFFFFE000;
	s25 =	simm.s32 $0xC  }
0x6a: {  	_ =	swait.ge [sflag:s25], $0x2000  }
0x6b: {  	[sflag:s25] =	ssyncset.done $0x0  }
0x6c: {  	[sflag:s25] =	ssyncadd.s32 $0xFFFFE000;
	s25 =	simm.s32 $0xD  }
0x6d: {  	_ =	swait.ge [sflag:s25], $0x2000  }
0x6e: {  	[sflag:s25] =	ssyncset.done $0x0  }
0x6f: {  	[sflag:s25] =	ssyncadd.s32 $0xFFFFE000;
	s25 =	simm.s32 $0xE  }
0x70: {  	_ =	swait.ge [sflag:s25], $0x2000  }
0x71: {  	[sflag:s25] =	ssyncset.done $0x0  }
0x72: {  	[sflag:s25] =	ssyncadd.s32 $0xFFFFE000;
	s25 =	simm.s32 $0xF  }
0x73: {  	_ =	swait.ge [sflag:s25], $0x2000  }
0x74: {  	[sflag:s25] =	ssyncset.done $0x0  }
0x75: {  	[sflag:s25] =	ssyncadd.s32 $0xFFFFE000;
	s25 =	simm.s32 $0x500  }
0x76: {  	[tilespmem:s24], [sflag:$0x1] =	stream.indirect.gather [hbm4b:s3+s18], $0x80, s25, s18, $0xb8;
	[tilespmem:$0x17400] =	vst v63  }
0x77: {  	s25 =	simm.s32 $0x580  }
0x78: {  	[tilespmem:s20], [sflag:$0x2] =	stream.indirect.gather [hbm4b:s3+s18], $0x80, s25, s18, $0xb8;
	[tilespmem:$0x17400] =	vst v63  }
0x79: {  	s25 =	simm.s32 $0x600  }
0x7a: {  	[tilespmem:s5], [sflag:$0x3] =	stream.indirect.gather [hbm4b:s3+s18], $0x80, s25, s18, $0xb8;
	[tilespmem:$0x17400] =	vst v63  }
0x7b: {  	s25 =	simm.s32 $0x680  }
0x7c: {  	[tilespmem:s26], [sflag:$0x4] =	stream.indirect.gather [hbm4b:s3+s18], $0x80, s25, s18, $0xb8;
	[tilespmem:$0x17400] =	vst v63  }
0x7d: {  	s25 =	simm.s32 $0x700  }
0x7e: {  	[tilespmem:s28], [sflag:$0x5] =	stream.indirect.gather [hbm4b:s3+s18], $0x80, s25, s18, $0xb8;
	[tilespmem:$0x17400] =	vst v63  }
0x7f: {  	_ =	swait.ge [sflag:s23], $0x2000  }
0x80: {  	s22 =	rddreg [dreg:$0x3]  }
0x81: {  	s25 =	rddreg [dreg:$0xc]  }
0x82: {  	[sflag:s23] =	ssyncset.done $0x0;
	s22 =	sadd.s32 s25, s22  }
0x83: {  	[sflag:s23] =	ssyncadd.s32 $0xFFFFE000;
	s23 =	sadd.s32 $0x2800, s22  }
0x84: {  	[hbm4b:s23+s2] =	stream.linear.scatter [tilespmem:s24], [sflag:$0xB], $0x2000, $0x38;
	[tilespmem:$0x17400] =	vst v63  }
0x85: {  	_ =	swait.ge [sflag:s0], $0x2000  }
0x86: {  	s24 =	rddreg [dreg:$0x4];
	[sflag:s0] =	ssyncset.done $0x0  }
0x87: {  	[sflag:s0] =	ssyncadd.s32 $0xFFFFE000;
	s23 =	sadd.s32 s25, s24  }
0x88: {  	[hbm4b:s23+s2] =	stream.linear.scatter [tilespmem:s20], [sflag:$0xC], $0x2000, $0x38;
	[tilespmem:$0x17400] =	vst v63  }
0x89: {  	_ =	swait.ge [sflag:s1], $0x2000  }
0x8a: {  	s0 =	rddreg [dreg:$0x7];
	[sflag:s1] =	ssyncset.done $0x0  }
0x8b: {  	[sflag:s1] =	ssyncadd.s32 $0xFFFFE000;
	s23 =	sadd.s32 s25, s0  }
0x8c: {  	[hbm4b:s23+s2] =	stream.linear.scatter [tilespmem:s5], [sflag:$0xD], $0x2000, $0x38;
	[tilespmem:$0x17400] =	vst v63  }
0x8d: {  	_ =	swait.ge [sflag:s7], $0x2000  }
0x8e: {  	s20 =	rddreg [dreg:$0x6];
	[sflag:s7] =	ssyncset.done $0x0  }
0x8f: {  	[sflag:s7] =	ssyncadd.s32 $0xFFFFE000;
	s23 =	sadd.s32 s25, s20  }
0x90: {  	[hbm4b:s23+s2] =	stream.linear.scatter [tilespmem:s26], [sflag:$0xE], $0x2000, $0x38;
	[tilespmem:$0x17400] =	vst v63  }
0x91: {  	_ =	swait.ge [sflag:s8], $0x2000  }
0x92: {  	s24 =	rddreg [dreg:$0x5];
	[sflag:s8] =	ssyncset.done $0x0  }
0x93: {  	s26 =	simm.s32 $0x10;
	[sflag:s8] =	ssyncadd.s32 $0xFFFFE000;
	s23 =	sadd.s32 s25, s24  }
0x94: {  	[hbm4b:s23+s2] =	stream.linear.scatter [tilespmem:s28], [sflag:$0xF], $0x2000, $0x38;
	[tilespmem:$0x17400] =	vst v63  }
0x95: {  	_ =	swait.ge [sflag:s26], $0x2000  }
0x96: {  	[sflag:s26] =	ssyncset.done $0x0  }
0x97: {  	s28 =	simm.s32 $0x11;
	[sflag:s26] =	ssyncadd.s32 $0xFFFFE000  }
0x98: {  	_ =	swait.ge [sflag:s28], $0x2000  }
0x99: {  	[sflag:s28] =	ssyncset.done $0x0  }
0x9a: {  	[sflag:s28] =	ssyncadd.s32 $0xFFFFE000  }
0x9b: {  	_ =	swait.ge [sflag:s4], $0x2000  }
0x9c: {  	[sflag:s4] =	ssyncset.done $0x0  }
0x9d: {  	[sflag:s4] =	ssyncadd.s32 $0xFFFFE000  }
0x9e: {  	_ =	swait.ge [sflag:s19], $0x2000  }
0x9f: {  	[sflag:s19] =	ssyncset.done $0x0  }
0xa0: {  	[sflag:s19] =	ssyncadd.s32 $0xFFFFE000  }
0xa1: {  	_ =	swait.ge [sflag:s21], $0x2000  }
0xa2: {  	[sflag:s21] =	ssyncset.done $0x0  }
0xa3: {  	s1 =	simm.s32 $0x780;
	[sflag:s21] =	ssyncadd.s32 $0xFFFFE000  }
0xa4: {  	[tilespmem:s9], [sflag:$0x6] =	stream.indirect.gather [hbm4b:s3+s18], $0x80, s1, s18, $0xb8;
	[tilespmem:$0x17400] =	vst v63  }
0xa5: {  	s5 =	simm.s32 $0x800  }
0xa6: {  	[tilespmem:s10], [sflag:$0x7] =	stream.indirect.gather [hbm4b:s3+s18], $0x80, s5, s18, $0xb8;
	[tilespmem:$0x17400] =	vst v63  }
0xa7: {  	s7 =	simm.s32 $0x880  }
0xa8: {  	[tilespmem:s11], [sflag:$0x8] =	stream.indirect.gather [hbm4b:s3+s18], $0x80, s7, s18, $0xb8;
	[tilespmem:$0x17400] =	vst v63  }
0xa9: {  	s8 =	simm.s32 $0x900  }
0xaa: {  	[tilespmem:s12], [sflag:$0x9] =	stream.indirect.gather [hbm4b:s3+s18], $0x80, s8, s18, $0xb8;
	[tilespmem:$0x17400] =	vst v63  }
0xab: {  	s20 =	simm.s32 $0x980  }
0xac: {  	[tilespmem:s14], [sflag:$0xA] =	stream.indirect.gather [hbm4b:s3+s18], $0x80, s20, s18, $0xb8;
	[tilespmem:$0x17400] =	vst v63  }
0xad: {  	_ =	swait.ge [sflag:s13], $0x2000  }
0xae: {  	[sflag:s13] =	ssyncset.done $0x0  }
0xaf: {  	s22 =	sadd.s32 $0x3C00, s22;
	[sflag:s13] =	ssyncadd.s32 $0xFFFFE000  }
0xb0: {  	[hbm4b:s22+s2] =	stream.linear.scatter [tilespmem:s9], [sflag:$0x10], $0x2000, $0x38;
	[tilespmem:$0x17400] =	vst v63  }
0xb1: {  	s0 =	simm.s32 $0x2;
	_ =	swait.ge [sflag:s15], $0x2000  }
0xb2: {  	s1 =	simm.s32 $0x3;
	s23 =	rddreg [dreg:$0xb];
	[sflag:s15] =	ssyncset.done $0x0  }
0xb3: {  	s5 =	simm.s32 $0x7400;
	[sflag:s15] =	ssyncadd.s32 $0xFFFFE000;
	s22 =	sadd.s32 s25, s23  }
0xb4: {  	[hbm4b:s22+s2] =	stream.linear.scatter [tilespmem:s10], [sflag:$0x11], $0x2000, $0x38;
	[tilespmem:$0x17400] =	vst v63  }
0xb5: {  	s7 =	simm.s32 $0x4;
	s8 =	simm.s32 $0x5;
	_ =	swait.ge [sflag:s16], $0x2000  }
0xb6: {  	s20 =	simm.s32 $0x5400;
	s24 =	rddreg [dreg:$0xa];
	[sflag:s16] =	ssyncset.done $0x0  }
0xb7: {  	s13 =	simm.s32 $0x6;
	[sflag:s16] =	ssyncadd.s32 $0xFFFFE000;
	s22 =	sadd.s32 s25, s24  }
0xb8: {  	[hbm4b:s22+s2] =	stream.linear.scatter [tilespmem:s11], [sflag:$0x12], $0x2000, $0x38;
	[tilespmem:$0x17400] =	vst v63  }
0xb9: {  	s9 =	simm.s32 $0xD400;
	s23 =	simm.s32 $0x1400;
	_ =	swait.ge [sflag:s6], $0x2000  }
0xba: {  	s15 =	simm.s32 $0x7;
	s26 =	rddreg [dreg:$0x9];
	[sflag:s6] =	ssyncset.done $0x0  }
0xbb: {  	s10 =	simm.s32 $0xF400;
	[sflag:s6] =	ssyncadd.s32 $0xFFFFE000;
	s22 =	sadd.s32 s25, s26  }
0xbc: {  	[hbm4b:s22+s2] =	stream.linear.scatter [tilespmem:s12], [sflag:$0x13], $0x2000, $0x38;
	[tilespmem:$0x17400] =	vst v63  }
0xbd: {  	s24 =	simm.s32 $0x3400;
	s16 =	simm.s32 $0x8;
	_ =	swait.ge [sflag:s17], $0x2000  }
0xbe: {  	s11 =	simm.s32 $0x11400;
	s6 =	simm.s32 $0x9;
	[sflag:s17] =	ssyncset.done $0x0  }
0xbf: {  	s12 =	simm.s32 $0x13400;
	s28 =	rddreg [dreg:$0x8];
	[sflag:s17] =	ssyncadd.s32 $0xFFFFE000  }
0xc0: {  	s22 =	sadd.s32 s25, s28;
	s25 =	sadd.s32 $0x2800, s25;
	s17 =	simm.s32 $0xA  }
.LBB2_2:
0xc1: {  	s14 =	simm.s32 $0x15400;
	s26 =	simm.s32 $0xB  }
0xc2: {  	[hbm4b:s22+s2] =	stream.linear.scatter [tilespmem:s14], [sflag:$0x14], $0x2000, $0x38;
	[tilespmem:$0x17400] =	vst v63  }
0xc3: {  	_ =	swait.ge [sflag:s26], $0x2000  }
0xc4: {  	[sflag:s26] =	ssyncset.done $0x0  }
0xc5: {  	[sflag:s26] =	ssyncadd.s32 $0xFFFFE000;
	s26 =	simm.s32 $0xC  }
0xc6: {  	_ =	swait.ge [sflag:s26], $0x2000  }
0xc7: {  	[sflag:s26] =	ssyncset.done $0x0  }
0xc8: {  	[sflag:s26] =	ssyncadd.s32 $0xFFFFE000;
	s26 =	simm.s32 $0xD  }
0xc9: {  	_ =	swait.ge [sflag:s26], $0x2000  }
0xca: {  	[sflag:s26] =	ssyncset.done $0x0  }
0xcb: {  	[sflag:s26] =	ssyncadd.s32 $0xFFFFE000;
	s26 =	simm.s32 $0xE  }
0xcc: {  	_ =	swait.ge [sflag:s26], $0x2000  }
0xcd: {  	[sflag:s26] =	ssyncset.done $0x0  }
0xce: {  	[sflag:s26] =	ssyncadd.s32 $0xFFFFE000;
	s26 =	simm.s32 $0xF  }
0xcf: {  	s22 =	smov.u32 s23;
	_ =	swait.ge [sflag:s26], $0x2000  }
0xd0: {  	s28 =	sshra.s32 s22, $0x2;
	[sflag:s26] =	ssyncset.done $0x0  }
0xd1: {  	s22 =	sadd.s32 $0x500, s28;
	[sflag:s26] =	ssyncadd.s32 $0xFFFFE000  }
0xd2: {  	[tilespmem:s24], [sflag:$0x1] =	stream.indirect.gather [hbm4b:s3+s18], $0x80, s22, s18, $0xb8;
	[tilespmem:$0x17400] =	vst v63  }
0xd3: {  	s26 =	sadd.s32 $0x580, s28  }
0xd4: {  	[tilespmem:s20], [sflag:$0x2] =	stream.indirect.gather [hbm4b:s3+s18], $0x80, s26, s18, $0xb8;
	[tilespmem:$0x17400] =	vst v63  }
0xd5: {  	s26 =	sadd.s32 $0x600, s28  }
0xd6: {  	[tilespmem:s5], [sflag:$0x3] =	stream.indirect.gather [hbm4b:s3+s18], $0x80, s26, s18, $0xb8;
	[tilespmem:$0x17400] =	vst v63  }
0xd7: {  	s26 =	sadd.s32 $0x680, s28  }
0xd8: {  	[tilespmem:s29], [sflag:$0x4] =	stream.indirect.gather [hbm4b:s3+s18], $0x80, s26, s18, $0xb8;
	[tilespmem:$0x17400] =	vst v63  }
0xd9: {  	s26 =	sadd.s32 $0x700, s28  }
0xda: {  	[tilespmem:s30], [sflag:$0x5] =	stream.indirect.gather [hbm4b:s3+s18], $0x80, s26, s18, $0xb8;
	[tilespmem:$0x17400] =	vst v63  }
0xdb: {  	_ =	swait.ge [sflag:s31], $0x2000  }
0xdc: {  	s26 =	rddreg [dreg:$0x3]  }
0xdd: {  	[sflag:s31] =	ssyncset.done $0x0;
	s22 =	sadd.s32 s25, s26  }
0xde: {  	[sflag:s31] =	ssyncadd.s32 $0xFFFFE000;
	s26 =	sadd.s32 $0x2800, s22  }
0xdf: {  	[hbm4b:s26+s2] =	stream.linear.scatter [tilespmem:s24], [sflag:$0xB], $0x2000, $0x38;
	[tilespmem:$0x17400] =	vst v63  }
0xe0: {  	_ =	swait.ge [sflag:s0], $0x2000  }
0xe1: {  	s26 =	rddreg [dreg:$0x4];
	[sflag:s0] =	ssyncset.done $0x0  }
0xe2: {  	[sflag:s0] =	ssyncadd.s32 $0xFFFFE000;
	s26 =	sadd.s32 s25, s26  }
0xe3: {  	[hbm4b:s26+s2] =	stream.linear.scatter [tilespmem:s20], [sflag:$0xC], $0x2000, $0x38;
	[tilespmem:$0x17400] =	vst v63  }
0xe4: {  	_ =	swait.ge [sflag:s1], $0x2000  }
0xe5: {  	s26 =	rddreg [dreg:$0x7];
	[sflag:s1] =	ssyncset.done $0x0  }
0xe6: {  	[sflag:s1] =	ssyncadd.s32 $0xFFFFE000;
	s26 =	sadd.s32 s25, s26  }
0xe7: {  	[hbm4b:s26+s2] =	stream.linear.scatter [tilespmem:s5], [sflag:$0xD], $0x2000, $0x38;
	[tilespmem:$0x17400] =	vst v63  }
0xe8: {  	_ =	swait.ge [sflag:s7], $0x2000  }
0xe9: {  	s26 =	rddreg [dreg:$0x6];
	[sflag:s7] =	ssyncset.done $0x0  }
0xea: {  	[sflag:s7] =	ssyncadd.s32 $0xFFFFE000;
	s26 =	sadd.s32 s25, s26  }
0xeb: {  	[hbm4b:s26+s2] =	stream.linear.scatter [tilespmem:s29], [sflag:$0xE], $0x2000, $0x38;
	[tilespmem:$0x17400] =	vst v63  }
0xec: {  	_ =	swait.ge [sflag:s8], $0x2000  }
0xed: {  	s26 =	rddreg [dreg:$0x5];
	[sflag:s8] =	ssyncset.done $0x0  }
0xee: {  	[sflag:s8] =	ssyncadd.s32 $0xFFFFE000;
	s26 =	sadd.s32 s25, s26  }
0xef: {  	[hbm4b:s26+s2] =	stream.linear.scatter [tilespmem:s30], [sflag:$0xF], $0x2000, $0x38;
	[tilespmem:$0x17400] =	vst v63  }
0xf0: {  	s26 =	simm.s32 $0x10  }
0xf1: {  	_ =	swait.ge [sflag:s26], $0x2000  }
0xf2: {  	[sflag:s26] =	ssyncset.done $0x0  }
0xf3: {  	[sflag:s26] =	ssyncadd.s32 $0xFFFFE000;
	s26 =	simm.s32 $0x11  }
0xf4: {  	_ =	swait.ge [sflag:s26], $0x2000  }
0xf5: {  	[sflag:s26] =	ssyncset.done $0x0  }
0xf6: {  	[sflag:s26] =	ssyncadd.s32 $0xFFFFE000  }
0xf7: {  	_ =	swait.ge [sflag:s4], $0x2000  }
0xf8: {  	[sflag:s4] =	ssyncset.done $0x0  }
0xf9: {  	[sflag:s4] =	ssyncadd.s32 $0xFFFFE000  }
0xfa: {  	_ =	swait.ge [sflag:s19], $0x2000  }
0xfb: {  	[sflag:s19] =	ssyncset.done $0x0  }
0xfc: {  	[sflag:s19] =	ssyncadd.s32 $0xFFFFE000  }
0xfd: {  	_ =	swait.ge [sflag:s21], $0x2000  }
0xfe: {  	[sflag:s21] =	ssyncset.done $0x0  }
0xff: {  	s26 =	sadd.s32 $0x780, s28;
	[sflag:s21] =	ssyncadd.s32 $0xFFFFE000  }
0x100: {  	[tilespmem:s9], [sflag:$0x6] =	stream.indirect.gather [hbm4b:s3+s18], $0x80, s26, s18, $0xb8;
	[tilespmem:$0x17400] =	vst v63  }
0x101: {  	s26 =	sadd.s32 $0x800, s28  }
0x102: {  	[tilespmem:s10], [sflag:$0x7] =	stream.indirect.gather [hbm4b:s3+s18], $0x80, s26, s18, $0xb8;
	[tilespmem:$0x17400] =	vst v63  }
0x103: {  	s26 =	sadd.s32 $0x880, s28  }
0x104: {  	[tilespmem:s11], [sflag:$0x8] =	stream.indirect.gather [hbm4b:s3+s18], $0x80, s26, s18, $0xb8;
	[tilespmem:$0x17400] =	vst v63  }
0x105: {  	s26 =	sadd.s32 $0x900, s28  }
0x106: {  	[tilespmem:s12], [sflag:$0x9] =	stream.indirect.gather [hbm4b:s3+s18], $0x80, s26, s18, $0xb8;
	[tilespmem:$0x17400] =	vst v63  }
0x107: {  	s26 =	sadd.s32 $0x980, s28  }
0x108: {  	[tilespmem:s14], [sflag:$0xA] =	stream.indirect.gather [hbm4b:s3+s18], $0x80, s26, s18, $0xb8;
	[tilespmem:$0x17400] =	vst v63  }
0x109: {  	_ =	swait.ge [sflag:s13], $0x2000  }
0x10a: {  	[sflag:s13] =	ssyncset.done $0x0  }
0x10b: {  	s22 =	sadd.s32 $0x3C00, s22;
	[sflag:s13] =	ssyncadd.s32 $0xFFFFE000  }
0x10c: {  	[hbm4b:s22+s2] =	stream.linear.scatter [tilespmem:s9], [sflag:$0x10], $0x2000, $0x38;
	[tilespmem:$0x17400] =	vst v63  }
0x10d: {  	_ =	swait.ge [sflag:s15], $0x2000  }
0x10e: {  	s14 =	rddreg [dreg:$0xb];
	[sflag:s15] =	ssyncset.done $0x0  }
0x10f: {  	[sflag:s15] =	ssyncadd.s32 $0xFFFFE000;
	s22 =	sadd.s32 s25, s14  }
0x110: {  	[hbm4b:s22+s2] =	stream.linear.scatter [tilespmem:s10], [sflag:$0x11], $0x2000, $0x38;
	[tilespmem:$0x17400] =	vst v63  }
0x111: {  	_ =	swait.ge [sflag:s16], $0x2000  }
0x112: {  	s26 =	rddreg [dreg:$0xa];
	[sflag:s16] =	ssyncset.done $0x0  }
0x113: {  	[sflag:s16] =	ssyncadd.s32 $0xFFFFE000;
	s22 =	sadd.s32 s25, s26  }
0x114: {  	[hbm4b:s22+s2] =	stream.linear.scatter [tilespmem:s11], [sflag:$0x12], $0x2000, $0x38;
	[tilespmem:$0x17400] =	vst v63  }
0x115: {  	_ =	swait.ge [sflag:s6], $0x2000  }
0x116: {  	p0 =	sne.s32 s23, $0xA000;
	s14 =	rddreg [dreg:$0x9];
	[sflag:s6] =	ssyncset.done $0x0  }
.Ltmp0:
0x117: {  	[sflag:s6] =	ssyncadd.s32 $0xFFFFE000;
	s22 =	sadd.s32 s25, s14;
	(pc) =	sbr.rel @p0 .LBB2_2-.Ltmp0, $4  }
0x118: {  	[hbm4b:s22+s2] =	stream.linear.scatter [tilespmem:s12], [sflag:$0x13], $0x2000, $0x38;
	[tilespmem:$0x17400] =	vst v63  }
0x119: {  	s23 =	sadd.s32 $0x1400, s23;
	_ =	swait.ge [sflag:s17], $0x2000  }
0x11a: {  	s28 =	simm.s32 $0x15400;
	[sflag:s17] =	ssyncset.done $0x0;
	s26 =	rddreg [dreg:$0x8]  }
0x11b: {  	[sflag:s17] =	ssyncadd.s32 $0xFFFFE000;
	s22 =	sadd.s32 s25, s26;
	s25 =	sadd.s32 $0x2800, s25  }
0x11c: {  	[hbm4b:s22+s2] =	stream.linear.scatter [tilespmem:s28], [sflag:$0x14], $0x2000, $0x38;
	[tilespmem:$0x17400] =	vst v63  }
0x11d: {  	s0 =	simm.s32 $0xB  }
0x11e: {  	_ =	swait.ge [sflag:s0], $0x2000  }
0x11f: {  	[sflag:s0] =	ssyncset.done $0x0  }
0x120: {  	s17 =	simm.s32 $0xC;
	[sflag:s0] =	ssyncadd.s32 $0xFFFFE000  }
0x121: {  	_ =	swait.ge [sflag:s17], $0x2000  }
0x122: {  	[sflag:s17] =	ssyncset.done $0x0  }
0x123: {  	s20 =	simm.s32 $0xD;
	[sflag:s17] =	ssyncadd.s32 $0xFFFFE000  }
0x124: {  	_ =	swait.ge [sflag:s20], $0x2000  }
0x125: {  	[sflag:s20] =	ssyncset.done $0x0  }
0x126: {  	s22 =	simm.s32 $0xE;
	[sflag:s20] =	ssyncadd.s32 $0xFFFFE000  }
0x127: {  	_ =	swait.ge [sflag:s22], $0x2000  }
0x128: {  	[sflag:s22] =	ssyncset.done $0x0  }
0x129: {  	s23 =	simm.s32 $0xF;
	[sflag:s22] =	ssyncadd.s32 $0xFFFFE000  }
0x12a: {  	_ =	swait.ge [sflag:s23], $0x2000  }
0x12b: {  	[sflag:s23] =	ssyncset.done $0x0  }
0x12c: {  	s24 =	simm.s32 $0x10;
	[sflag:s23] =	ssyncadd.s32 $0xFFFFE000  }
0x12d: {  	_ =	swait.ge [sflag:s24], $0x2000  }
0x12e: {  	[sflag:s24] =	ssyncset.done $0x0  }
0x12f: {  	s25 =	simm.s32 $0x11;
	[sflag:s24] =	ssyncadd.s32 $0xFFFFE000  }
0x130: {  	_ =	swait.ge [sflag:s25], $0x2000  }
0x131: {  	[sflag:s25] =	ssyncset.done $0x0  }
0x132: {  	[sflag:s25] =	ssyncadd.s32 $0xFFFFE000  }
0x133: {  	_ =	swait.ge [sflag:s4], $0x2000  }
0x134: {  	[sflag:s4] =	ssyncset.done $0x0  }
0x135: {  	[sflag:s4] =	ssyncadd.s32 $0xFFFFE000  }
0x136: {  	_ =	swait.ge [sflag:s19], $0x2000  }
0x137: {  	[sflag:s19] =	ssyncset.done $0x0  }
0x138: {  	[sflag:s19] =	ssyncadd.s32 $0xFFFFE000  }
0x139: {  	s5 =	simm.s32 $0x7400;
	s28 =	simm.s32 $0xB400;
	_ =	swait.ge [sflag:s21], $0x2000  }
0x13a: {  	s1 =	simm.s32 $0x3;
	s7 =	simm.s32 $0x4;
	s14 =	rddreg [dreg:$0x19]  }
0x13b: {  	s8 =	simm.s32 $0x5;
	s26 =	rddreg [dreg:$0x18];
	s14 =	sadd.s32 $0x1, s14  }
0x13c: {  	s9 =	simm.s32 $0xD400;
	s10 =	simm.s32 $0xF400;
	p0 =	sne.s32 s14, s26  }
.Ltmp1:
0x13d: {  	s11 =	simm.s32 $0x11400;
	s12 =	simm.s32 $0x13400;
	(pc) =	sbr.rel @p0 .LBB2_1-.Ltmp1, $4  }
0x13e: {  	s13 =	simm.s32 $0x6;
	s15 =	simm.s32 $0x7;
	s16 =	simm.s32 $0x8  }
0x13f: {  	s6 =	simm.s32 $0x9;
	s0 =	simm.s32 $0x2;
	s17 =	simm.s32 $0xA  }
0x140: {  	s20 =	simm.s32 $0x5400;
	s23 =	simm.s32 $0x1;
	[sflag:s21] =	ssyncset.done $0x0  }
0x141: {  	s24 =	simm.s32 $0x3400;
	[sflag:s21] =	ssyncadd.s32 $0xFFFFE000;
	s26 =	simm.s32 $0x9400  }
0x142: {  	_ =	sfence.sel $0x180000  }
0x143: {  	[bflag:$0x0] =	sbarrier.arrive $0xFFFF  }
0x144: {  	_ =	strace $0x90000047  }
0x145: {  	s0 =	stileid.u32;
	[bflag:$0x2] =	sbarrier.arrive $0xFFFF  }
0x146: {  	p0 =	sne.s32 s0, $0x0;
	s0 =	rddreg [dreg:$0x2]  }
0x147: {  	s0 =	sadd.s32 @!p0 $0x100000, s0  }
0x148: {  	[sflag:s0] =	ssyncadd.tile.s32 @!p0 $0x1;
	_ =	shalt  }
.Lfunc_end2:
_tile_overlayer_lowered:
.L_overlay_start_2:
0x149: {  	(tag) =	ssettag $0x2  }
0x14a: {  	s0 =	rddreg [dreg:$0x0];
	s2 =	stileid.u32  }
0x14b: {  	s1 =	rddreg [dreg:$0x1];
	p0 =	sne.s32 s2, $0x0  }
0x14c: {  	s3 =	rddreg [dreg:$0x2];
	[bflag:$0x3] =	sbarrier.arrive $0xFFFF;
	s2 =	simm.s32 @!p0 $0x1C15  }
0x14d: {  	[timem:s3], [sflag:s2] =	dma.local @!p0 [hbm:s0], s1  }
0x14e: {  	s0 =	simm.s32 @!p0 $0x15  }
0x14f: {  	_ =	swait.ge @!p0 [sflag:s0], s1  }
0x150: {  	s1 =	ssub.s32 @!p0 $0x0, s1;
	[sflag:s0] =	ssyncset.done @!p0 $0x0  }
0x151: {  	[sflag:s0] =	ssyncadd.s32 @!p0 s1  }
0x152: {  	[bflag:$0x3] =	sbarrier.arrive $0xFFFF  }
0x153: {  	_ =	shalt  }

</sc_bundles>
